<compile_context>
chip_gen: v7x
topology: tpu7x:2x2x1
jax: 0.10.2.dev20260603
libtpu: 0.0.44.dev20260713+nightly
codegen_flags: <defaults>
</compile_context>

<pallas_src>
import functools

import jax
import jax.numpy as jnp
from jax import lax
from jax.experimental import pallas as pl
from jax.experimental.pallas import tpu as pltpu
from jax.experimental.pallas import tpu_sc as plsc

N = 10000
M = 10
D_FEAT = 256
EMBED = 128
T = 3

NC = 2
NS = 16
NW = NC * NS
LANES = 16

U = 12
UM = U * M
SP = 128
DEPTH = 2
UPW = 236
CPW = U * UPW
R = T * T * N
RP = NW * CPW



_BP = 2000


def _proj_body(cf, df, gf, wp, bp, out):
    for t, f in enumerate((cf, df, gf)):
        acc = jnp.dot(f[...], wp[t], preferred_element_type=jnp.float32)
        out[t] = jax.nn.relu(acc + bp[t])


def _project(cell_feat, drug_feat, gene_feat, W_proj, b_proj):
    grid = (N // _BP,)
    fspec = pl.BlockSpec((_BP, D_FEAT), lambda i: (i, 0))
    return pl.pallas_call(
        _proj_body,
        grid=grid,
        in_specs=[
            fspec, fspec, fspec,
            pl.BlockSpec((T, D_FEAT, EMBED), lambda i: (0, 0, 0)),
            pl.BlockSpec((T, EMBED), lambda i: (0, 0)),
        ],
        out_specs=pl.BlockSpec((T, _BP, EMBED), lambda i: (0, i, 0)),
        out_shape=jax.ShapeDtypeStruct((T, N, EMBED), jnp.float32),
    )(cell_feat, drug_feat, gene_feat, W_proj, b_proj)



_BW = 2000


def _wnorm_body(wm_ref, wn_ref):
    wm = wm_ref[...]
    den = jnp.clip(jnp.sum(wm, axis=1, keepdims=True), 1e-6, None)
    wn_ref[...] = wm / den


def _wnorm(wm):
    grid = (R // _BW,)
    return pl.pallas_call(
        _wnorm_body,
        grid=grid,
        in_specs=[pl.BlockSpec((_BW, M), lambda i: (i, 0))],
        out_specs=pl.BlockSpec((_BW, M), lambda i: (i, 0)),
        out_shape=jax.ShapeDtypeStruct((R, M), jnp.float32),
    )(wm)




def _agg_sc(h_flat, idx, wn):
    mesh = plsc.VectorSubcoreMesh(
        core_axis_name="c", subcore_axis_name="s", num_cores=NC, num_subcores=NS
    )

    @functools.partial(
        pl.kernel,
        out_type=jax.ShapeDtypeStruct((RP * EMBED,), jnp.float32),
        mesh=mesh,
        scratch_types=[
            pltpu.VMEM((UPW * SP,), jnp.int32),
            pltpu.VMEM((CPW * M + 8,), jnp.float32),
            *[pltpu.VMEM((UM, EMBED), jnp.float32) for _ in range(DEPTH)],
            *[pltpu.VMEM((U * EMBED,), jnp.float32) for _ in range(DEPTH)],
            *[pltpu.SemaphoreType.DMA for _ in range(2 * DEPTH + 1)],
        ],
    )
    def agg_kernel(h_hbm, idx_hbm, wn_hbm, out_hbm, idx_v, wn_v, *rest):
        gbufs = rest[:DEPTH]
        obufs = rest[DEPTH:2 * DEPTH]
        gsems = rest[2 * DEPTH:3 * DEPTH]
        osems = rest[3 * DEPTH:4 * DEPTH]
        bsem = rest[4 * DEPTH]
        wid = lax.axis_index("c") * NS + lax.axis_index("s")
        wbase = wid * CPW

        pltpu.async_copy(
            idx_hbm.at[pl.ds(wid * UPW * SP, UPW * SP)], idx_v, bsem).wait()
        pltpu.async_copy(
            wn_hbm.at[pl.ds(wbase * M, CPW * M)], wn_v.at[pl.ds(0, CPW * M)], bsem
        ).wait()

        def fire_gathers(r, u):
            pltpu.async_copy(h_hbm.at[idx_v.at[pl.ds(u * SP, UM)]],
                             gbufs[r], gsems[r])

        def drain_gathers(r, u):
            pltpu.make_async_copy(h_hbm.at[idx_v.at[pl.ds(u * SP, UM)]],
                                  gbufs[r], gsems[r]).wait()

        def odst(u):
            return out_hbm.at[pl.ds((wbase + u * U) * EMBED, U * EMBED)]

        for u in range(DEPTH - 1):
            fire_gathers(u, u)

        @pl.loop(0, UPW, step=DEPTH)
        def _(u0):
            for r in range(DEPTH):
                u = u0 + r
                rn = (r + DEPTH - 1) % DEPTH

                @pl.when(u + DEPTH - 1 < UPW)
                def _():
                    fire_gathers(rn, u + DEPTH - 1)

                drain_gathers(r, u)

                @pl.when(u >= DEPTH)
                def _():
                    pltpu.make_async_copy(obufs[r], odst(u), osems[r]).wait()

                @pl.loop(0, U)
                def _(b):
                    wvec = wn_v[pl.ds(u * UM + b * M, LANES)]
                    ws = [wvec[m] for m in range(M)]
                    for c in range(EMBED // LANES):
                        sl = pl.ds(c * LANES, LANES)
                        acc = ws[0] * gbufs[r][b * M, sl]
                        for m in range(1, M):
                            acc = acc + ws[m] * gbufs[r][b * M + m, sl]
                        obufs[r][pl.ds(b * EMBED + c * LANES, LANES)] = acc

                pltpu.async_copy(obufs[r], odst(u), osems[r])

        for r in range(DEPTH):
            pltpu.make_async_copy(
                obufs[r], odst(UPW - DEPTH + r), osems[r]).wait()

    return agg_kernel(h_flat, idx, wn)



_BC = 2000


def _comb_body(h_ref, a0, a1, a2, wg, bg, out):
    cat = jnp.concatenate([h_ref[0], a0[0, 0], a1[0, 0], a2[0, 0]], axis=-1)
    acc = jnp.dot(cat, wg[0], preferred_element_type=jnp.float32)
    out[0] = jax.nn.relu(acc + bg[pl.ds(pl.program_id(0), 1), :])


def _combine(h, agg, W_gnn, b_gnn):
    grid = (T, N // _BC)
    aspec = lambda nt: pl.BlockSpec(
        (1, 1, _BC, EMBED), lambda t, i, nt=nt: (t, nt, i, 0)
    )
    return pl.pallas_call(
        _comb_body,
        grid=grid,
        in_specs=[
            pl.BlockSpec((1, _BC, EMBED), lambda t, i: (t, i, 0)),
            aspec(0), aspec(1), aspec(2),
            pl.BlockSpec((1, (1 + T) * EMBED, EMBED), lambda t, i: (t, 0, 0)),
            pl.BlockSpec((T, EMBED), lambda t, i: (0, 0)),
        ],
        out_specs=pl.BlockSpec((1, _BC, EMBED), lambda t, i: (t, i, 0)),
        out_shape=jax.ShapeDtypeStruct((T, N, EMBED), jnp.float32),
    )(h, agg, agg, agg, W_gnn, b_gnn)




@jax.jit
def kernel(cell_feat, drug_feat, gene_feat, neighbor_lids, neighbor_weights,
           neighbor_masks, W_proj, b_proj, W_gnn, b_gnn):
    h = _project(cell_feat, drug_feat, gene_feat, W_proj, b_proj)
    h_flat = h.reshape(T * N, EMBED)

    offs = (jnp.arange(T, dtype=jnp.int32) * N)[None, :, None, None]
    gidx = (neighbor_lids + offs).reshape(R * M)
    gidx = jnp.pad(gidx, (0, (RP - R) * M)).reshape(RP // U, UM)
    gidx = jnp.pad(gidx, ((0, 0), (0, SP - UM))).reshape(RP // U * SP)

    wm = (neighbor_weights * neighbor_masks.astype(jnp.float32)).reshape(R, M)
    wn = _wnorm(wm).reshape(R * M)
    wn = jnp.pad(wn, (0, (RP - R) * M))

    agg = _agg_sc(h_flat, gidx, wn)[:R * EMBED].reshape(T, T, N, EMBED)
    return _combine(h, agg, W_gnn, b_gnn)

# --- scband reference (transcript-rebuilt; emitter-appended) ---
"""Pipeline reference for scband-het-agg-88570815578775 (READ-ONLY COPY).

The authoritative reference and input builder live on the scoring server;
editing this copy changes nothing except your own understanding.
"""

import jax, jax.numpy as jnp
import numpy as np

N = 10000
M = 10
D_FEAT = 256
EMBED = 128
T = 3
N_LAYERS = 1


def setup_inputs(seed: int = 0) -> dict:
    key = jax.random.key(seed)
    ks = jax.random.split(key, 10)
    cell_feat = jax.random.normal(ks[0], (N, D_FEAT), dtype=jnp.float32)
    drug_feat = jax.random.normal(ks[1], (N, D_FEAT), dtype=jnp.float32)
    gene_feat = jax.random.normal(ks[2], (N, D_FEAT), dtype=jnp.float32)
    neighbor_lids = jax.random.randint(ks[3], (T, T, N, M), 0, N, dtype=jnp.int32)
    neighbor_weights = jax.random.uniform(ks[4], (T, T, N, M), dtype=jnp.float32)
    neighbor_masks = jnp.ones((T, T, N, M), dtype=jnp.bool_)
    # learned params: per-type feature projection (Linear->ReLU, dropout=0 eval)
    W_proj = jax.random.normal(ks[5], (T, D_FEAT, EMBED), dtype=jnp.float32) * (1.0 / np.sqrt(D_FEAT))
    b_proj = jnp.zeros((T, EMBED), dtype=jnp.float32)
    # HetGNN layer: per center-type combine of [self | agg_type0 | agg_type1 | agg_type2]
    W_gnn = jax.random.normal(ks[6], (T, (1 + T) * EMBED, EMBED), dtype=jnp.float32) * (1.0 / np.sqrt((1 + T) * EMBED))
    b_gnn = jnp.zeros((T, EMBED), dtype=jnp.float32)
    return {
        "cell_feat": cell_feat,
        "drug_feat": drug_feat,
        "gene_feat": gene_feat,
        "neighbor_lids": neighbor_lids,
        "neighbor_weights": neighbor_weights,
        "neighbor_masks": neighbor_masks,
        "W_proj": W_proj,
        "b_proj": b_proj,
        "W_gnn": W_gnn,
        "b_gnn": b_gnn,
    }


def _weighted_mean(h_nt, lids, w, mask):
    # gather neighbor embeddings: [N, M, EMBED]
    g = jnp.take(h_nt, lids, axis=0)
    wm = w * mask.astype(w.dtype)
    num = jnp.sum(g * wm[..., None], axis=1)
    den = jnp.clip(jnp.sum(wm, axis=1, keepdims=True), 1e-6, None)
    return num / den


def reference(cell_feat, drug_feat, gene_feat, neighbor_lids, neighbor_weights,
              neighbor_masks, W_proj, b_proj, W_gnn, b_gnn):
    feats = [cell_feat, drug_feat, gene_feat]
    # per-type feature projection: Linear -> ReLU (dropout disabled at eval)
    h = [jax.nn.relu(feats[t] @ W_proj[t] + b_proj[t]) for t in range(T)]
    for _ in range(N_LAYERS):
        new_h = []
        for ct in range(T):
            parts = [h[ct]]
            for nt in range(T):
                parts.append(_weighted_mean(h[nt], neighbor_lids[ct, nt],
                                            neighbor_weights[ct, nt],
                                            neighbor_masks[ct, nt]))
            cat = jnp.concatenate(parts, axis=-1)
            new_h.append(jax.nn.relu(cat @ W_gnn[ct] + b_gnn[ct]))
        h = new_h
    return jnp.stack(h, axis=0)

if __name__ == "__main__":
    import jax
    _d = setup_inputs()
    print(jax.jit(kernel)(*tuple(_d.values())))

</pallas_src>

<mosaic_0001>
#map = affine_map<(d0, d1) -> (0, 0)>
#map1 = affine_map<(d0, d1) -> (0)>
module attributes {stable_mosaic.version = 14 : i64} {
  func.func @agg_kernel(%arg0: i32, %arg1: i32, %arg2: memref<30000x128xf32, #tpu.memory_space<hbm>>, %arg3: memref<966656xi32, #tpu.memory_space<hbm>>, %arg4: memref<906240xf32, #tpu.memory_space<hbm>>, %arg5: memref<11599872xf32, #tpu.memory_space<hbm>>, %arg6: memref<30208xi32, #tpu.memory_space<vmem>>, %arg7: memref<28328xf32, #tpu.memory_space<vmem>>, %arg8: memref<120x128xf32, #tpu.memory_space<vmem>>, %arg9: memref<120x128xf32, #tpu.memory_space<vmem>>, %arg10: memref<1536xf32, #tpu.memory_space<vmem>>, %arg11: memref<1536xf32, #tpu.memory_space<vmem>>, %arg12: memref<!tpu.dma_semaphore, #tpu.memory_space<semaphore_mem>>, %arg13: memref<!tpu.dma_semaphore, #tpu.memory_space<semaphore_mem>>, %arg14: memref<!tpu.dma_semaphore, #tpu.memory_space<semaphore_mem>>, %arg15: memref<!tpu.dma_semaphore, #tpu.memory_space<semaphore_mem>>, %arg16: memref<!tpu.dma_semaphore, #tpu.memory_space<semaphore_mem>>) attributes {dimension_semantics = [#tpu.dimension_semantics<core_parallel>, #tpu.dimension_semantics<subcore_parallel>], iteration_bounds = array<i64: 2, 16>, scalar_prefetch = 0 : i64, scratch_operands = 11 : i64, tpu.core_type = #tpu.core_type<sc_vector_subcore>, window_params = [{transform_indices = #map}, {transform_indices = #map1}, {transform_indices = #map1}, {transform_indices = #map1}]} {
    %mul3A = arith.constant 16 : i32
    %mul3A_0 = arith.muli %arg0, %mul3A : i32
    %add3A = arith.addi %mul3A_0, %arg1 : i32
    %mul3A_1 = arith.constant 2832 : i32
    %mul3A_2 = arith.muli %add3A, %mul3A_1 : i32
    %mul3A_3 = arith.constant 236 : i32
    %mul3A_4 = arith.muli %add3A, %mul3A_3 : i32
    %mul3A_5 = arith.constant 128 : i32
    %mul3A_6 = arith.muli %mul3A_4, %mul3A_5 : i32
    %dma_start3A = tpu.memref_slice %arg3[%mul3A_6] : memref<966656xi32, #tpu.memory_space<hbm>> -> memref<30208xi32, #tpu.memory_space<hbm>>
    %dma_start3A_7 = tpu.memref_slice %arg3[%mul3A_6] : memref<966656xi32, #tpu.memory_space<hbm>> -> memref<30208xi32, #tpu.memory_space<hbm>>
    tpu.enqueue_dma source(%dma_start3A_7 : memref<30208xi32, #tpu.memory_space<hbm>>) target(%arg6 : memref<30208xi32, #tpu.memory_space<vmem>>) target_semaphore(%arg16 : memref<!tpu.dma_semaphore, #tpu.memory_space<semaphore_mem>>)
    %dma_wait3A = tpu.memref_slice %arg3[%mul3A_6] : memref<966656xi32, #tpu.memory_space<hbm>> -> memref<30208xi32, #tpu.memory_space<hbm>>
    %dma_wait3A_8 = tpu.memref_slice %arg3[%mul3A_6] : memref<966656xi32, #tpu.memory_space<hbm>> -> memref<30208xi32, #tpu.memory_space<hbm>>
    tpu.wait_dma2 semaphore(%arg16 : memref<!tpu.dma_semaphore, #tpu.memory_space<semaphore_mem>>) src(%dma_wait3A_8 : memref<30208xi32, #tpu.memory_space<hbm>>) dst(%arg6 : memref<30208xi32, #tpu.memory_space<vmem>>)
    %mul3A_9 = arith.constant 10 : i32
    %mul3A_10 = arith.muli %mul3A_2, %mul3A_9 : i32
    %dma_start3A_11 = arith.constant 0 : i32
    %dma_start3A_12 = tpu.memref_slice %arg7[%dma_start3A_11] : memref<28328xf32, #tpu.memory_space<vmem>> -> memref<28320xf32, #tpu.memory_space<vmem>>
    %dma_start3A_13 = tpu.memref_slice %arg4[%mul3A_10] : memref<906240xf32, #tpu.memory_space<hbm>> -> memref<28320xf32, #tpu.memory_space<hbm>>
    %dma_start3A_14 = arith.constant 0 : i32
    %dma_start3A_15 = tpu.memref_slice %arg7[%dma_start3A_14] : memref<28328xf32, #tpu.memory_space<vmem>> -> memref<28320xf32, #tpu.memory_space<vmem>>
    %dma_start3A_16 = tpu.memref_slice %arg4[%mul3A_10] : memref<906240xf32, #tpu.memory_space<hbm>> -> memref<28320xf32, #tpu.memory_space<hbm>>
    tpu.enqueue_dma source(%dma_start3A_16 : memref<28320xf32, #tpu.memory_space<hbm>>) target(%dma_start3A_15 : memref<28320xf32, #tpu.memory_space<vmem>>) target_semaphore(%arg16 : memref<!tpu.dma_semaphore, #tpu.memory_space<semaphore_mem>>)
    %dma_wait3A_17 = arith.constant 0 : i32
    %dma_wait3A_18 = tpu.memref_slice %arg7[%dma_wait3A_17] : memref<28328xf32, #tpu.memory_space<vmem>> -> memref<28320xf32, #tpu.memory_space<vmem>>
    %dma_wait3A_19 = tpu.memref_slice %arg4[%mul3A_10] : memref<906240xf32, #tpu.memory_space<hbm>> -> memref<28320xf32, #tpu.memory_space<hbm>>
    %dma_wait3A_20 = arith.constant 0 : i32
    %dma_wait3A_21 = tpu.memref_slice %arg7[%dma_wait3A_20] : memref<28328xf32, #tpu.memory_space<vmem>> -> memref<28320xf32, #tpu.memory_space<vmem>>
    %dma_wait3A_22 = tpu.memref_slice %arg4[%mul3A_10] : memref<906240xf32, #tpu.memory_space<hbm>> -> memref<28320xf32, #tpu.memory_space<hbm>>
    tpu.wait_dma2 semaphore(%arg16 : memref<!tpu.dma_semaphore, #tpu.memory_space<semaphore_mem>>) src(%dma_wait3A_22 : memref<28320xf32, #tpu.memory_space<hbm>>) dst(%dma_wait3A_21 : memref<28320xf32, #tpu.memory_space<vmem>>)
    %dma_start3A_23 = arith.constant 0 : i32
    %dma_start3A_24 = tpu.memref_slice %arg6[%dma_start3A_23] : memref<30208xi32, #tpu.memory_space<vmem>> -> memref<120xi32, #tpu.memory_space<vmem>>
    %dma_start3A_25 = arith.constant 0 : i32
    %dma_start3A_26 = arith.constant 0 : i32
    %dma_start3A_27 = tpu.memref_slice %arg2[%dma_start3A_25, %dma_start3A_26] : memref<30000x128xf32, #tpu.memory_space<hbm>> -> memref<30000x128xf32, #tpu.memory_space<hbm>>
    tpu.enqueue_indirect_dma source(%dma_start3A_27 : memref<30000x128xf32, #tpu.memory_space<hbm>>) target(%arg8 : memref<120x128xf32, #tpu.memory_space<vmem>>) offsets(%dma_start3A_24 : memref<120xi32, #tpu.memory_space<vmem>>) semaphore(%arg12 : memref<!tpu.dma_semaphore, #tpu.memory_space<semaphore_mem>>)
    %scan3A = arith.constant 0 : i32
    %scan3A_28 = arith.constant 118 : i32
    %scan3A_29 = arith.addi %scan3A, %scan3A_28 : i32
    %scan3A_30 = arith.constant 1 : i32
    scf.for %scan3A_44 = %scan3A to %scan3A_29 step %scan3A_30  : i32 {
      %mul3A_45 = arith.constant 2 : i32
      %mul3A_46 = arith.muli %scan3A_44, %mul3A_45 : i32
      %add3A_47 = arith.constant 0 : i32
      %add3A_48 = arith.addi %add3A_47, %mul3A_46 : i32
      %add3A_49 = arith.constant 0 : i32
      %add3A_50 = arith.addi %add3A_48, %add3A_49 : i32
      %add3A_51 = arith.constant 2 : i32
      %add3A_52 = arith.addi %add3A_50, %add3A_51 : i32
      %sub3A = arith.constant 1 : i32
      %sub3A_53 = arith.subi %add3A_52, %sub3A : i32
      %lt3A = arith.constant 236 : i32
      %lt3A_54 = arith.cmpi slt, %sub3A_53, %lt3A : i32
      %convert_element_type3A = arith.extui %lt3A_54 : i1 to i32
      %cond3A = arith.constant 0 : i32
      %cond3A_55 = arith.cmpi ne, %convert_element_type3A, %cond3A : i32
      scf.if %cond3A_55 {
        %add3A_112 = arith.constant 2 : i32
        %add3A_113 = arith.addi %add3A_50, %add3A_112 : i32
        %sub3A_114 = arith.constant 1 : i32
        %sub3A_115 = arith.subi %add3A_113, %sub3A_114 : i32
        %mul3A_116 = arith.constant 128 : i32
        %mul3A_117 = arith.muli %sub3A_115, %mul3A_116 : i32
        %dma_start3A_118 = tpu.memref_slice %arg6[%mul3A_117] : memref<30208xi32, #tpu.memory_space<vmem>> -> memref<120xi32, #tpu.memory_space<vmem>>
        %dma_start3A_119 = arith.constant 0 : i32
        %dma_start3A_120 = arith.constant 0 : i32
        %dma_start3A_121 = tpu.memref_slice %arg2[%dma_start3A_119, %dma_start3A_120] : memref<30000x128xf32, #tpu.memory_space<hbm>> -> memref<30000x128xf32, #tpu.memory_space<hbm>>
        tpu.enqueue_indirect_dma source(%dma_start3A_121 : memref<30000x128xf32, #tpu.memory_space<hbm>>) target(%arg9 : memref<120x128xf32, #tpu.memory_space<vmem>>) offsets(%dma_start3A_118 : memref<120xi32, #tpu.memory_space<vmem>>) semaphore(%arg13 : memref<!tpu.dma_semaphore, #tpu.memory_space<semaphore_mem>>)
      } else {
      }
      %mul3A_56 = arith.constant 128 : i32
      %mul3A_57 = arith.muli %add3A_50, %mul3A_56 : i32
      %dma_wait3A_58 = tpu.memref_slice %arg6[%mul3A_57] : memref<30208xi32, #tpu.memory_space<vmem>> -> memref<120xi32, #tpu.memory_space<vmem>>
      %dma_wait3A_59 = arith.constant 0 : i32
      %dma_wait3A_60 = arith.constant 0 : i32
      %dma_wait3A_61 = tpu.memref_slice %arg2[%dma_wait3A_59, %dma_wait3A_60] : memref<30000x128xf32, #tpu.memory_space<hbm>> -> memref<30000x128xf32, #tpu.memory_space<hbm>>
      tpu.wait_indirect_dma semaphore(%arg12 : memref<!tpu.dma_semaphore, #tpu.memory_space<semaphore_mem>>) src(%dma_wait3A_61 : memref<30000x128xf32, #tpu.memory_space<hbm>>) dst(%arg8 : memref<120x128xf32, #tpu.memory_space<vmem>>)
      %ge3A = arith.constant 2 : i32
      %ge3A_62 = arith.cmpi sge, %add3A_50, %ge3A : i32
      %convert_element_type3A_63 = arith.extui %ge3A_62 : i1 to i32
      %cond3A_64 = arith.constant 0 : i32
      %cond3A_65 = arith.cmpi ne, %convert_element_type3A_63, %cond3A_64 : i32
      scf.if %cond3A_65 {
        %mul3A_112 = arith.constant 12 : i32
        %mul3A_113 = arith.muli %add3A_50, %mul3A_112 : i32
        %add3A_114 = arith.addi %mul3A_2, %mul3A_113 : i32
        %mul3A_115 = arith.constant 128 : i32
        %mul3A_116 = arith.muli %add3A_114, %mul3A_115 : i32
        %dma_wait3A_117 = tpu.memref_slice %arg5[%mul3A_116] : memref<11599872xf32, #tpu.memory_space<hbm>> -> memref<1536xf32, #tpu.memory_space<hbm>>
        %dma_wait3A_118 = tpu.memref_slice %arg5[%mul3A_116] : memref<11599872xf32, #tpu.memory_space<hbm>> -> memref<1536xf32, #tpu.memory_space<hbm>>
        tpu.wait_dma2 semaphore(%arg14 : memref<!tpu.dma_semaphore, #tpu.memory_space<semaphore_mem>>) src(%arg10 : memref<1536xf32, #tpu.memory_space<vmem>>) dst(%dma_wait3A_118 : memref<1536xf32, #tpu.memory_space<hbm>>)
      } else {
      }
      %scan3A_66 = arith.constant 0 : i32
      %scan3A_67 = arith.constant 12 : i32
      %scan3A_68 = arith.addi %scan3A_66, %scan3A_67 : i32
      %scan3A_69 = arith.constant 1 : i32
      scf.for %scan3A_112 = %scan3A_66 to %scan3A_68 step %scan3A_69  : i32 {
        %mul3A_113 = arith.constant 1 : i32
        %mul3A_114 = arith.muli %scan3A_112, %mul3A_113 : i32
        %add3A_115 = arith.constant 0 : i32
        %add3A_116 = arith.addi %add3A_115, %mul3A_114 : i32
        %mul3A_117 = arith.constant 120 : i32
        %mul3A_118 = arith.muli %add3A_50, %mul3A_117 : i32
        %mul3A_119 = arith.constant 10 : i32
        %mul3A_120 = arith.muli %add3A_116, %mul3A_119 : i32
        %add3A_121 = arith.addi %mul3A_118, %mul3A_120 : i32
        %get3A = arith.index_cast %add3A_121 : i32 to index
        %get3A_122 = tpu.vector_load %arg7[%get3A] {strides = array<i32>} : memref<28328xf32, #tpu.memory_space<vmem>>, vector<16xf32>,
        %get3A_123 = vector.shape_cast %get3A_122 : vector<16xf32> to vector<16xf32>
        %slice3A = vector.extract_strided_slice %get3A_123 {offsets = [0], sizes = [1], strides = [1]} : vector<16xf32> to vector<1xf32>
        %squeeze3A = vector.extract %slice3A[0] : f32 from vector<1xf32>
        %slice3A_124 = vector.extract_strided_slice %get3A_123 {offsets = [1], sizes = [1], strides = [1]} : vector<16xf32> to vector<1xf32>
        %squeeze3A_125 = vector.extract %slice3A_124[0] : f32 from vector<1xf32>
        %slice3A_126 = vector.extract_strided_slice %get3A_123 {offsets = [2], sizes = [1], strides = [1]} : vector<16xf32> to vector<1xf32>
        %squeeze3A_127 = vector.extract %slice3A_126[0] : f32 from vector<1xf32>
        %slice3A_128 = vector.extract_strided_slice %get3A_123 {offsets = [3], sizes = [1], strides = [1]} : vector<16xf32> to vector<1xf32>
        %squeeze3A_129 = vector.extract %slice3A_128[0] : f32 from vector<1xf32>
        %slice3A_130 = vector.extract_strided_slice %get3A_123 {offsets = [4], sizes = [1], strides = [1]} : vector<16xf32> to vector<1xf32>
        %squeeze3A_131 = vector.extract %slice3A_130[0] : f32 from vector<1xf32>
        %slice3A_132 = vector.extract_strided_slice %get3A_123 {offsets = [5], sizes = [1], strides = [1]} : vector<16xf32> to vector<1xf32>
        %squeeze3A_133 = vector.extract %slice3A_132[0] : f32 from vector<1xf32>
        %slice3A_134 = vector.extract_strided_slice %get3A_123 {offsets = [6], sizes = [1], strides = [1]} : vector<16xf32> to vector<1xf32>
        %squeeze3A_135 = vector.extract %slice3A_134[0] : f32 from vector<1xf32>
        %slice3A_136 = vector.extract_strided_slice %get3A_123 {offsets = [7], sizes = [1], strides = [1]} : vector<16xf32> to vector<1xf32>
        %squeeze3A_137 = vector.extract %slice3A_136[0] : f32 from vector<1xf32>
        %slice3A_138 = vector.extract_strided_slice %get3A_123 {offsets = [8], sizes = [1], strides = [1]} : vector<16xf32> to vector<1xf32>
        %squeeze3A_139 = vector.extract %slice3A_138[0] : f32 from vector<1xf32>
        %slice3A_140 = vector.extract_strided_slice %get3A_123 {offsets = [9], sizes = [1], strides = [1]} : vector<16xf32> to vector<1xf32>
        %squeeze3A_141 = vector.extract %slice3A_140[0] : f32 from vector<1xf32>
        %mul3A_142 = arith.constant 10 : i32
        %mul3A_143 = arith.muli %add3A_116, %mul3A_142 : i32
        %get3A_144 = arith.index_cast %mul3A_143 : i32 to index
        %get3A_145 = arith.constant 0 : index
        %get3A_146 = tpu.vector_load %arg8[%get3A_144, %get3A_145] {strides = array<i32>} : memref<120x128xf32, #tpu.memory_space<vmem>>, vector<1x16xf32>,
        %get3A_147 = vector.shape_cast %get3A_146 : vector<1x16xf32> to vector<16xf32>
        %mul3A_148 = vector.broadcast %squeeze3A : f32 to vector<16xf32>
        %mul3A_149 = arith.mulf %mul3A_148, %get3A_147 : vector<16xf32>
        %mul3A_150 = arith.constant 10 : i32
        %mul3A_151 = arith.muli %add3A_116, %mul3A_150 : i32
        %add3A_152 = arith.constant 1 : i32
        %add3A_153 = arith.addi %mul3A_151, %add3A_152 : i32
        %get3A_154 = arith.index_cast %add3A_153 : i32 to index
        %get3A_155 = arith.constant 0 : index
        %get3A_156 = tpu.vector_load %arg8[%get3A_154, %get3A_155] {strides = array<i32>} : memref<120x128xf32, #tpu.memory_space<vmem>>, vector<1x16xf32>,
        %get3A_157 = vector.shape_cast %get3A_156 : vector<1x16xf32> to vector<16xf32>
        %mul3A_158 = vector.broadcast %squeeze3A_125 : f32 to vector<16xf32>
        %mul3A_159 = arith.mulf %mul3A_158, %get3A_157 : vector<16xf32>
        %add3A_160 = arith.addf %mul3A_149, %mul3A_159 : vector<16xf32>
        %mul3A_161 = arith.constant 10 : i32
        %mul3A_162 = arith.muli %add3A_116, %mul3A_161 : i32
        %add3A_163 = arith.constant 2 : i32
        %add3A_164 = arith.addi %mul3A_162, %add3A_163 : i32
        %get3A_165 = arith.index_cast %add3A_164 : i32 to index
        %get3A_166 = arith.constant 0 : index
        %get3A_167 = tpu.vector_load %arg8[%get3A_165, %get3A_166] {strides = array<i32>} : memref<120x128xf32, #tpu.memory_space<vmem>>, vector<1x16xf32>,
        %get3A_168 = vector.shape_cast %get3A_167 : vector<1x16xf32> to vector<16xf32>
        %mul3A_169 = vector.broadcast %squeeze3A_127 : f32 to vector<16xf32>
        %mul3A_170 = arith.mulf %mul3A_169, %get3A_168 : vector<16xf32>
        %add3A_171 = arith.addf %add3A_160, %mul3A_170 : vector<16xf32>
        %mul3A_172 = arith.constant 10 : i32
        %mul3A_173 = arith.muli %add3A_116, %mul3A_172 : i32
        %add3A_174 = arith.constant 3 : i32
        %add3A_175 = arith.addi %mul3A_173, %add3A_174 : i32
        %get3A_176 = arith.index_cast %add3A_175 : i32 to index
        %get3A_177 = arith.constant 0 : index
        %get3A_178 = tpu.vector_load %arg8[%get3A_176, %get3A_177] {strides = array<i32>} : memref<120x128xf32, #tpu.memory_space<vmem>>, vector<1x16xf32>,
        %get3A_179 = vector.shape_cast %get3A_178 : vector<1x16xf32> to vector<16xf32>
        %mul3A_180 = vector.broadcast %squeeze3A_129 : f32 to vector<16xf32>
        %mul3A_181 = arith.mulf %mul3A_180, %get3A_179 : vector<16xf32>
        %add3A_182 = arith.addf %add3A_171, %mul3A_181 : vector<16xf32>
        %mul3A_183 = arith.constant 10 : i32
        %mul3A_184 = arith.muli %add3A_116, %mul3A_183 : i32
        %add3A_185 = arith.constant 4 : i32
        %add3A_186 = arith.addi %mul3A_184, %add3A_185 : i32
        %get3A_187 = arith.index_cast %add3A_186 : i32 to index
        %get3A_188 = arith.constant 0 : index
        %get3A_189 = tpu.vector_load %arg8[%get3A_187, %get3A_188] {strides = array<i32>} : memref<120x128xf32, #tpu.memory_space<vmem>>, vector<1x16xf32>,
        %get3A_190 = vector.shape_cast %get3A_189 : vector<1x16xf32> to vector<16xf32>
        %mul3A_191 = vector.broadcast %squeeze3A_131 : f32 to vector<16xf32>
        %mul3A_192 = arith.mulf %mul3A_191, %get3A_190 : vector<16xf32>
        %add3A_193 = arith.addf %add3A_182, %mul3A_192 : vector<16xf32>
        %mul3A_194 = arith.constant 10 : i32
        %mul3A_195 = arith.muli %add3A_116, %mul3A_194 : i32
        %add3A_196 = arith.constant 5 : i32
        %add3A_197 = arith.addi %mul3A_195, %add3A_196 : i32
        %get3A_198 = arith.index_cast %add3A_197 : i32 to index
        %get3A_199 = arith.constant 0 : index
        %get3A_200 = tpu.vector_load %arg8[%get3A_198, %get3A_199] {strides = array<i32>} : memref<120x128xf32, #tpu.memory_space<vmem>>, vector<1x16xf32>,
        %get3A_201 = vector.shape_cast %get3A_200 : vector<1x16xf32> to vector<16xf32>
        %mul3A_202 = vector.broadcast %squeeze3A_133 : f32 to vector<16xf32>
        %mul3A_203 = arith.mulf %mul3A_202, %get3A_201 : vector<16xf32>
        %add3A_204 = arith.addf %add3A_193, %mul3A_203 : vector<16xf32>
        %mul3A_205 = arith.constant 10 : i32
        %mul3A_206 = arith.muli %add3A_116, %mul3A_205 : i32
        %add3A_207 = arith.constant 6 : i32
        %add3A_208 = arith.addi %mul3A_206, %add3A_207 : i32
        %get3A_209 = arith.index_cast %add3A_208 : i32 to index
        %get3A_210 = arith.constant 0 : index
        %get3A_211 = tpu.vector_load %arg8[%get3A_209, %get3A_210] {strides = array<i32>} : memref<120x128xf32, #tpu.memory_space<vmem>>, vector<1x16xf32>,
        %get3A_212 = vector.shape_cast %get3A_211 : vector<1x16xf32> to vector<16xf32>
        %mul3A_213 = vector.broadcast %squeeze3A_135 : f32 to vector<16xf32>
        %mul3A_214 = arith.mulf %mul3A_213, %get3A_212 : vector<16xf32>
        %add3A_215 = arith.addf %add3A_204, %mul3A_214 : vector<16xf32>
        %mul3A_216 = arith.constant 10 : i32
        %mul3A_217 = arith.muli %add3A_116, %mul3A_216 : i32
        %add3A_218 = arith.constant 7 : i32
        %add3A_219 = arith.addi %mul3A_217, %add3A_218 : i32
        %get3A_220 = arith.index_cast %add3A_219 : i32 to index
        %get3A_221 = arith.constant 0 : index
        %get3A_222 = tpu.vector_load %arg8[%get3A_220, %get3A_221] {strides = array<i32>} : memref<120x128xf32, #tpu.memory_space<vmem>>, vector<1x16xf32>,
        %get3A_223 = vector.shape_cast %get3A_222 : vector<1x16xf32> to vector<16xf32>
        %mul3A_224 = vector.broadcast %squeeze3A_137 : f32 to vector<16xf32>
        %mul3A_225 = arith.mulf %mul3A_224, %get3A_223 : vector<16xf32>
        %add3A_226 = arith.addf %add3A_215, %mul3A_225 : vector<16xf32>
        %mul3A_227 = arith.constant 10 : i32
        %mul3A_228 = arith.muli %add3A_116, %mul3A_227 : i32
        %add3A_229 = arith.constant 8 : i32
        %add3A_230 = arith.addi %mul3A_228, %add3A_229 : i32
        %get3A_231 = arith.index_cast %add3A_230 : i32 to index
        %get3A_232 = arith.constant 0 : index
        %get3A_233 = tpu.vector_load %arg8[%get3A_231, %get3A_232] {strides = array<i32>} : memref<120x128xf32, #tpu.memory_space<vmem>>, vector<1x16xf32>,
        %get3A_234 = vector.shape_cast %get3A_233 : vector<1x16xf32> to vector<16xf32>
        %mul3A_235 = vector.broadcast %squeeze3A_139 : f32 to vector<16xf32>
        %mul3A_236 = arith.mulf %mul3A_235, %get3A_234 : vector<16xf32>
        %add3A_237 = arith.addf %add3A_226, %mul3A_236 : vector<16xf32>
        %mul3A_238 = arith.constant 10 : i32
        %mul3A_239 = arith.muli %add3A_116, %mul3A_238 : i32
        %add3A_240 = arith.constant 9 : i32
        %add3A_241 = arith.addi %mul3A_239, %add3A_240 : i32
        %get3A_242 = arith.index_cast %add3A_241 : i32 to index
        %get3A_243 = arith.constant 0 : index
        %get3A_244 = tpu.vector_load %arg8[%get3A_242, %get3A_243] {strides = array<i32>} : memref<120x128xf32, #tpu.memory_space<vmem>>, vector<1x16xf32>,
        %get3A_245 = vector.shape_cast %get3A_244 : vector<1x16xf32> to vector<16xf32>
        %mul3A_246 = vector.broadcast %squeeze3A_141 : f32 to vector<16xf32>
        %mul3A_247 = arith.mulf %mul3A_246, %get3A_245 : vector<16xf32>
        %add3A_248 = arith.addf %add3A_237, %mul3A_247 : vector<16xf32>
        %mul3A_249 = arith.constant 128 : i32
        %mul3A_250 = arith.muli %add3A_116, %mul3A_249 : i32
        %add3A_251 = arith.constant 0 : i32
        %add3A_252 = arith.addi %mul3A_250, %add3A_251 : i32
        %swap3A = arith.index_cast %add3A_252 : i32 to index
        %swap3A_253 = tpu.vector_load %arg10[%swap3A] {strides = array<i32>} : memref<1536xf32, #tpu.memory_space<vmem>>, vector<16xf32>,
        %swap3A_254 = vector.shape_cast %swap3A_253 : vector<16xf32> to vector<16xf32>
        %swap3A_255 = vector.shape_cast %add3A_248 : vector<16xf32> to vector<16xf32>
        tpu.vector_store %arg10[%swap3A], %swap3A_255 {strides = array<i32>} : memref<1536xf32, #tpu.memory_space<vmem>>, vector<16xf32>,
        %mul3A_256 = arith.constant 10 : i32
        %mul3A_257 = arith.muli %add3A_116, %mul3A_256 : i32
        %get3A_258 = arith.index_cast %mul3A_257 : i32 to index
        %get3A_259 = arith.constant 16 : index
        %get3A_260 = tpu.vector_load %arg8[%get3A_258, %get3A_259] {strides = array<i32>} : memref<120x128xf32, #tpu.memory_space<vmem>>, vector<1x16xf32>,
        %get3A_261 = vector.shape_cast %get3A_260 : vector<1x16xf32> to vector<16xf32>
        %mul3A_262 = vector.broadcast %squeeze3A : f32 to vector<16xf32>
        %mul3A_263 = arith.mulf %mul3A_262, %get3A_261 : vector<16xf32>
        %mul3A_264 = arith.constant 10 : i32
        %mul3A_265 = arith.muli %add3A_116, %mul3A_264 : i32
        %add3A_266 = arith.constant 1 : i32
        %add3A_267 = arith.addi %mul3A_265, %add3A_266 : i32
        %get3A_268 = arith.index_cast %add3A_267 : i32 to index
        %get3A_269 = arith.constant 16 : index
        %get3A_270 = tpu.vector_load %arg8[%get3A_268, %get3A_269] {strides = array<i32>} : memref<120x128xf32, #tpu.memory_space<vmem>>, vector<1x16xf32>,
        %get3A_271 = vector.shape_cast %get3A_270 : vector<1x16xf32> to vector<16xf32>
        %mul3A_272 = vector.broadcast %squeeze3A_125 : f32 to vector<16xf32>
        %mul3A_273 = arith.mulf %mul3A_272, %get3A_271 : vector<16xf32>
        %add3A_274 = arith.addf %mul3A_263, %mul3A_273 : vector<16xf32>
        %mul3A_275 = arith.constant 10 : i32
        %mul3A_276 = arith.muli %add3A_116, %mul3A_275 : i32
        %add3A_277 = arith.constant 2 : i32
        %add3A_278 = arith.addi %mul3A_276, %add3A_277 : i32
        %get3A_279 = arith.index_cast %add3A_278 : i32 to index
        %get3A_280 = arith.constant 16 : index
        %get3A_281 = tpu.vector_load %arg8[%get3A_279, %get3A_280] {strides = array<i32>} : memref<120x128xf32, #tpu.memory_space<vmem>>, vector<1x16xf32>,
        %get3A_282 = vector.shape_cast %get3A_281 : vector<1x16xf32> to vector<16xf32>
        %mul3A_283 = vector.broadcast %squeeze3A_127 : f32 to vector<16xf32>
        %mul3A_284 = arith.mulf %mul3A_283, %get3A_282 : vector<16xf32>
        %add3A_285 = arith.addf %add3A_274, %mul3A_284 : vector<16xf32>
        %mul3A_286 = arith.constant 10 : i32
        %mul3A_287 = arith.muli %add3A_116, %mul3A_286 : i32
        %add3A_288 = arith.constant 3 : i32
        %add3A_289 = arith.addi %mul3A_287, %add3A_288 : i32
        %get3A_290 = arith.index_cast %add3A_289 : i32 to index
        %get3A_291 = arith.constant 16 : index
        %get3A_292 = tpu.vector_load %arg8[%get3A_290, %get3A_291] {strides = array<i32>} : memref<120x128xf32, #tpu.memory_space<vmem>>, vector<1x16xf32>,
        %get3A_293 = vector.shape_cast %get3A_292 : vector<1x16xf32> to vector<16xf32>
        %mul3A_294 = vector.broadcast %squeeze3A_129 : f32 to vector<16xf32>
        %mul3A_295 = arith.mulf %mul3A_294, %get3A_293 : vector<16xf32>
        %add3A_296 = arith.addf %add3A_285, %mul3A_295 : vector<16xf32>
        %mul3A_297 = arith.constant 10 : i32
        %mul3A_298 = arith.muli %add3A_116, %mul3A_297 : i32
        %add3A_299 = arith.constant 4 : i32
        %add3A_300 = arith.addi %mul3A_298, %add3A_299 : i32
        %get3A_301 = arith.index_cast %add3A_300 : i32 to index
        %get3A_302 = arith.constant 16 : index
        %get3A_303 = tpu.vector_load %arg8[%get3A_301, %get3A_302] {strides = array<i32>} : memref<120x128xf32, #tpu.memory_space<vmem>>, vector<1x16xf32>,
        %get3A_304 = vector.shape_cast %get3A_303 : vector<1x16xf32> to vector<16xf32>
        %mul3A_305 = vector.broadcast %squeeze3A_131 : f32 to vector<16xf32>
        %mul3A_306 = arith.mulf %mul3A_305, %get3A_304 : vector<16xf32>
        %add3A_307 = arith.addf %add3A_296, %mul3A_306 : vector<16xf32>
        %mul3A_308 = arith.constant 10 : i32
        %mul3A_309 = arith.muli %add3A_116, %mul3A_308 : i32
        %add3A_310 = arith.constant 5 : i32
        %add3A_311 = arith.addi %mul3A_309, %add3A_310 : i32
        %get3A_312 = arith.index_cast %add3A_311 : i32 to index
        %get3A_313 = arith.constant 16 : index
        %get3A_314 = tpu.vector_load %arg8[%get3A_312, %get3A_313] {strides = array<i32>} : memref<120x128xf32, #tpu.memory_space<vmem>>, vector<1x16xf32>,
        %get3A_315 = vector.shape_cast %get3A_314 : vector<1x16xf32> to vector<16xf32>
        %mul3A_316 = vector.broadcast %squeeze3A_133 : f32 to vector<16xf32>
        %mul3A_317 = arith.mulf %mul3A_316, %get3A_315 : vector<16xf32>
        %add3A_318 = arith.addf %add3A_307, %mul3A_317 : vector<16xf32>
        %mul3A_319 = arith.constant 10 : i32
        %mul3A_320 = arith.muli %add3A_116, %mul3A_319 : i32
        %add3A_321 = arith.constant 6 : i32
        %add3A_322 = arith.addi %mul3A_320, %add3A_321 : i32
        %get3A_323 = arith.index_cast %add3A_322 : i32 to index
        %get3A_324 = arith.constant 16 : index
        %get3A_325 = tpu.vector_load %arg8[%get3A_323, %get3A_324] {strides = array<i32>} : memref<120x128xf32, #tpu.memory_space<vmem>>, vector<1x16xf32>,
        %get3A_326 = vector.shape_cast %get3A_325 : vector<1x16xf32> to vector<16xf32>
        %mul3A_327 = vector.broadcast %squeeze3A_135 : f32 to vector<16xf32>
        %mul3A_328 = arith.mulf %mul3A_327, %get3A_326 : vector<16xf32>
        %add3A_329 = arith.addf %add3A_318, %mul3A_328 : vector<16xf32>
        %mul3A_330 = arith.constant 10 : i32
        %mul3A_331 = arith.muli %add3A_116, %mul3A_330 : i32
        %add3A_332 = arith.constant 7 : i32
        %add3A_333 = arith.addi %mul3A_331, %add3A_332 : i32
        %get3A_334 = arith.index_cast %add3A_333 : i32 to index
        %get3A_335 = arith.constant 16 : index
        %get3A_336 = tpu.vector_load %arg8[%get3A_334, %get3A_335] {strides = array<i32>} : memref<120x128xf32, #tpu.memory_space<vmem>>, vector<1x16xf32>,
        %get3A_337 = vector.shape_cast %get3A_336 : vector<1x16xf32> to vector<16xf32>
        %mul3A_338 = vector.broadcast %squeeze3A_137 : f32 to vector<16xf32>
        %mul3A_339 = arith.mulf %mul3A_338, %get3A_337 : vector<16xf32>
        %add3A_340 = arith.addf %add3A_329, %mul3A_339 : vector<16xf32>
        %mul3A_341 = arith.constant 10 : i32
        %mul3A_342 = arith.muli %add3A_116, %mul3A_341 : i32
        %add3A_343 = arith.constant 8 : i32
        %add3A_344 = arith.addi %mul3A_342, %add3A_343 : i32
        %get3A_345 = arith.index_cast %add3A_344 : i32 to index
        %get3A_346 = arith.constant 16 : index
        %get3A_347 = tpu.vector_load %arg8[%get3A_345, %get3A_346] {strides = array<i32>} : memref<120x128xf32, #tpu.memory_space<vmem>>, vector<1x16xf32>,
        %get3A_348 = vector.shape_cast %get3A_347 : vector<1x16xf32> to vector<16xf32>
        %mul3A_349 = vector.broadcast %squeeze3A_139 : f32 to vector<16xf32>
        %mul3A_350 = arith.mulf %mul3A_349, %get3A_348 : vector<16xf32>
        %add3A_351 = arith.addf %add3A_340, %mul3A_350 : vector<16xf32>
        %mul3A_352 = arith.constant 10 : i32
        %mul3A_353 = arith.muli %add3A_116, %mul3A_352 : i32
        %add3A_354 = arith.constant 9 : i32
        %add3A_355 = arith.addi %mul3A_353, %add3A_354 : i32
        %get3A_356 = arith.index_cast %add3A_355 : i32 to index
        %get3A_357 = arith.constant 16 : index
        %get3A_358 = tpu.vector_load %arg8[%get3A_356, %get3A_357] {strides = array<i32>} : memref<120x128xf32, #tpu.memory_space<vmem>>, vector<1x16xf32>,
        %get3A_359 = vector.shape_cast %get3A_358 : vector<1x16xf32> to vector<16xf32>
        %mul3A_360 = vector.broadcast %squeeze3A_141 : f32 to vector<16xf32>
        %mul3A_361 = arith.mulf %mul3A_360, %get3A_359 : vector<16xf32>
        %add3A_362 = arith.addf %add3A_351, %mul3A_361 : vector<16xf32>
        %mul3A_363 = arith.constant 128 : i32
        %mul3A_364 = arith.muli %add3A_116, %mul3A_363 : i32
        %add3A_365 = arith.constant 16 : i32
        %add3A_366 = arith.addi %mul3A_364, %add3A_365 : i32
        %swap3A_367 = arith.index_cast %add3A_366 : i32 to index
        %swap3A_368 = tpu.vector_load %arg10[%swap3A_367] {strides = array<i32>} : memref<1536xf32, #tpu.memory_space<vmem>>, vector<16xf32>,
        %swap3A_369 = vector.shape_cast %swap3A_368 : vector<16xf32> to vector<16xf32>
        %swap3A_370 = vector.shape_cast %add3A_362 : vector<16xf32> to vector<16xf32>
        tpu.vector_store %arg10[%swap3A_367], %swap3A_370 {strides = array<i32>} : memref<1536xf32, #tpu.memory_space<vmem>>, vector<16xf32>,
        %mul3A_371 = arith.constant 10 : i32
        %mul3A_372 = arith.muli %add3A_116, %mul3A_371 : i32
        %get3A_373 = arith.index_cast %mul3A_372 : i32 to index
        %get3A_374 = arith.constant 32 : index
        %get3A_375 = tpu.vector_load %arg8[%get3A_373, %get3A_374] {strides = array<i32>} : memref<120x128xf32, #tpu.memory_space<vmem>>, vector<1x16xf32>,
        %get3A_376 = vector.shape_cast %get3A_375 : vector<1x16xf32> to vector<16xf32>
        %mul3A_377 = vector.broadcast %squeeze3A : f32 to vector<16xf32>
        %mul3A_378 = arith.mulf %mul3A_377, %get3A_376 : vector<16xf32>
        %mul3A_379 = arith.constant 10 : i32
        %mul3A_380 = arith.muli %add3A_116, %mul3A_379 : i32
        %add3A_381 = arith.constant 1 : i32
        %add3A_382 = arith.addi %mul3A_380, %add3A_381 : i32
        %get3A_383 = arith.index_cast %add3A_382 : i32 to index
        %get3A_384 = arith.constant 32 : index
        %get3A_385 = tpu.vector_load %arg8[%get3A_383, %get3A_384] {strides = array<i32>} : memref<120x128xf32, #tpu.memory_space<vmem>>, vector<1x16xf32>,
        %get3A_386 = vector.shape_cast %get3A_385 : vector<1x16xf32> to vector<16xf32>
        %mul3A_387 = vector.broadcast %squeeze3A_125 : f32 to vector<16xf32>
        %mul3A_388 = arith.mulf %mul3A_387, %get3A_386 : vector<16xf32>
        %add3A_389 = arith.addf %mul3A_378, %mul3A_388 : vector<16xf32>
        %mul3A_390 = arith.constant 10 : i32
        %mul3A_391 = arith.muli %add3A_116, %mul3A_390 : i32
        %add3A_392 = arith.constant 2 : i32
        %add3A_393 = arith.addi %mul3A_391, %add3A_392 : i32
        %get3A_394 = arith.index_cast %add3A_393 : i32 to index
        %get3A_395 = arith.constant 32 : index
        %get3A_396 = tpu.vector_load %arg8[%get3A_394, %get3A_395] {strides = array<i32>} : memref<120x128xf32, #tpu.memory_space<vmem>>, vector<1x16xf32>,
        %get3A_397 = vector.shape_cast %get3A_396 : vector<1x16xf32> to vector<16xf32>
        %mul3A_398 = vector.broadcast %squeeze3A_127 : f32 to vector<16xf32>
        %mul3A_399 = arith.mulf %mul3A_398, %get3A_397 : vector<16xf32>
        %add3A_400 = arith.addf %add3A_389, %mul3A_399 : vector<16xf32>
        %mul3A_401 = arith.constant 10 : i32
        %mul3A_402 = arith.muli %add3A_116, %mul3A_401 : i32
        %add3A_403 = arith.constant 3 : i32
        %add3A_404 = arith.addi %mul3A_402, %add3A_403 : i32
        %get3A_405 = arith.index_cast %add3A_404 : i32 to index
        %get3A_406 = arith.constant 32 : index
        %get3A_407 = tpu.vector_load %arg8[%get3A_405, %get3A_406] {strides = array<i32>} : memref<120x128xf32, #tpu.memory_space<vmem>>, vector<1x16xf32>,
        %get3A_408 = vector.shape_cast %get3A_407 : vector<1x16xf32> to vector<16xf32>
        %mul3A_409 = vector.broadcast %squeeze3A_129 : f32 to vector<16xf32>
        %mul3A_410 = arith.mulf %mul3A_409, %get3A_408 : vector<16xf32>
        %add3A_411 = arith.addf %add3A_400, %mul3A_410 : vector<16xf32>
        %mul3A_412 = arith.constant 10 : i32
        %mul3A_413 = arith.muli %add3A_116, %mul3A_412 : i32
        %add3A_414 = arith.constant 4 : i32
        %add3A_415 = arith.addi %mul3A_413, %add3A_414 : i32
        %get3A_416 = arith.index_cast %add3A_415 : i32 to index
        %get3A_417 = arith.constant 32 : index
        %get3A_418 = tpu.vector_load %arg8[%get3A_416, %get3A_417] {strides = array<i32>} : memref<120x128xf32, #tpu.memory_space<vmem>>, vector<1x16xf32>,
        %get3A_419 = vector.shape_cast %get3A_418 : vector<1x16xf32> to vector<16xf32>
        %mul3A_420 = vector.broadcast %squeeze3A_131 : f32 to vector<16xf32>
        %mul3A_421 = arith.mulf %mul3A_420, %get3A_419 : vector<16xf32>
        %add3A_422 = arith.addf %add3A_411, %mul3A_421 : vector<16xf32>
        %mul3A_423 = arith.constant 10 : i32
        %mul3A_424 = arith.muli %add3A_116, %mul3A_423 : i32
        %add3A_425 = arith.constant 5 : i32
        %add3A_426 = arith.addi %mul3A_424, %add3A_425 : i32
        %get3A_427 = arith.index_cast %add3A_426 : i32 to index
        %get3A_428 = arith.constant 32 : index
        %get3A_429 = tpu.vector_load %arg8[%get3A_427, %get3A_428] {strides = array<i32>} : memref<120x128xf32, #tpu.memory_space<vmem>>, vector<1x16xf32>,
        %get3A_430 = vector.shape_cast %get3A_429 : vector<1x16xf32> to vector<16xf32>
        %mul3A_431 = vector.broadcast %squeeze3A_133 : f32 to vector<16xf32>
        %mul3A_432 = arith.mulf %mul3A_431, %get3A_430 : vector<16xf32>
        %add3A_433 = arith.addf %add3A_422, %mul3A_432 : vector<16xf32>
        %mul3A_434 = arith.constant 10 : i32
        %mul3A_435 = arith.muli %add3A_116, %mul3A_434 : i32
        %add3A_436 = arith.constant 6 : i32
        %add3A_437 = arith.addi %mul3A_435, %add3A_436 : i32
        %get3A_438 = arith.index_cast %add3A_437 : i32 to index
        %get3A_439 = arith.constant 32 : index
        %get3A_440 = tpu.vector_load %arg8[%get3A_438, %get3A_439] {strides = array<i32>} : memref<120x128xf32, #tpu.memory_space<vmem>>, vector<1x16xf32>,
        %get3A_441 = vector.shape_cast %get3A_440 : vector<1x16xf32> to vector<16xf32>
        %mul3A_442 = vector.broadcast %squeeze3A_135 : f32 to vector<16xf32>
        %mul3A_443 = arith.mulf %mul3A_442, %get3A_441 : vector<16xf32>
        %add3A_444 = arith.addf %add3A_433, %mul3A_443 : vector<16xf32>
        %mul3A_445 = arith.constant 10 : i32
        %mul3A_446 = arith.muli %add3A_116, %mul3A_445 : i32
        %add3A_447 = arith.constant 7 : i32
        %add3A_448 = arith.addi %mul3A_446, %add3A_447 : i32
        %get3A_449 = arith.index_cast %add3A_448 : i32 to index
        %get3A_450 = arith.constant 32 : index
        %get3A_451 = tpu.vector_load %arg8[%get3A_449, %get3A_450] {strides = array<i32>} : memref<120x128xf32, #tpu.memory_space<vmem>>, vector<1x16xf32>,
        %get3A_452 = vector.shape_cast %get3A_451 : vector<1x16xf32> to vector<16xf32>
        %mul3A_453 = vector.broadcast %squeeze3A_137 : f32 to vector<16xf32>
        %mul3A_454 = arith.mulf %mul3A_453, %get3A_452 : vector<16xf32>
        %add3A_455 = arith.addf %add3A_444, %mul3A_454 : vector<16xf32>
        %mul3A_456 = arith.constant 10 : i32
        %mul3A_457 = arith.muli %add3A_116, %mul3A_456 : i32
        %add3A_458 = arith.constant 8 : i32
        %add3A_459 = arith.addi %mul3A_457, %add3A_458 : i32
        %get3A_460 = arith.index_cast %add3A_459 : i32 to index
        %get3A_461 = arith.constant 32 : index
        %get3A_462 = tpu.vector_load %arg8[%get3A_460, %get3A_461] {strides = array<i32>} : memref<120x128xf32, #tpu.memory_space<vmem>>, vector<1x16xf32>,
        %get3A_463 = vector.shape_cast %get3A_462 : vector<1x16xf32> to vector<16xf32>
        %mul3A_464 = vector.broadcast %squeeze3A_139 : f32 to vector<16xf32>
        %mul3A_465 = arith.mulf %mul3A_464, %get3A_463 : vector<16xf32>
        %add3A_466 = arith.addf %add3A_455, %mul3A_465 : vector<16xf32>
        %mul3A_467 = arith.constant 10 : i32
        %mul3A_468 = arith.muli %add3A_116, %mul3A_467 : i32
        %add3A_469 = arith.constant 9 : i32
        %add3A_470 = arith.addi %mul3A_468, %add3A_469 : i32
        %get3A_471 = arith.index_cast %add3A_470 : i32 to index
        %get3A_472 = arith.constant 32 : index
        %get3A_473 = tpu.vector_load %arg8[%get3A_471, %get3A_472] {strides = array<i32>} : memref<120x128xf32, #tpu.memory_space<vmem>>, vector<1x16xf32>,
        %get3A_474 = vector.shape_cast %get3A_473 : vector<1x16xf32> to vector<16xf32>
        %mul3A_475 = vector.broadcast %squeeze3A_141 : f32 to vector<16xf32>
        %mul3A_476 = arith.mulf %mul3A_475, %get3A_474 : vector<16xf32>
        %add3A_477 = arith.addf %add3A_466, %mul3A_476 : vector<16xf32>
        %mul3A_478 = arith.constant 128 : i32
        %mul3A_479 = arith.muli %add3A_116, %mul3A_478 : i32
        %add3A_480 = arith.constant 32 : i32
        %add3A_481 = arith.addi %mul3A_479, %add3A_480 : i32
        %swap3A_482 = arith.index_cast %add3A_481 : i32 to index
        %swap3A_483 = tpu.vector_load %arg10[%swap3A_482] {strides = array<i32>} : memref<1536xf32, #tpu.memory_space<vmem>>, vector<16xf32>,
        %swap3A_484 = vector.shape_cast %swap3A_483 : vector<16xf32> to vector<16xf32>
        %swap3A_485 = vector.shape_cast %add3A_477 : vector<16xf32> to vector<16xf32>
        tpu.vector_store %arg10[%swap3A_482], %swap3A_485 {strides = array<i32>} : memref<1536xf32, #tpu.memory_space<vmem>>, vector<16xf32>,
        %mul3A_486 = arith.constant 10 : i32
        %mul3A_487 = arith.muli %add3A_116, %mul3A_486 : i32
        %get3A_488 = arith.index_cast %mul3A_487 : i32 to index
        %get3A_489 = arith.constant 48 : index
        %get3A_490 = tpu.vector_load %arg8[%get3A_488, %get3A_489] {strides = array<i32>} : memref<120x128xf32, #tpu.memory_space<vmem>>, vector<1x16xf32>,
        %get3A_491 = vector.shape_cast %get3A_490 : vector<1x16xf32> to vector<16xf32>
        %mul3A_492 = vector.broadcast %squeeze3A : f32 to vector<16xf32>
        %mul3A_493 = arith.mulf %mul3A_492, %get3A_491 : vector<16xf32>
        %mul3A_494 = arith.constant 10 : i32
        %mul3A_495 = arith.muli %add3A_116, %mul3A_494 : i32
        %add3A_496 = arith.constant 1 : i32
        %add3A_497 = arith.addi %mul3A_495, %add3A_496 : i32
        %get3A_498 = arith.index_cast %add3A_497 : i32 to index
        %get3A_499 = arith.constant 48 : index
        %get3A_500 = tpu.vector_load %arg8[%get3A_498, %get3A_499] {strides = array<i32>} : memref<120x128xf32, #tpu.memory_space<vmem>>, vector<1x16xf32>,
        %get3A_501 = vector.shape_cast %get3A_500 : vector<1x16xf32> to vector<16xf32>
        %mul3A_502 = vector.broadcast %squeeze3A_125 : f32 to vector<16xf32>
        %mul3A_503 = arith.mulf %mul3A_502, %get3A_501 : vector<16xf32>
        %add3A_504 = arith.addf %mul3A_493, %mul3A_503 : vector<16xf32>
        %mul3A_505 = arith.constant 10 : i32
        %mul3A_506 = arith.muli %add3A_116, %mul3A_505 : i32
        %add3A_507 = arith.constant 2 : i32
        %add3A_508 = arith.addi %mul3A_506, %add3A_507 : i32
        %get3A_509 = arith.index_cast %add3A_508 : i32 to index
        %get3A_510 = arith.constant 48 : index
        %get3A_511 = tpu.vector_load %arg8[%get3A_509, %get3A_510] {strides = array<i32>} : memref<120x128xf32, #tpu.memory_space<vmem>>, vector<1x16xf32>,
        %get3A_512 = vector.shape_cast %get3A_511 : vector<1x16xf32> to vector<16xf32>
        %mul3A_513 = vector.broadcast %squeeze3A_127 : f32 to vector<16xf32>
        %mul3A_514 = arith.mulf %mul3A_513, %get3A_512 : vector<16xf32>
        %add3A_515 = arith.addf %add3A_504, %mul3A_514 : vector<16xf32>
        %mul3A_516 = arith.constant 10 : i32
        %mul3A_517 = arith.muli %add3A_116, %mul3A_516 : i32
        %add3A_518 = arith.constant 3 : i32
        %add3A_519 = arith.addi %mul3A_517, %add3A_518 : i32
        %get3A_520 = arith.index_cast %add3A_519 : i32 to index
        %get3A_521 = arith.constant 48 : index
        %get3A_522 = tpu.vector_load %arg8[%get3A_520, %get3A_521] {strides = array<i32>} : memref<120x128xf32, #tpu.memory_space<vmem>>, vector<1x16xf32>,
        %get3A_523 = vector.shape_cast %get3A_522 : vector<1x16xf32> to vector<16xf32>
        %mul3A_524 = vector.broadcast %squeeze3A_129 : f32 to vector<16xf32>
        %mul3A_525 = arith.mulf %mul3A_524, %get3A_523 : vector<16xf32>
        %add3A_526 = arith.addf %add3A_515, %mul3A_525 : vector<16xf32>
        %mul3A_527 = arith.constant 10 : i32
        %mul3A_528 = arith.muli %add3A_116, %mul3A_527 : i32
        %add3A_529 = arith.constant 4 : i32
        %add3A_530 = arith.addi %mul3A_528, %add3A_529 : i32
        %get3A_531 = arith.index_cast %add3A_530 : i32 to index
        %get3A_532 = arith.constant 48 : index
        %get3A_533 = tpu.vector_load %arg8[%get3A_531, %get3A_532] {strides = array<i32>} : memref<120x128xf32, #tpu.memory_space<vmem>>, vector<1x16xf32>,
        %get3A_534 = vector.shape_cast %get3A_533 : vector<1x16xf32> to vector<16xf32>
        %mul3A_535 = vector.broadcast %squeeze3A_131 : f32 to vector<16xf32>
        %mul3A_536 = arith.mulf %mul3A_535, %get3A_534 : vector<16xf32>
        %add3A_537 = arith.addf %add3A_526, %mul3A_536 : vector<16xf32>
        %mul3A_538 = arith.constant 10 : i32
        %mul3A_539 = arith.muli %add3A_116, %mul3A_538 : i32
        %add3A_540 = arith.constant 5 : i32
        %add3A_541 = arith.addi %mul3A_539, %add3A_540 : i32
        %get3A_542 = arith.index_cast %add3A_541 : i32 to index
        %get3A_543 = arith.constant 48 : index
        %get3A_544 = tpu.vector_load %arg8[%get3A_542, %get3A_543] {strides = array<i32>} : memref<120x128xf32, #tpu.memory_space<vmem>>, vector<1x16xf32>,
        %get3A_545 = vector.shape_cast %get3A_544 : vector<1x16xf32> to vector<16xf32>
        %mul3A_546 = vector.broadcast %squeeze3A_133 : f32 to vector<16xf32>
        %mul3A_547 = arith.mulf %mul3A_546, %get3A_545 : vector<16xf32>
        %add3A_548 = arith.addf %add3A_537, %mul3A_547 : vector<16xf32>
        %mul3A_549 = arith.constant 10 : i32
        %mul3A_550 = arith.muli %add3A_116, %mul3A_549 : i32
        %add3A_551 = arith.constant 6 : i32
        %add3A_552 = arith.addi %mul3A_550, %add3A_551 : i32
        %get3A_553 = arith.index_cast %add3A_552 : i32 to index
        %get3A_554 = arith.constant 48 : index
        %get3A_555 = tpu.vector_load %arg8[%get3A_553, %get3A_554] {strides = array<i32>} : memref<120x128xf32, #tpu.memory_space<vmem>>, vector<1x16xf32>,
        %get3A_556 = vector.shape_cast %get3A_555 : vector<1x16xf32> to vector<16xf32>
        %mul3A_557 = vector.broadcast %squeeze3A_135 : f32 to vector<16xf32>
        %mul3A_558 = arith.mulf %mul3A_557, %get3A_556 : vector<16xf32>
        %add3A_559 = arith.addf %add3A_548, %mul3A_558 : vector<16xf32>
        %mul3A_560 = arith.constant 10 : i32
        %mul3A_561 = arith.muli %add3A_116, %mul3A_560 : i32
        %add3A_562 = arith.constant 7 : i32
        %add3A_563 = arith.addi %mul3A_561, %add3A_562 : i32
        %get3A_564 = arith.index_cast %add3A_563 : i32 to index
        %get3A_565 = arith.constant 48 : index
        %get3A_566 = tpu.vector_load %arg8[%get3A_564, %get3A_565] {strides = array<i32>} : memref<120x128xf32, #tpu.memory_space<vmem>>, vector<1x16xf32>,
        %get3A_567 = vector.shape_cast %get3A_566 : vector<1x16xf32> to vector<16xf32>
        %mul3A_568 = vector.broadcast %squeeze3A_137 : f32 to vector<16xf32>
        %mul3A_569 = arith.mulf %mul3A_568, %get3A_567 : vector<16xf32>
        %add3A_570 = arith.addf %add3A_559, %mul3A_569 : vector<16xf32>
        %mul3A_571 = arith.constant 10 : i32
        %mul3A_572 = arith.muli %add3A_116, %mul3A_571 : i32
        %add3A_573 = arith.constant 8 : i32
        %add3A_574 = arith.addi %mul3A_572, %add3A_573 : i32
        %get3A_575 = arith.index_cast %add3A_574 : i32 to index
        %get3A_576 = arith.constant 48 : index
        %get3A_577 = tpu.vector_load %arg8[%get3A_575, %get3A_576] {strides = array<i32>} : memref<120x128xf32, #tpu.memory_space<vmem>>, vector<1x16xf32>,
        %get3A_578 = vector.shape_cast %get3A_577 : vector<1x16xf32> to vector<16xf32>
        %mul3A_579 = vector.broadcast %squeeze3A_139 : f32 to vector<16xf32>
        %mul3A_580 = arith.mulf %mul3A_579, %get3A_578 : vector<16xf32>
        %add3A_581 = arith.addf %add3A_570, %mul3A_580 : vector<16xf32>
        %mul3A_582 = arith.constant 10 : i32
        %mul3A_583 = arith.muli %add3A_116, %mul3A_582 : i32
        %add3A_584 = arith.constant 9 : i32
        %add3A_585 = arith.addi %mul3A_583, %add3A_584 : i32
        %get3A_586 = arith.index_cast %add3A_585 : i32 to index
        %get3A_587 = arith.constant 48 : index
        %get3A_588 = tpu.vector_load %arg8[%get3A_586, %get3A_587] {strides = array<i32>} : memref<120x128xf32, #tpu.memory_space<vmem>>, vector<1x16xf32>,
        %get3A_589 = vector.shape_cast %get3A_588 : vector<1x16xf32> to vector<16xf32>
        %mul3A_590 = vector.broadcast %squeeze3A_141 : f32 to vector<16xf32>
        %mul3A_591 = arith.mulf %mul3A_590, %get3A_589 : vector<16xf32>
        %add3A_592 = arith.addf %add3A_581, %mul3A_591 : vector<16xf32>
        %mul3A_593 = arith.constant 128 : i32
        %mul3A_594 = arith.muli %add3A_116, %mul3A_593 : i32
        %add3A_595 = arith.constant 48 : i32
        %add3A_596 = arith.addi %mul3A_594, %add3A_595 : i32
        %swap3A_597 = arith.index_cast %add3A_596 : i32 to index
        %swap3A_598 = tpu.vector_load %arg10[%swap3A_597] {strides = array<i32>} : memref<1536xf32, #tpu.memory_space<vmem>>, vector<16xf32>,
        %swap3A_599 = vector.shape_cast %swap3A_598 : vector<16xf32> to vector<16xf32>
        %swap3A_600 = vector.shape_cast %add3A_592 : vector<16xf32> to vector<16xf32>
        tpu.vector_store %arg10[%swap3A_597], %swap3A_600 {strides = array<i32>} : memref<1536xf32, #tpu.memory_space<vmem>>, vector<16xf32>,
        %mul3A_601 = arith.constant 10 : i32
        %mul3A_602 = arith.muli %add3A_116, %mul3A_601 : i32
        %get3A_603 = arith.index_cast %mul3A_602 : i32 to index
        %get3A_604 = arith.constant 64 : index
        %get3A_605 = tpu.vector_load %arg8[%get3A_603, %get3A_604] {strides = array<i32>} : memref<120x128xf32, #tpu.memory_space<vmem>>, vector<1x16xf32>,
        %get3A_606 = vector.shape_cast %get3A_605 : vector<1x16xf32> to vector<16xf32>
        %mul3A_607 = vector.broadcast %squeeze3A : f32 to vector<16xf32>
        %mul3A_608 = arith.mulf %mul3A_607, %get3A_606 : vector<16xf32>
        %mul3A_609 = arith.constant 10 : i32
        %mul3A_610 = arith.muli %add3A_116, %mul3A_609 : i32
        %add3A_611 = arith.constant 1 : i32
        %add3A_612 = arith.addi %mul3A_610, %add3A_611 : i32
        %get3A_613 = arith.index_cast %add3A_612 : i32 to index
        %get3A_614 = arith.constant 64 : index
        %get3A_615 = tpu.vector_load %arg8[%get3A_613, %get3A_614] {strides = array<i32>} : memref<120x128xf32, #tpu.memory_space<vmem>>, vector<1x16xf32>,
        %get3A_616 = vector.shape_cast %get3A_615 : vector<1x16xf32> to vector<16xf32>
        %mul3A_617 = vector.broadcast %squeeze3A_125 : f32 to vector<16xf32>
        %mul3A_618 = arith.mulf %mul3A_617, %get3A_616 : vector<16xf32>
        %add3A_619 = arith.addf %mul3A_608, %mul3A_618 : vector<16xf32>
        %mul3A_620 = arith.constant 10 : i32
        %mul3A_621 = arith.muli %add3A_116, %mul3A_620 : i32
        %add3A_622 = arith.constant 2 : i32
        %add3A_623 = arith.addi %mul3A_621, %add3A_622 : i32
        %get3A_624 = arith.index_cast %add3A_623 : i32 to index
        %get3A_625 = arith.constant 64 : index
        %get3A_626 = tpu.vector_load %arg8[%get3A_624, %get3A_625] {strides = array<i32>} : memref<120x128xf32, #tpu.memory_space<vmem>>, vector<1x16xf32>,
        %get3A_627 = vector.shape_cast %get3A_626 : vector<1x16xf32> to vector<16xf32>
        %mul3A_628 = vector.broadcast %squeeze3A_127 : f32 to vector<16xf32>
        %mul3A_629 = arith.mulf %mul3A_628, %get3A_627 : vector<16xf32>
        %add3A_630 = arith.addf %add3A_619, %mul3A_629 : vector<16xf32>
        %mul3A_631 = arith.constant 10 : i32
        %mul3A_632 = arith.muli %add3A_116, %mul3A_631 : i32
        %add3A_633 = arith.constant 3 : i32
        %add3A_634 = arith.addi %mul3A_632, %add3A_633 : i32
        %get3A_635 = arith.index_cast %add3A_634 : i32 to index
        %get3A_636 = arith.constant 64 : index
        %get3A_637 = tpu.vector_load %arg8[%get3A_635, %get3A_636] {strides = array<i32>} : memref<120x128xf32, #tpu.memory_space<vmem>>, vector<1x16xf32>,
        %get3A_638 = vector.shape_cast %get3A_637 : vector<1x16xf32> to vector<16xf32>
        %mul3A_639 = vector.broadcast %squeeze3A_129 : f32 to vector<16xf32>
        %mul3A_640 = arith.mulf %mul3A_639, %get3A_638 : vector<16xf32>
        %add3A_641 = arith.addf %add3A_630, %mul3A_640 : vector<16xf32>
        %mul3A_642 = arith.constant 10 : i32
        %mul3A_643 = arith.muli %add3A_116, %mul3A_642 : i32
        %add3A_644 = arith.constant 4 : i32
        %add3A_645 = arith.addi %mul3A_643, %add3A_644 : i32
        %get3A_646 = arith.index_cast %add3A_645 : i32 to index
        %get3A_647 = arith.constant 64 : index
        %get3A_648 = tpu.vector_load %arg8[%get3A_646, %get3A_647] {strides = array<i32>} : memref<120x128xf32, #tpu.memory_space<vmem>>, vector<1x16xf32>,
        %get3A_649 = vector.shape_cast %get3A_648 : vector<1x16xf32> to vector<16xf32>
        %mul3A_650 = vector.broadcast %squeeze3A_131 : f32 to vector<16xf32>
        %mul3A_651 = arith.mulf %mul3A_650, %get3A_649 : vector<16xf32>
        %add3A_652 = arith.addf %add3A_641, %mul3A_651 : vector<16xf32>
        %mul3A_653 = arith.constant 10 : i32
        %mul3A_654 = arith.muli %add3A_116, %mul3A_653 : i32
        %add3A_655 = arith.constant 5 : i32
        %add3A_656 = arith.addi %mul3A_654, %add3A_655 : i32
        %get3A_657 = arith.index_cast %add3A_656 : i32 to index
        %get3A_658 = arith.constant 64 : index
        %get3A_659 = tpu.vector_load %arg8[%get3A_657, %get3A_658] {strides = array<i32>} : memref<120x128xf32, #tpu.memory_space<vmem>>, vector<1x16xf32>,
        %get3A_660 = vector.shape_cast %get3A_659 : vector<1x16xf32> to vector<16xf32>
        %mul3A_661 = vector.broadcast %squeeze3A_133 : f32 to vector<16xf32>
        %mul3A_662 = arith.mulf %mul3A_661, %get3A_660 : vector<16xf32>
        %add3A_663 = arith.addf %add3A_652, %mul3A_662 : vector<16xf32>
        %mul3A_664 = arith.constant 10 : i32
        %mul3A_665 = arith.muli %add3A_116, %mul3A_664 : i32
        %add3A_666 = arith.constant 6 : i32
        %add3A_667 = arith.addi %mul3A_665, %add3A_666 : i32
        %get3A_668 = arith.index_cast %add3A_667 : i32 to index
        %get3A_669 = arith.constant 64 : index
        %get3A_670 = tpu.vector_load %arg8[%get3A_668, %get3A_669] {strides = array<i32>} : memref<120x128xf32, #tpu.memory_space<vmem>>, vector<1x16xf32>,
        %get3A_671 = vector.shape_cast %get3A_670 : vector<1x16xf32> to vector<16xf32>
        %mul3A_672 = vector.broadcast %squeeze3A_135 : f32 to vector<16xf32>
        %mul3A_673 = arith.mulf %mul3A_672, %get3A_671 : vector<16xf32>
        %add3A_674 = arith.addf %add3A_663, %mul3A_673 : vector<16xf32>
        %mul3A_675 = arith.constant 10 : i32
        %mul3A_676 = arith.muli %add3A_116, %mul3A_675 : i32
        %add3A_677 = arith.constant 7 : i32
        %add3A_678 = arith.addi %mul3A_676, %add3A_677 : i32
        %get3A_679 = arith.index_cast %add3A_678 : i32 to index
        %get3A_680 = arith.constant 64 : index
        %get3A_681 = tpu.vector_load %arg8[%get3A_679, %get3A_680] {strides = array<i32>} : memref<120x128xf32, #tpu.memory_space<vmem>>, vector<1x16xf32>,
        %get3A_682 = vector.shape_cast %get3A_681 : vector<1x16xf32> to vector<16xf32>
        %mul3A_683 = vector.broadcast %squeeze3A_137 : f32 to vector<16xf32>
        %mul3A_684 = arith.mulf %mul3A_683, %get3A_682 : vector<16xf32>
        %add3A_685 = arith.addf %add3A_674, %mul3A_684 : vector<16xf32>
        %mul3A_686 = arith.constant 10 : i32
        %mul3A_687 = arith.muli %add3A_116, %mul3A_686 : i32
        %add3A_688 = arith.constant 8 : i32
        %add3A_689 = arith.addi %mul3A_687, %add3A_688 : i32
        %get3A_690 = arith.index_cast %add3A_689 : i32 to index
        %get3A_691 = arith.constant 64 : index
        %get3A_692 = tpu.vector_load %arg8[%get3A_690, %get3A_691] {strides = array<i32>} : memref<120x128xf32, #tpu.memory_space<vmem>>, vector<1x16xf32>,
        %get3A_693 = vector.shape_cast %get3A_692 : vector<1x16xf32> to vector<16xf32>
        %mul3A_694 = vector.broadcast %squeeze3A_139 : f32 to vector<16xf32>
        %mul3A_695 = arith.mulf %mul3A_694, %get3A_693 : vector<16xf32>
        %add3A_696 = arith.addf %add3A_685, %mul3A_695 : vector<16xf32>
        %mul3A_697 = arith.constant 10 : i32
        %mul3A_698 = arith.muli %add3A_116, %mul3A_697 : i32
        %add3A_699 = arith.constant 9 : i32
        %add3A_700 = arith.addi %mul3A_698, %add3A_699 : i32
        %get3A_701 = arith.index_cast %add3A_700 : i32 to index
        %get3A_702 = arith.constant 64 : index
        %get3A_703 = tpu.vector_load %arg8[%get3A_701, %get3A_702] {strides = array<i32>} : memref<120x128xf32, #tpu.memory_space<vmem>>, vector<1x16xf32>,
        %get3A_704 = vector.shape_cast %get3A_703 : vector<1x16xf32> to vector<16xf32>
        %mul3A_705 = vector.broadcast %squeeze3A_141 : f32 to vector<16xf32>
        %mul3A_706 = arith.mulf %mul3A_705, %get3A_704 : vector<16xf32>
        %add3A_707 = arith.addf %add3A_696, %mul3A_706 : vector<16xf32>
        %mul3A_708 = arith.constant 128 : i32
        %mul3A_709 = arith.muli %add3A_116, %mul3A_708 : i32
        %add3A_710 = arith.constant 64 : i32
        %add3A_711 = arith.addi %mul3A_709, %add3A_710 : i32
        %swap3A_712 = arith.index_cast %add3A_711 : i32 to index
        %swap3A_713 = tpu.vector_load %arg10[%swap3A_712] {strides = array<i32>} : memref<1536xf32, #tpu.memory_space<vmem>>, vector<16xf32>,
        %swap3A_714 = vector.shape_cast %swap3A_713 : vector<16xf32> to vector<16xf32>
        %swap3A_715 = vector.shape_cast %add3A_707 : vector<16xf32> to vector<16xf32>
        tpu.vector_store %arg10[%swap3A_712], %swap3A_715 {strides = array<i32>} : memref<1536xf32, #tpu.memory_space<vmem>>, vector<16xf32>,
        %mul3A_716 = arith.constant 10 : i32
        %mul3A_717 = arith.muli %add3A_116, %mul3A_716 : i32
        %get3A_718 = arith.index_cast %mul3A_717 : i32 to index
        %get3A_719 = arith.constant 80 : index
        %get3A_720 = tpu.vector_load %arg8[%get3A_718, %get3A_719] {strides = array<i32>} : memref<120x128xf32, #tpu.memory_space<vmem>>, vector<1x16xf32>,
        %get3A_721 = vector.shape_cast %get3A_720 : vector<1x16xf32> to vector<16xf32>
        %mul3A_722 = vector.broadcast %squeeze3A : f32 to vector<16xf32>
        %mul3A_723 = arith.mulf %mul3A_722, %get3A_721 : vector<16xf32>
        %mul3A_724 = arith.constant 10 : i32
        %mul3A_725 = arith.muli %add3A_116, %mul3A_724 : i32
        %add3A_726 = arith.constant 1 : i32
        %add3A_727 = arith.addi %mul3A_725, %add3A_726 : i32
        %get3A_728 = arith.index_cast %add3A_727 : i32 to index
        %get3A_729 = arith.constant 80 : index
        %get3A_730 = tpu.vector_load %arg8[%get3A_728, %get3A_729] {strides = array<i32>} : memref<120x128xf32, #tpu.memory_space<vmem>>, vector<1x16xf32>,
        %get3A_731 = vector.shape_cast %get3A_730 : vector<1x16xf32> to vector<16xf32>
        %mul3A_732 = vector.broadcast %squeeze3A_125 : f32 to vector<16xf32>
        %mul3A_733 = arith.mulf %mul3A_732, %get3A_731 : vector<16xf32>
        %add3A_734 = arith.addf %mul3A_723, %mul3A_733 : vector<16xf32>
        %mul3A_735 = arith.constant 10 : i32
        %mul3A_736 = arith.muli %add3A_116, %mul3A_735 : i32
        %add3A_737 = arith.constant 2 : i32
        %add3A_738 = arith.addi %mul3A_736, %add3A_737 : i32
        %get3A_739 = arith.index_cast %add3A_738 : i32 to index
        %get3A_740 = arith.constant 80 : index
        %get3A_741 = tpu.vector_load %arg8[%get3A_739, %get3A_740] {strides = array<i32>} : memref<120x128xf32, #tpu.memory_space<vmem>>, vector<1x16xf32>,
        %get3A_742 = vector.shape_cast %get3A_741 : vector<1x16xf32> to vector<16xf32>
        %mul3A_743 = vector.broadcast %squeeze3A_127 : f32 to vector<16xf32>
        %mul3A_744 = arith.mulf %mul3A_743, %get3A_742 : vector<16xf32>
        %add3A_745 = arith.addf %add3A_734, %mul3A_744 : vector<16xf32>
        %mul3A_746 = arith.constant 10 : i32
        %mul3A_747 = arith.muli %add3A_116, %mul3A_746 : i32
        %add3A_748 = arith.constant 3 : i32
        %add3A_749 = arith.addi %mul3A_747, %add3A_748 : i32
        %get3A_750 = arith.index_cast %add3A_749 : i32 to index
        %get3A_751 = arith.constant 80 : index
        %get3A_752 = tpu.vector_load %arg8[%get3A_750, %get3A_751] {strides = array<i32>} : memref<120x128xf32, #tpu.memory_space<vmem>>, vector<1x16xf32>,
        %get3A_753 = vector.shape_cast %get3A_752 : vector<1x16xf32> to vector<16xf32>
        %mul3A_754 = vector.broadcast %squeeze3A_129 : f32 to vector<16xf32>
        %mul3A_755 = arith.mulf %mul3A_754, %get3A_753 : vector<16xf32>
        %add3A_756 = arith.addf %add3A_745, %mul3A_755 : vector<16xf32>
        %mul3A_757 = arith.constant 10 : i32
        %mul3A_758 = arith.muli %add3A_116, %mul3A_757 : i32
        %add3A_759 = arith.constant 4 : i32
        %add3A_760 = arith.addi %mul3A_758, %add3A_759 : i32
        %get3A_761 = arith.index_cast %add3A_760 : i32 to index
        %get3A_762 = arith.constant 80 : index
        %get3A_763 = tpu.vector_load %arg8[%get3A_761, %get3A_762] {strides = array<i32>} : memref<120x128xf32, #tpu.memory_space<vmem>>, vector<1x16xf32>,
        %get3A_764 = vector.shape_cast %get3A_763 : vector<1x16xf32> to vector<16xf32>
        %mul3A_765 = vector.broadcast %squeeze3A_131 : f32 to vector<16xf32>
        %mul3A_766 = arith.mulf %mul3A_765, %get3A_764 : vector<16xf32>
        %add3A_767 = arith.addf %add3A_756, %mul3A_766 : vector<16xf32>
        %mul3A_768 = arith.constant 10 : i32
        %mul3A_769 = arith.muli %add3A_116, %mul3A_768 : i32
        %add3A_770 = arith.constant 5 : i32
        %add3A_771 = arith.addi %mul3A_769, %add3A_770 : i32
        %get3A_772 = arith.index_cast %add3A_771 : i32 to index
        %get3A_773 = arith.constant 80 : index
        %get3A_774 = tpu.vector_load %arg8[%get3A_772, %get3A_773] {strides = array<i32>} : memref<120x128xf32, #tpu.memory_space<vmem>>, vector<1x16xf32>,
        %get3A_775 = vector.shape_cast %get3A_774 : vector<1x16xf32> to vector<16xf32>
        %mul3A_776 = vector.broadcast %squeeze3A_133 : f32 to vector<16xf32>
        %mul3A_777 = arith.mulf %mul3A_776, %get3A_775 : vector<16xf32>
        %add3A_778 = arith.addf %add3A_767, %mul3A_777 : vector<16xf32>
        %mul3A_779 = arith.constant 10 : i32
        %mul3A_780 = arith.muli %add3A_116, %mul3A_779 : i32
        %add3A_781 = arith.constant 6 : i32
        %add3A_782 = arith.addi %mul3A_780, %add3A_781 : i32
        %get3A_783 = arith.index_cast %add3A_782 : i32 to index
        %get3A_784 = arith.constant 80 : index
        %get3A_785 = tpu.vector_load %arg8[%get3A_783, %get3A_784] {strides = array<i32>} : memref<120x128xf32, #tpu.memory_space<vmem>>, vector<1x16xf32>,
        %get3A_786 = vector.shape_cast %get3A_785 : vector<1x16xf32> to vector<16xf32>
        %mul3A_787 = vector.broadcast %squeeze3A_135 : f32 to vector<16xf32>
        %mul3A_788 = arith.mulf %mul3A_787, %get3A_786 : vector<16xf32>
        %add3A_789 = arith.addf %add3A_778, %mul3A_788 : vector<16xf32>
        %mul3A_790 = arith.constant 10 : i32
        %mul3A_791 = arith.muli %add3A_116, %mul3A_790 : i32
        %add3A_792 = arith.constant 7 : i32
        %add3A_793 = arith.addi %mul3A_791, %add3A_792 : i32
        %get3A_794 = arith.index_cast %add3A_793 : i32 to index
        %get3A_795 = arith.constant 80 : index
        %get3A_796 = tpu.vector_load %arg8[%get3A_794, %get3A_795] {strides = array<i32>} : memref<120x128xf32, #tpu.memory_space<vmem>>, vector<1x16xf32>,
        %get3A_797 = vector.shape_cast %get3A_796 : vector<1x16xf32> to vector<16xf32>
        %mul3A_798 = vector.broadcast %squeeze3A_137 : f32 to vector<16xf32>
        %mul3A_799 = arith.mulf %mul3A_798, %get3A_797 : vector<16xf32>
        %add3A_800 = arith.addf %add3A_789, %mul3A_799 : vector<16xf32>
        %mul3A_801 = arith.constant 10 : i32
        %mul3A_802 = arith.muli %add3A_116, %mul3A_801 : i32
        %add3A_803 = arith.constant 8 : i32
        %add3A_804 = arith.addi %mul3A_802, %add3A_803 : i32
        %get3A_805 = arith.index_cast %add3A_804 : i32 to index
        %get3A_806 = arith.constant 80 : index
        %get3A_807 = tpu.vector_load %arg8[%get3A_805, %get3A_806] {strides = array<i32>} : memref<120x128xf32, #tpu.memory_space<vmem>>, vector<1x16xf32>,
        %get3A_808 = vector.shape_cast %get3A_807 : vector<1x16xf32> to vector<16xf32>
        %mul3A_809 = vector.broadcast %squeeze3A_139 : f32 to vector<16xf32>
        %mul3A_810 = arith.mulf %mul3A_809, %get3A_808 : vector<16xf32>
        %add3A_811 = arith.addf %add3A_800, %mul3A_810 : vector<16xf32>
        %mul3A_812 = arith.constant 10 : i32
        %mul3A_813 = arith.muli %add3A_116, %mul3A_812 : i32
        %add3A_814 = arith.constant 9 : i32
        %add3A_815 = arith.addi %mul3A_813, %add3A_814 : i32
        %get3A_816 = arith.index_cast %add3A_815 : i32 to index
        %get3A_817 = arith.constant 80 : index
        %get3A_818 = tpu.vector_load %arg8[%get3A_816, %get3A_817] {strides = array<i32>} : memref<120x128xf32, #tpu.memory_space<vmem>>, vector<1x16xf32>,
        %get3A_819 = vector.shape_cast %get3A_818 : vector<1x16xf32> to vector<16xf32>
        %mul3A_820 = vector.broadcast %squeeze3A_141 : f32 to vector<16xf32>
        %mul3A_821 = arith.mulf %mul3A_820, %get3A_819 : vector<16xf32>
        %add3A_822 = arith.addf %add3A_811, %mul3A_821 : vector<16xf32>
        %mul3A_823 = arith.constant 128 : i32
        %mul3A_824 = arith.muli %add3A_116, %mul3A_823 : i32
        %add3A_825 = arith.constant 80 : i32
        %add3A_826 = arith.addi %mul3A_824, %add3A_825 : i32
        %swap3A_827 = arith.index_cast %add3A_826 : i32 to index
        %swap3A_828 = tpu.vector_load %arg10[%swap3A_827] {strides = array<i32>} : memref<1536xf32, #tpu.memory_space<vmem>>, vector<16xf32>,
        %swap3A_829 = vector.shape_cast %swap3A_828 : vector<16xf32> to vector<16xf32>
        %swap3A_830 = vector.shape_cast %add3A_822 : vector<16xf32> to vector<16xf32>
        tpu.vector_store %arg10[%swap3A_827], %swap3A_830 {strides = array<i32>} : memref<1536xf32, #tpu.memory_space<vmem>>, vector<16xf32>,
        %mul3A_831 = arith.constant 10 : i32
        %mul3A_832 = arith.muli %add3A_116, %mul3A_831 : i32
        %get3A_833 = arith.index_cast %mul3A_832 : i32 to index
        %get3A_834 = arith.constant 96 : index
        %get3A_835 = tpu.vector_load %arg8[%get3A_833, %get3A_834] {strides = array<i32>} : memref<120x128xf32, #tpu.memory_space<vmem>>, vector<1x16xf32>,
        %get3A_836 = vector.shape_cast %get3A_835 : vector<1x16xf32> to vector<16xf32>
        %mul3A_837 = vector.broadcast %squeeze3A : f32 to vector<16xf32>
        %mul3A_838 = arith.mulf %mul3A_837, %get3A_836 : vector<16xf32>
        %mul3A_839 = arith.constant 10 : i32
        %mul3A_840 = arith.muli %add3A_116, %mul3A_839 : i32
        %add3A_841 = arith.constant 1 : i32
        %add3A_842 = arith.addi %mul3A_840, %add3A_841 : i32
        %get3A_843 = arith.index_cast %add3A_842 : i32 to index
        %get3A_844 = arith.constant 96 : index
        %get3A_845 = tpu.vector_load %arg8[%get3A_843, %get3A_844] {strides = array<i32>} : memref<120x128xf32, #tpu.memory_space<vmem>>, vector<1x16xf32>,
        %get3A_846 = vector.shape_cast %get3A_845 : vector<1x16xf32> to vector<16xf32>
        %mul3A_847 = vector.broadcast %squeeze3A_125 : f32 to vector<16xf32>
        %mul3A_848 = arith.mulf %mul3A_847, %get3A_846 : vector<16xf32>
        %add3A_849 = arith.addf %mul3A_838, %mul3A_848 : vector<16xf32>
        %mul3A_850 = arith.constant 10 : i32
        %mul3A_851 = arith.muli %add3A_116, %mul3A_850 : i32
        %add3A_852 = arith.constant 2 : i32
        %add3A_853 = arith.addi %mul3A_851, %add3A_852 : i32
        %get3A_854 = arith.index_cast %add3A_853 : i32 to index
        %get3A_855 = arith.constant 96 : index
        %get3A_856 = tpu.vector_load %arg8[%get3A_854, %get3A_855] {strides = array<i32>} : memref<120x128xf32, #tpu.memory_space<vmem>>, vector<1x16xf32>,
        %get3A_857 = vector.shape_cast %get3A_856 : vector<1x16xf32> to vector<16xf32>
        %mul3A_858 = vector.broadcast %squeeze3A_127 : f32 to vector<16xf32>
        %mul3A_859 = arith.mulf %mul3A_858, %get3A_857 : vector<16xf32>
        %add3A_860 = arith.addf %add3A_849, %mul3A_859 : vector<16xf32>
        %mul3A_861 = arith.constant 10 : i32
        %mul3A_862 = arith.muli %add3A_116, %mul3A_861 : i32
        %add3A_863 = arith.constant 3 : i32
        %add3A_864 = arith.addi %mul3A_862, %add3A_863 : i32
        %get3A_865 = arith.index_cast %add3A_864 : i32 to index
        %get3A_866 = arith.constant 96 : index
        %get3A_867 = tpu.vector_load %arg8[%get3A_865, %get3A_866] {strides = array<i32>} : memref<120x128xf32, #tpu.memory_space<vmem>>, vector<1x16xf32>,
        %get3A_868 = vector.shape_cast %get3A_867 : vector<1x16xf32> to vector<16xf32>
        %mul3A_869 = vector.broadcast %squeeze3A_129 : f32 to vector<16xf32>
        %mul3A_870 = arith.mulf %mul3A_869, %get3A_868 : vector<16xf32>
        %add3A_871 = arith.addf %add3A_860, %mul3A_870 : vector<16xf32>
        %mul3A_872 = arith.constant 10 : i32
        %mul3A_873 = arith.muli %add3A_116, %mul3A_872 : i32
        %add3A_874 = arith.constant 4 : i32
        %add3A_875 = arith.addi %mul3A_873, %add3A_874 : i32
        %get3A_876 = arith.index_cast %add3A_875 : i32 to index
        %get3A_877 = arith.constant 96 : index
        %get3A_878 = tpu.vector_load %arg8[%get3A_876, %get3A_877] {strides = array<i32>} : memref<120x128xf32, #tpu.memory_space<vmem>>, vector<1x16xf32>,
        %get3A_879 = vector.shape_cast %get3A_878 : vector<1x16xf32> to vector<16xf32>
        %mul3A_880 = vector.broadcast %squeeze3A_131 : f32 to vector<16xf32>
        %mul3A_881 = arith.mulf %mul3A_880, %get3A_879 : vector<16xf32>
        %add3A_882 = arith.addf %add3A_871, %mul3A_881 : vector<16xf32>
        %mul3A_883 = arith.constant 10 : i32
        %mul3A_884 = arith.muli %add3A_116, %mul3A_883 : i32
        %add3A_885 = arith.constant 5 : i32
        %add3A_886 = arith.addi %mul3A_884, %add3A_885 : i32
        %get3A_887 = arith.index_cast %add3A_886 : i32 to index
        %get3A_888 = arith.constant 96 : index
        %get3A_889 = tpu.vector_load %arg8[%get3A_887, %get3A_888] {strides = array<i32>} : memref<120x128xf32, #tpu.memory_space<vmem>>, vector<1x16xf32>,
        %get3A_890 = vector.shape_cast %get3A_889 : vector<1x16xf32> to vector<16xf32>
        %mul3A_891 = vector.broadcast %squeeze3A_133 : f32 to vector<16xf32>
        %mul3A_892 = arith.mulf %mul3A_891, %get3A_890 : vector<16xf32>
        %add3A_893 = arith.addf %add3A_882, %mul3A_892 : vector<16xf32>
        %mul3A_894 = arith.constant 10 : i32
        %mul3A_895 = arith.muli %add3A_116, %mul3A_894 : i32
        %add3A_896 = arith.constant 6 : i32
        %add3A_897 = arith.addi %mul3A_895, %add3A_896 : i32
        %get3A_898 = arith.index_cast %add3A_897 : i32 to index
        %get3A_899 = arith.constant 96 : index
        %get3A_900 = tpu.vector_load %arg8[%get3A_898, %get3A_899] {strides = array<i32>} : memref<120x128xf32, #tpu.memory_space<vmem>>, vector<1x16xf32>,
        %get3A_901 = vector.shape_cast %get3A_900 : vector<1x16xf32> to vector<16xf32>
        %mul3A_902 = vector.broadcast %squeeze3A_135 : f32 to vector<16xf32>
        %mul3A_903 = arith.mulf %mul3A_902, %get3A_901 : vector<16xf32>
        %add3A_904 = arith.addf %add3A_893, %mul3A_903 : vector<16xf32>
        %mul3A_905 = arith.constant 10 : i32
        %mul3A_906 = arith.muli %add3A_116, %mul3A_905 : i32
        %add3A_907 = arith.constant 7 : i32
        %add3A_908 = arith.addi %mul3A_906, %add3A_907 : i32
        %get3A_909 = arith.index_cast %add3A_908 : i32 to index
        %get3A_910 = arith.constant 96 : index
        %get3A_911 = tpu.vector_load %arg8[%get3A_909, %get3A_910] {strides = array<i32>} : memref<120x128xf32, #tpu.memory_space<vmem>>, vector<1x16xf32>,
        %get3A_912 = vector.shape_cast %get3A_911 : vector<1x16xf32> to vector<16xf32>
        %mul3A_913 = vector.broadcast %squeeze3A_137 : f32 to vector<16xf32>
        %mul3A_914 = arith.mulf %mul3A_913, %get3A_912 : vector<16xf32>
        %add3A_915 = arith.addf %add3A_904, %mul3A_914 : vector<16xf32>
        %mul3A_916 = arith.constant 10 : i32
        %mul3A_917 = arith.muli %add3A_116, %mul3A_916 : i32
        %add3A_918 = arith.constant 8 : i32
        %add3A_919 = arith.addi %mul3A_917, %add3A_918 : i32
        %get3A_920 = arith.index_cast %add3A_919 : i32 to index
        %get3A_921 = arith.constant 96 : index
        %get3A_922 = tpu.vector_load %arg8[%get3A_920, %get3A_921] {strides = array<i32>} : memref<120x128xf32, #tpu.memory_space<vmem>>, vector<1x16xf32>,
        %get3A_923 = vector.shape_cast %get3A_922 : vector<1x16xf32> to vector<16xf32>
        %mul3A_924 = vector.broadcast %squeeze3A_139 : f32 to vector<16xf32>
        %mul3A_925 = arith.mulf %mul3A_924, %get3A_923 : vector<16xf32>
        %add3A_926 = arith.addf %add3A_915, %mul3A_925 : vector<16xf32>
        %mul3A_927 = arith.constant 10 : i32
        %mul3A_928 = arith.muli %add3A_116, %mul3A_927 : i32
        %add3A_929 = arith.constant 9 : i32
        %add3A_930 = arith.addi %mul3A_928, %add3A_929 : i32
        %get3A_931 = arith.index_cast %add3A_930 : i32 to index
        %get3A_932 = arith.constant 96 : index
        %get3A_933 = tpu.vector_load %arg8[%get3A_931, %get3A_932] {strides = array<i32>} : memref<120x128xf32, #tpu.memory_space<vmem>>, vector<1x16xf32>,
        %get3A_934 = vector.shape_cast %get3A_933 : vector<1x16xf32> to vector<16xf32>
        %mul3A_935 = vector.broadcast %squeeze3A_141 : f32 to vector<16xf32>
        %mul3A_936 = arith.mulf %mul3A_935, %get3A_934 : vector<16xf32>
        %add3A_937 = arith.addf %add3A_926, %mul3A_936 : vector<16xf32>
        %mul3A_938 = arith.constant 128 : i32
        %mul3A_939 = arith.muli %add3A_116, %mul3A_938 : i32
        %add3A_940 = arith.constant 96 : i32
        %add3A_941 = arith.addi %mul3A_939, %add3A_940 : i32
        %swap3A_942 = arith.index_cast %add3A_941 : i32 to index
        %swap3A_943 = tpu.vector_load %arg10[%swap3A_942] {strides = array<i32>} : memref<1536xf32, #tpu.memory_space<vmem>>, vector<16xf32>,
        %swap3A_944 = vector.shape_cast %swap3A_943 : vector<16xf32> to vector<16xf32>
        %swap3A_945 = vector.shape_cast %add3A_937 : vector<16xf32> to vector<16xf32>
        tpu.vector_store %arg10[%swap3A_942], %swap3A_945 {strides = array<i32>} : memref<1536xf32, #tpu.memory_space<vmem>>, vector<16xf32>,
        %mul3A_946 = arith.constant 10 : i32
        %mul3A_947 = arith.muli %add3A_116, %mul3A_946 : i32
        %get3A_948 = arith.index_cast %mul3A_947 : i32 to index
        %get3A_949 = arith.constant 112 : index
        %get3A_950 = tpu.vector_load %arg8[%get3A_948, %get3A_949] {strides = array<i32>} : memref<120x128xf32, #tpu.memory_space<vmem>>, vector<1x16xf32>,
        %get3A_951 = vector.shape_cast %get3A_950 : vector<1x16xf32> to vector<16xf32>
        %mul3A_952 = vector.broadcast %squeeze3A : f32 to vector<16xf32>
        %mul3A_953 = arith.mulf %mul3A_952, %get3A_951 : vector<16xf32>
        %mul3A_954 = arith.constant 10 : i32
        %mul3A_955 = arith.muli %add3A_116, %mul3A_954 : i32
        %add3A_956 = arith.constant 1 : i32
        %add3A_957 = arith.addi %mul3A_955, %add3A_956 : i32
        %get3A_958 = arith.index_cast %add3A_957 : i32 to index
        %get3A_959 = arith.constant 112 : index
        %get3A_960 = tpu.vector_load %arg8[%get3A_958, %get3A_959] {strides = array<i32>} : memref<120x128xf32, #tpu.memory_space<vmem>>, vector<1x16xf32>,
        %get3A_961 = vector.shape_cast %get3A_960 : vector<1x16xf32> to vector<16xf32>
        %mul3A_962 = vector.broadcast %squeeze3A_125 : f32 to vector<16xf32>
        %mul3A_963 = arith.mulf %mul3A_962, %get3A_961 : vector<16xf32>
        %add3A_964 = arith.addf %mul3A_953, %mul3A_963 : vector<16xf32>
        %mul3A_965 = arith.constant 10 : i32
        %mul3A_966 = arith.muli %add3A_116, %mul3A_965 : i32
        %add3A_967 = arith.constant 2 : i32
        %add3A_968 = arith.addi %mul3A_966, %add3A_967 : i32
        %get3A_969 = arith.index_cast %add3A_968 : i32 to index
        %get3A_970 = arith.constant 112 : index
        %get3A_971 = tpu.vector_load %arg8[%get3A_969, %get3A_970] {strides = array<i32>} : memref<120x128xf32, #tpu.memory_space<vmem>>, vector<1x16xf32>,
        %get3A_972 = vector.shape_cast %get3A_971 : vector<1x16xf32> to vector<16xf32>
        %mul3A_973 = vector.broadcast %squeeze3A_127 : f32 to vector<16xf32>
        %mul3A_974 = arith.mulf %mul3A_973, %get3A_972 : vector<16xf32>
        %add3A_975 = arith.addf %add3A_964, %mul3A_974 : vector<16xf32>
        %mul3A_976 = arith.constant 10 : i32
        %mul3A_977 = arith.muli %add3A_116, %mul3A_976 : i32
        %add3A_978 = arith.constant 3 : i32
        %add3A_979 = arith.addi %mul3A_977, %add3A_978 : i32
        %get3A_980 = arith.index_cast %add3A_979 : i32 to index
        %get3A_981 = arith.constant 112 : index
        %get3A_982 = tpu.vector_load %arg8[%get3A_980, %get3A_981] {strides = array<i32>} : memref<120x128xf32, #tpu.memory_space<vmem>>, vector<1x16xf32>,
        %get3A_983 = vector.shape_cast %get3A_982 : vector<1x16xf32> to vector<16xf32>
        %mul3A_984 = vector.broadcast %squeeze3A_129 : f32 to vector<16xf32>
        %mul3A_985 = arith.mulf %mul3A_984, %get3A_983 : vector<16xf32>
        %add3A_986 = arith.addf %add3A_975, %mul3A_985 : vector<16xf32>
        %mul3A_987 = arith.constant 10 : i32
        %mul3A_988 = arith.muli %add3A_116, %mul3A_987 : i32
        %add3A_989 = arith.constant 4 : i32
        %add3A_990 = arith.addi %mul3A_988, %add3A_989 : i32
        %get3A_991 = arith.index_cast %add3A_990 : i32 to index
        %get3A_992 = arith.constant 112 : index
        %get3A_993 = tpu.vector_load %arg8[%get3A_991, %get3A_992] {strides = array<i32>} : memref<120x128xf32, #tpu.memory_space<vmem>>, vector<1x16xf32>,
        %get3A_994 = vector.shape_cast %get3A_993 : vector<1x16xf32> to vector<16xf32>
        %mul3A_995 = vector.broadcast %squeeze3A_131 : f32 to vector<16xf32>
        %mul3A_996 = arith.mulf %mul3A_995, %get3A_994 : vector<16xf32>
        %add3A_997 = arith.addf %add3A_986, %mul3A_996 : vector<16xf32>
        %mul3A_998 = arith.constant 10 : i32
        %mul3A_999 = arith.muli %add3A_116, %mul3A_998 : i32
        %add3A_1000 = arith.constant 5 : i32
        %add3A_1001 = arith.addi %mul3A_999, %add3A_1000 : i32
        %get3A_1002 = arith.index_cast %add3A_1001 : i32 to index
        %get3A_1003 = arith.constant 112 : index
        %get3A_1004 = tpu.vector_load %arg8[%get3A_1002, %get3A_1003] {strides = array<i32>} : memref<120x128xf32, #tpu.memory_space<vmem>>, vector<1x16xf32>,
        %get3A_1005 = vector.shape_cast %get3A_1004 : vector<1x16xf32> to vector<16xf32>
        %mul3A_1006 = vector.broadcast %squeeze3A_133 : f32 to vector<16xf32>
        %mul3A_1007 = arith.mulf %mul3A_1006, %get3A_1005 : vector<16xf32>
        %add3A_1008 = arith.addf %add3A_997, %mul3A_1007 : vector<16xf32>
        %mul3A_1009 = arith.constant 10 : i32
        %mul3A_1010 = arith.muli %add3A_116, %mul3A_1009 : i32
        %add3A_1011 = arith.constant 6 : i32
        %add3A_1012 = arith.addi %mul3A_1010, %add3A_1011 : i32
        %get3A_1013 = arith.index_cast %add3A_1012 : i32 to index
        %get3A_1014 = arith.constant 112 : index
        %get3A_1015 = tpu.vector_load %arg8[%get3A_1013, %get3A_1014] {strides = array<i32>} : memref<120x128xf32, #tpu.memory_space<vmem>>, vector<1x16xf32>,
        %get3A_1016 = vector.shape_cast %get3A_1015 : vector<1x16xf32> to vector<16xf32>
        %mul3A_1017 = vector.broadcast %squeeze3A_135 : f32 to vector<16xf32>
        %mul3A_1018 = arith.mulf %mul3A_1017, %get3A_1016 : vector<16xf32>
        %add3A_1019 = arith.addf %add3A_1008, %mul3A_1018 : vector<16xf32>
        %mul3A_1020 = arith.constant 10 : i32
        %mul3A_1021 = arith.muli %add3A_116, %mul3A_1020 : i32
        %add3A_1022 = arith.constant 7 : i32
        %add3A_1023 = arith.addi %mul3A_1021, %add3A_1022 : i32
        %get3A_1024 = arith.index_cast %add3A_1023 : i32 to index
        %get3A_1025 = arith.constant 112 : index
        %get3A_1026 = tpu.vector_load %arg8[%get3A_1024, %get3A_1025] {strides = array<i32>} : memref<120x128xf32, #tpu.memory_space<vmem>>, vector<1x16xf32>,
        %get3A_1027 = vector.shape_cast %get3A_1026 : vector<1x16xf32> to vector<16xf32>
        %mul3A_1028 = vector.broadcast %squeeze3A_137 : f32 to vector<16xf32>
        %mul3A_1029 = arith.mulf %mul3A_1028, %get3A_1027 : vector<16xf32>
        %add3A_1030 = arith.addf %add3A_1019, %mul3A_1029 : vector<16xf32>
        %mul3A_1031 = arith.constant 10 : i32
        %mul3A_1032 = arith.muli %add3A_116, %mul3A_1031 : i32
        %add3A_1033 = arith.constant 8 : i32
        %add3A_1034 = arith.addi %mul3A_1032, %add3A_1033 : i32
        %get3A_1035 = arith.index_cast %add3A_1034 : i32 to index
        %get3A_1036 = arith.constant 112 : index
        %get3A_1037 = tpu.vector_load %arg8[%get3A_1035, %get3A_1036] {strides = array<i32>} : memref<120x128xf32, #tpu.memory_space<vmem>>, vector<1x16xf32>,
        %get3A_1038 = vector.shape_cast %get3A_1037 : vector<1x16xf32> to vector<16xf32>
        %mul3A_1039 = vector.broadcast %squeeze3A_139 : f32 to vector<16xf32>
        %mul3A_1040 = arith.mulf %mul3A_1039, %get3A_1038 : vector<16xf32>
        %add3A_1041 = arith.addf %add3A_1030, %mul3A_1040 : vector<16xf32>
        %mul3A_1042 = arith.constant 10 : i32
        %mul3A_1043 = arith.muli %add3A_116, %mul3A_1042 : i32
        %add3A_1044 = arith.constant 9 : i32
        %add3A_1045 = arith.addi %mul3A_1043, %add3A_1044 : i32
        %get3A_1046 = arith.index_cast %add3A_1045 : i32 to index
        %get3A_1047 = arith.constant 112 : index
        %get3A_1048 = tpu.vector_load %arg8[%get3A_1046, %get3A_1047] {strides = array<i32>} : memref<120x128xf32, #tpu.memory_space<vmem>>, vector<1x16xf32>,
        %get3A_1049 = vector.shape_cast %get3A_1048 : vector<1x16xf32> to vector<16xf32>
        %mul3A_1050 = vector.broadcast %squeeze3A_141 : f32 to vector<16xf32>
        %mul3A_1051 = arith.mulf %mul3A_1050, %get3A_1049 : vector<16xf32>
        %add3A_1052 = arith.addf %add3A_1041, %mul3A_1051 : vector<16xf32>
        %mul3A_1053 = arith.constant 128 : i32
        %mul3A_1054 = arith.muli %add3A_116, %mul3A_1053 : i32
        %add3A_1055 = arith.constant 112 : i32
        %add3A_1056 = arith.addi %mul3A_1054, %add3A_1055 : i32
        %swap3A_1057 = arith.index_cast %add3A_1056 : i32 to index
        %swap3A_1058 = tpu.vector_load %arg10[%swap3A_1057] {strides = array<i32>} : memref<1536xf32, #tpu.memory_space<vmem>>, vector<16xf32>,
        %swap3A_1059 = vector.shape_cast %swap3A_1058 : vector<16xf32> to vector<16xf32>
        %swap3A_1060 = vector.shape_cast %add3A_1052 : vector<16xf32> to vector<16xf32>
        tpu.vector_store %arg10[%swap3A_1057], %swap3A_1060 {strides = array<i32>} : memref<1536xf32, #tpu.memory_space<vmem>>, vector<16xf32>,
      }
      %scan3A_70 = arith.constant 12 : i32
      %mul3A_71 = arith.constant 12 : i32
      %mul3A_72 = arith.muli %add3A_50, %mul3A_71 : i32
      %add3A_73 = arith.addi %mul3A_2, %mul3A_72 : i32
      %mul3A_74 = arith.constant 128 : i32
      %mul3A_75 = arith.muli %add3A_73, %mul3A_74 : i32
      %dma_start3A_76 = tpu.memref_slice %arg5[%mul3A_75] : memref<11599872xf32, #tpu.memory_space<hbm>> -> memref<1536xf32, #tpu.memory_space<hbm>>
      %dma_start3A_77 = tpu.memref_slice %arg5[%mul3A_75] : memref<11599872xf32, #tpu.memory_space<hbm>> -> memref<1536xf32, #tpu.memory_space<hbm>>
      tpu.enqueue_dma source(%arg10 : memref<1536xf32, #tpu.memory_space<vmem>>) target(%dma_start3A_77 : memref<1536xf32, #tpu.memory_space<hbm>>) target_semaphore(%arg14 : memref<!tpu.dma_semaphore, #tpu.memory_space<semaphore_mem>>)
      %add3A_78 = arith.constant 1 : i32
      %add3A_79 = arith.addi %add3A_48, %add3A_78 : i32
      %add3A_80 = arith.constant 2 : i32
      %add3A_81 = arith.addi %add3A_79, %add3A_80 : i32
      %sub3A_82 = arith.constant 1 : i32
      %sub3A_83 = arith.subi %add3A_81, %sub3A_82 : i32
      %lt3A_84 = arith.constant 236 : i32
      %lt3A_85 = arith.cmpi slt, %sub3A_83, %lt3A_84 : i32
      %convert_element_type3A_86 = arith.extui %lt3A_85 : i1 to i32
      %cond3A_87 = arith.constant 0 : i32
      %cond3A_88 = arith.cmpi ne, %convert_element_type3A_86, %cond3A_87 : i32
      scf.if %cond3A_88 {
        %add3A_112 = arith.constant 2 : i32
        %add3A_113 = arith.addi %add3A_79, %add3A_112 : i32
        %sub3A_114 = arith.constant 1 : i32
        %sub3A_115 = arith.subi %add3A_113, %sub3A_114 : i32
        %mul3A_116 = arith.constant 128 : i32
        %mul3A_117 = arith.muli %sub3A_115, %mul3A_116 : i32
        %dma_start3A_118 = tpu.memref_slice %arg6[%mul3A_117] : memref<30208xi32, #tpu.memory_space<vmem>> -> memref<120xi32, #tpu.memory_space<vmem>>
        %dma_start3A_119 = arith.constant 0 : i32
        %dma_start3A_120 = arith.constant 0 : i32
        %dma_start3A_121 = tpu.memref_slice %arg2[%dma_start3A_119, %dma_start3A_120] : memref<30000x128xf32, #tpu.memory_space<hbm>> -> memref<30000x128xf32, #tpu.memory_space<hbm>>
        tpu.enqueue_indirect_dma source(%dma_start3A_121 : memref<30000x128xf32, #tpu.memory_space<hbm>>) target(%arg8 : memref<120x128xf32, #tpu.memory_space<vmem>>) offsets(%dma_start3A_118 : memref<120xi32, #tpu.memory_space<vmem>>) semaphore(%arg12 : memref<!tpu.dma_semaphore, #tpu.memory_space<semaphore_mem>>)
      } else {
      }
      %mul3A_89 = arith.constant 128 : i32
      %mul3A_90 = arith.muli %add3A_79, %mul3A_89 : i32
      %dma_wait3A_91 = tpu.memref_slice %arg6[%mul3A_90] : memref<30208xi32, #tpu.memory_space<vmem>> -> memref<120xi32, #tpu.memory_space<vmem>>
      %dma_wait3A_92 = arith.constant 0 : i32
      %dma_wait3A_93 = arith.constant 0 : i32
      %dma_wait3A_94 = tpu.memref_slice %arg2[%dma_wait3A_92, %dma_wait3A_93] : memref<30000x128xf32, #tpu.memory_space<hbm>> -> memref<30000x128xf32, #tpu.memory_space<hbm>>
      tpu.wait_indirect_dma semaphore(%arg13 : memref<!tpu.dma_semaphore, #tpu.memory_space<semaphore_mem>>) src(%dma_wait3A_94 : memref<30000x128xf32, #tpu.memory_space<hbm>>) dst(%arg9 : memref<120x128xf32, #tpu.memory_space<vmem>>)
      %ge3A_95 = arith.constant 2 : i32
      %ge3A_96 = arith.cmpi sge, %add3A_79, %ge3A_95 : i32
      %convert_element_type3A_97 = arith.extui %ge3A_96 : i1 to i32
      %cond3A_98 = arith.constant 0 : i32
      %cond3A_99 = arith.cmpi ne, %convert_element_type3A_97, %cond3A_98 : i32
      scf.if %cond3A_99 {
        %mul3A_112 = arith.constant 12 : i32
        %mul3A_113 = arith.muli %add3A_79, %mul3A_112 : i32
        %add3A_114 = arith.addi %mul3A_2, %mul3A_113 : i32
        %mul3A_115 = arith.constant 128 : i32
        %mul3A_116 = arith.muli %add3A_114, %mul3A_115 : i32
        %dma_wait3A_117 = tpu.memref_slice %arg5[%mul3A_116] : memref<11599872xf32, #tpu.memory_space<hbm>> -> memref<1536xf32, #tpu.memory_space<hbm>>
        %dma_wait3A_118 = tpu.memref_slice %arg5[%mul3A_116] : memref<11599872xf32, #tpu.memory_space<hbm>> -> memref<1536xf32, #tpu.memory_space<hbm>>
        tpu.wait_dma2 semaphore(%arg15 : memref<!tpu.dma_semaphore, #tpu.memory_space<semaphore_mem>>) src(%arg11 : memref<1536xf32, #tpu.memory_space<vmem>>) dst(%dma_wait3A_118 : memref<1536xf32, #tpu.memory_space<hbm>>)
      } else {
      }
      %scan3A_100 = arith.constant 0 : i32
      %scan3A_101 = arith.constant 12 : i32
      %scan3A_102 = arith.addi %scan3A_100, %scan3A_101 : i32
      %scan3A_103 = arith.constant 1 : i32
      scf.for %scan3A_112 = %scan3A_100 to %scan3A_102 step %scan3A_103  : i32 {
        %mul3A_113 = arith.constant 1 : i32
        %mul3A_114 = arith.muli %scan3A_112, %mul3A_113 : i32
        %add3A_115 = arith.constant 0 : i32
        %add3A_116 = arith.addi %add3A_115, %mul3A_114 : i32
        %mul3A_117 = arith.constant 120 : i32
        %mul3A_118 = arith.muli %add3A_79, %mul3A_117 : i32
        %mul3A_119 = arith.constant 10 : i32
        %mul3A_120 = arith.muli %add3A_116, %mul3A_119 : i32
        %add3A_121 = arith.addi %mul3A_118, %mul3A_120 : i32
        %get3A = arith.index_cast %add3A_121 : i32 to index
        %get3A_122 = tpu.vector_load %arg7[%get3A] {strides = array<i32>} : memref<28328xf32, #tpu.memory_space<vmem>>, vector<16xf32>,
        %get3A_123 = vector.shape_cast %get3A_122 : vector<16xf32> to vector<16xf32>
        %slice3A = vector.extract_strided_slice %get3A_123 {offsets = [0], sizes = [1], strides = [1]} : vector<16xf32> to vector<1xf32>
        %squeeze3A = vector.extract %slice3A[0] : f32 from vector<1xf32>
        %slice3A_124 = vector.extract_strided_slice %get3A_123 {offsets = [1], sizes = [1], strides = [1]} : vector<16xf32> to vector<1xf32>
        %squeeze3A_125 = vector.extract %slice3A_124[0] : f32 from vector<1xf32>
        %slice3A_126 = vector.extract_strided_slice %get3A_123 {offsets = [2], sizes = [1], strides = [1]} : vector<16xf32> to vector<1xf32>
        %squeeze3A_127 = vector.extract %slice3A_126[0] : f32 from vector<1xf32>
        %slice3A_128 = vector.extract_strided_slice %get3A_123 {offsets = [3], sizes = [1], strides = [1]} : vector<16xf32> to vector<1xf32>
        %squeeze3A_129 = vector.extract %slice3A_128[0] : f32 from vector<1xf32>
        %slice3A_130 = vector.extract_strided_slice %get3A_123 {offsets = [4], sizes = [1], strides = [1]} : vector<16xf32> to vector<1xf32>
        %squeeze3A_131 = vector.extract %slice3A_130[0] : f32 from vector<1xf32>
        %slice3A_132 = vector.extract_strided_slice %get3A_123 {offsets = [5], sizes = [1], strides = [1]} : vector<16xf32> to vector<1xf32>
        %squeeze3A_133 = vector.extract %slice3A_132[0] : f32 from vector<1xf32>
        %slice3A_134 = vector.extract_strided_slice %get3A_123 {offsets = [6], sizes = [1], strides = [1]} : vector<16xf32> to vector<1xf32>
        %squeeze3A_135 = vector.extract %slice3A_134[0] : f32 from vector<1xf32>
        %slice3A_136 = vector.extract_strided_slice %get3A_123 {offsets = [7], sizes = [1], strides = [1]} : vector<16xf32> to vector<1xf32>
        %squeeze3A_137 = vector.extract %slice3A_136[0] : f32 from vector<1xf32>
        %slice3A_138 = vector.extract_strided_slice %get3A_123 {offsets = [8], sizes = [1], strides = [1]} : vector<16xf32> to vector<1xf32>
        %squeeze3A_139 = vector.extract %slice3A_138[0] : f32 from vector<1xf32>
        %slice3A_140 = vector.extract_strided_slice %get3A_123 {offsets = [9], sizes = [1], strides = [1]} : vector<16xf32> to vector<1xf32>
        %squeeze3A_141 = vector.extract %slice3A_140[0] : f32 from vector<1xf32>
        %mul3A_142 = arith.constant 10 : i32
        %mul3A_143 = arith.muli %add3A_116, %mul3A_142 : i32
        %get3A_144 = arith.index_cast %mul3A_143 : i32 to index
        %get3A_145 = arith.constant 0 : index
        %get3A_146 = tpu.vector_load %arg9[%get3A_144, %get3A_145] {strides = array<i32>} : memref<120x128xf32, #tpu.memory_space<vmem>>, vector<1x16xf32>,
        %get3A_147 = vector.shape_cast %get3A_146 : vector<1x16xf32> to vector<16xf32>
        %mul3A_148 = vector.broadcast %squeeze3A : f32 to vector<16xf32>
        %mul3A_149 = arith.mulf %mul3A_148, %get3A_147 : vector<16xf32>
        %mul3A_150 = arith.constant 10 : i32
        %mul3A_151 = arith.muli %add3A_116, %mul3A_150 : i32
        %add3A_152 = arith.constant 1 : i32
        %add3A_153 = arith.addi %mul3A_151, %add3A_152 : i32
        %get3A_154 = arith.index_cast %add3A_153 : i32 to index
        %get3A_155 = arith.constant 0 : index
        %get3A_156 = tpu.vector_load %arg9[%get3A_154, %get3A_155] {strides = array<i32>} : memref<120x128xf32, #tpu.memory_space<vmem>>, vector<1x16xf32>,
        %get3A_157 = vector.shape_cast %get3A_156 : vector<1x16xf32> to vector<16xf32>
        %mul3A_158 = vector.broadcast %squeeze3A_125 : f32 to vector<16xf32>
        %mul3A_159 = arith.mulf %mul3A_158, %get3A_157 : vector<16xf32>
        %add3A_160 = arith.addf %mul3A_149, %mul3A_159 : vector<16xf32>
        %mul3A_161 = arith.constant 10 : i32
        %mul3A_162 = arith.muli %add3A_116, %mul3A_161 : i32
        %add3A_163 = arith.constant 2 : i32
        %add3A_164 = arith.addi %mul3A_162, %add3A_163 : i32
        %get3A_165 = arith.index_cast %add3A_164 : i32 to index
        %get3A_166 = arith.constant 0 : index
        %get3A_167 = tpu.vector_load %arg9[%get3A_165, %get3A_166] {strides = array<i32>} : memref<120x128xf32, #tpu.memory_space<vmem>>, vector<1x16xf32>,
        %get3A_168 = vector.shape_cast %get3A_167 : vector<1x16xf32> to vector<16xf32>
        %mul3A_169 = vector.broadcast %squeeze3A_127 : f32 to vector<16xf32>
        %mul3A_170 = arith.mulf %mul3A_169, %get3A_168 : vector<16xf32>
        %add3A_171 = arith.addf %add3A_160, %mul3A_170 : vector<16xf32>
        %mul3A_172 = arith.constant 10 : i32
        %mul3A_173 = arith.muli %add3A_116, %mul3A_172 : i32
        %add3A_174 = arith.constant 3 : i32
        %add3A_175 = arith.addi %mul3A_173, %add3A_174 : i32
        %get3A_176 = arith.index_cast %add3A_175 : i32 to index
        %get3A_177 = arith.constant 0 : index
        %get3A_178 = tpu.vector_load %arg9[%get3A_176, %get3A_177] {strides = array<i32>} : memref<120x128xf32, #tpu.memory_space<vmem>>, vector<1x16xf32>,
        %get3A_179 = vector.shape_cast %get3A_178 : vector<1x16xf32> to vector<16xf32>
        %mul3A_180 = vector.broadcast %squeeze3A_129 : f32 to vector<16xf32>
        %mul3A_181 = arith.mulf %mul3A_180, %get3A_179 : vector<16xf32>
        %add3A_182 = arith.addf %add3A_171, %mul3A_181 : vector<16xf32>
        %mul3A_183 = arith.constant 10 : i32
        %mul3A_184 = arith.muli %add3A_116, %mul3A_183 : i32
        %add3A_185 = arith.constant 4 : i32
        %add3A_186 = arith.addi %mul3A_184, %add3A_185 : i32
        %get3A_187 = arith.index_cast %add3A_186 : i32 to index
        %get3A_188 = arith.constant 0 : index
        %get3A_189 = tpu.vector_load %arg9[%get3A_187, %get3A_188] {strides = array<i32>} : memref<120x128xf32, #tpu.memory_space<vmem>>, vector<1x16xf32>,
        %get3A_190 = vector.shape_cast %get3A_189 : vector<1x16xf32> to vector<16xf32>
        %mul3A_191 = vector.broadcast %squeeze3A_131 : f32 to vector<16xf32>
        %mul3A_192 = arith.mulf %mul3A_191, %get3A_190 : vector<16xf32>
        %add3A_193 = arith.addf %add3A_182, %mul3A_192 : vector<16xf32>
        %mul3A_194 = arith.constant 10 : i32
        %mul3A_195 = arith.muli %add3A_116, %mul3A_194 : i32
        %add3A_196 = arith.constant 5 : i32
        %add3A_197 = arith.addi %mul3A_195, %add3A_196 : i32
        %get3A_198 = arith.index_cast %add3A_197 : i32 to index
        %get3A_199 = arith.constant 0 : index
        %get3A_200 = tpu.vector_load %arg9[%get3A_198, %get3A_199] {strides = array<i32>} : memref<120x128xf32, #tpu.memory_space<vmem>>, vector<1x16xf32>,
        %get3A_201 = vector.shape_cast %get3A_200 : vector<1x16xf32> to vector<16xf32>
        %mul3A_202 = vector.broadcast %squeeze3A_133 : f32 to vector<16xf32>
        %mul3A_203 = arith.mulf %mul3A_202, %get3A_201 : vector<16xf32>
        %add3A_204 = arith.addf %add3A_193, %mul3A_203 : vector<16xf32>
        %mul3A_205 = arith.constant 10 : i32
        %mul3A_206 = arith.muli %add3A_116, %mul3A_205 : i32
        %add3A_207 = arith.constant 6 : i32
        %add3A_208 = arith.addi %mul3A_206, %add3A_207 : i32
        %get3A_209 = arith.index_cast %add3A_208 : i32 to index
        %get3A_210 = arith.constant 0 : index
        %get3A_211 = tpu.vector_load %arg9[%get3A_209, %get3A_210] {strides = array<i32>} : memref<120x128xf32, #tpu.memory_space<vmem>>, vector<1x16xf32>,
        %get3A_212 = vector.shape_cast %get3A_211 : vector<1x16xf32> to vector<16xf32>
        %mul3A_213 = vector.broadcast %squeeze3A_135 : f32 to vector<16xf32>
        %mul3A_214 = arith.mulf %mul3A_213, %get3A_212 : vector<16xf32>
        %add3A_215 = arith.addf %add3A_204, %mul3A_214 : vector<16xf32>
        %mul3A_216 = arith.constant 10 : i32
        %mul3A_217 = arith.muli %add3A_116, %mul3A_216 : i32
        %add3A_218 = arith.constant 7 : i32
        %add3A_219 = arith.addi %mul3A_217, %add3A_218 : i32
        %get3A_220 = arith.index_cast %add3A_219 : i32 to index
        %get3A_221 = arith.constant 0 : index
        %get3A_222 = tpu.vector_load %arg9[%get3A_220, %get3A_221] {strides = array<i32>} : memref<120x128xf32, #tpu.memory_space<vmem>>, vector<1x16xf32>,
        %get3A_223 = vector.shape_cast %get3A_222 : vector<1x16xf32> to vector<16xf32>
        %mul3A_224 = vector.broadcast %squeeze3A_137 : f32 to vector<16xf32>
        %mul3A_225 = arith.mulf %mul3A_224, %get3A_223 : vector<16xf32>
        %add3A_226 = arith.addf %add3A_215, %mul3A_225 : vector<16xf32>
        %mul3A_227 = arith.constant 10 : i32
        %mul3A_228 = arith.muli %add3A_116, %mul3A_227 : i32
        %add3A_229 = arith.constant 8 : i32
        %add3A_230 = arith.addi %mul3A_228, %add3A_229 : i32
        %get3A_231 = arith.index_cast %add3A_230 : i32 to index
        %get3A_232 = arith.constant 0 : index
        %get3A_233 = tpu.vector_load %arg9[%get3A_231, %get3A_232] {strides = array<i32>} : memref<120x128xf32, #tpu.memory_space<vmem>>, vector<1x16xf32>,
        %get3A_234 = vector.shape_cast %get3A_233 : vector<1x16xf32> to vector<16xf32>
        %mul3A_235 = vector.broadcast %squeeze3A_139 : f32 to vector<16xf32>
        %mul3A_236 = arith.mulf %mul3A_235, %get3A_234 : vector<16xf32>
        %add3A_237 = arith.addf %add3A_226, %mul3A_236 : vector<16xf32>
        %mul3A_238 = arith.constant 10 : i32
        %mul3A_239 = arith.muli %add3A_116, %mul3A_238 : i32
        %add3A_240 = arith.constant 9 : i32
        %add3A_241 = arith.addi %mul3A_239, %add3A_240 : i32
        %get3A_242 = arith.index_cast %add3A_241 : i32 to index
        %get3A_243 = arith.constant 0 : index
        %get3A_244 = tpu.vector_load %arg9[%get3A_242, %get3A_243] {strides = array<i32>} : memref<120x128xf32, #tpu.memory_space<vmem>>, vector<1x16xf32>,
        %get3A_245 = vector.shape_cast %get3A_244 : vector<1x16xf32> to vector<16xf32>
        %mul3A_246 = vector.broadcast %squeeze3A_141 : f32 to vector<16xf32>
        %mul3A_247 = arith.mulf %mul3A_246, %get3A_245 : vector<16xf32>
        %add3A_248 = arith.addf %add3A_237, %mul3A_247 : vector<16xf32>
        %mul3A_249 = arith.constant 128 : i32
        %mul3A_250 = arith.muli %add3A_116, %mul3A_249 : i32
        %add3A_251 = arith.constant 0 : i32
        %add3A_252 = arith.addi %mul3A_250, %add3A_251 : i32
        %swap3A = arith.index_cast %add3A_252 : i32 to index
        %swap3A_253 = tpu.vector_load %arg11[%swap3A] {strides = array<i32>} : memref<1536xf32, #tpu.memory_space<vmem>>, vector<16xf32>,
        %swap3A_254 = vector.shape_cast %swap3A_253 : vector<16xf32> to vector<16xf32>
        %swap3A_255 = vector.shape_cast %add3A_248 : vector<16xf32> to vector<16xf32>
        tpu.vector_store %arg11[%swap3A], %swap3A_255 {strides = array<i32>} : memref<1536xf32, #tpu.memory_space<vmem>>, vector<16xf32>,
        %mul3A_256 = arith.constant 10 : i32
        %mul3A_257 = arith.muli %add3A_116, %mul3A_256 : i32
        %get3A_258 = arith.index_cast %mul3A_257 : i32 to index
        %get3A_259 = arith.constant 16 : index
        %get3A_260 = tpu.vector_load %arg9[%get3A_258, %get3A_259] {strides = array<i32>} : memref<120x128xf32, #tpu.memory_space<vmem>>, vector<1x16xf32>,
        %get3A_261 = vector.shape_cast %get3A_260 : vector<1x16xf32> to vector<16xf32>
        %mul3A_262 = vector.broadcast %squeeze3A : f32 to vector<16xf32>
        %mul3A_263 = arith.mulf %mul3A_262, %get3A_261 : vector<16xf32>
        %mul3A_264 = arith.constant 10 : i32
        %mul3A_265 = arith.muli %add3A_116, %mul3A_264 : i32
        %add3A_266 = arith.constant 1 : i32
        %add3A_267 = arith.addi %mul3A_265, %add3A_266 : i32
        %get3A_268 = arith.index_cast %add3A_267 : i32 to index
        %get3A_269 = arith.constant 16 : index
        %get3A_270 = tpu.vector_load %arg9[%get3A_268, %get3A_269] {strides = array<i32>} : memref<120x128xf32, #tpu.memory_space<vmem>>, vector<1x16xf32>,
        %get3A_271 = vector.shape_cast %get3A_270 : vector<1x16xf32> to vector<16xf32>
        %mul3A_272 = vector.broadcast %squeeze3A_125 : f32 to vector<16xf32>
        %mul3A_273 = arith.mulf %mul3A_272, %get3A_271 : vector<16xf32>
        %add3A_274 = arith.addf %mul3A_263, %mul3A_273 : vector<16xf32>
        %mul3A_275 = arith.constant 10 : i32
        %mul3A_276 = arith.muli %add3A_116, %mul3A_275 : i32
        %add3A_277 = arith.constant 2 : i32
        %add3A_278 = arith.addi %mul3A_276, %add3A_277 : i32
        %get3A_279 = arith.index_cast %add3A_278 : i32 to index
        %get3A_280 = arith.constant 16 : index
        %get3A_281 = tpu.vector_load %arg9[%get3A_279, %get3A_280] {strides = array<i32>} : memref<120x128xf32, #tpu.memory_space<vmem>>, vector<1x16xf32>,
        %get3A_282 = vector.shape_cast %get3A_281 : vector<1x16xf32> to vector<16xf32>
        %mul3A_283 = vector.broadcast %squeeze3A_127 : f32 to vector<16xf32>
        %mul3A_284 = arith.mulf %mul3A_283, %get3A_282 : vector<16xf32>
        %add3A_285 = arith.addf %add3A_274, %mul3A_284 : vector<16xf32>
        %mul3A_286 = arith.constant 10 : i32
        %mul3A_287 = arith.muli %add3A_116, %mul3A_286 : i32
        %add3A_288 = arith.constant 3 : i32
        %add3A_289 = arith.addi %mul3A_287, %add3A_288 : i32
        %get3A_290 = arith.index_cast %add3A_289 : i32 to index
        %get3A_291 = arith.constant 16 : index
        %get3A_292 = tpu.vector_load %arg9[%get3A_290, %get3A_291] {strides = array<i32>} : memref<120x128xf32, #tpu.memory_space<vmem>>, vector<1x16xf32>,
        %get3A_293 = vector.shape_cast %get3A_292 : vector<1x16xf32> to vector<16xf32>
        %mul3A_294 = vector.broadcast %squeeze3A_129 : f32 to vector<16xf32>
        %mul3A_295 = arith.mulf %mul3A_294, %get3A_293 : vector<16xf32>
        %add3A_296 = arith.addf %add3A_285, %mul3A_295 : vector<16xf32>
        %mul3A_297 = arith.constant 10 : i32
        %mul3A_298 = arith.muli %add3A_116, %mul3A_297 : i32
        %add3A_299 = arith.constant 4 : i32
        %add3A_300 = arith.addi %mul3A_298, %add3A_299 : i32
        %get3A_301 = arith.index_cast %add3A_300 : i32 to index
        %get3A_302 = arith.constant 16 : index
        %get3A_303 = tpu.vector_load %arg9[%get3A_301, %get3A_302] {strides = array<i32>} : memref<120x128xf32, #tpu.memory_space<vmem>>, vector<1x16xf32>,
        %get3A_304 = vector.shape_cast %get3A_303 : vector<1x16xf32> to vector<16xf32>
        %mul3A_305 = vector.broadcast %squeeze3A_131 : f32 to vector<16xf32>
        %mul3A_306 = arith.mulf %mul3A_305, %get3A_304 : vector<16xf32>
        %add3A_307 = arith.addf %add3A_296, %mul3A_306 : vector<16xf32>
        %mul3A_308 = arith.constant 10 : i32
        %mul3A_309 = arith.muli %add3A_116, %mul3A_308 : i32
        %add3A_310 = arith.constant 5 : i32
        %add3A_311 = arith.addi %mul3A_309, %add3A_310 : i32
        %get3A_312 = arith.index_cast %add3A_311 : i32 to index
        %get3A_313 = arith.constant 16 : index
        %get3A_314 = tpu.vector_load %arg9[%get3A_312, %get3A_313] {strides = array<i32>} : memref<120x128xf32, #tpu.memory_space<vmem>>, vector<1x16xf32>,
        %get3A_315 = vector.shape_cast %get3A_314 : vector<1x16xf32> to vector<16xf32>
        %mul3A_316 = vector.broadcast %squeeze3A_133 : f32 to vector<16xf32>
        %mul3A_317 = arith.mulf %mul3A_316, %get3A_315 : vector<16xf32>
        %add3A_318 = arith.addf %add3A_307, %mul3A_317 : vector<16xf32>
        %mul3A_319 = arith.constant 10 : i32
        %mul3A_320 = arith.muli %add3A_116, %mul3A_319 : i32
        %add3A_321 = arith.constant 6 : i32
        %add3A_322 = arith.addi %mul3A_320, %add3A_321 : i32
        %get3A_323 = arith.index_cast %add3A_322 : i32 to index
        %get3A_324 = arith.constant 16 : index
        %get3A_325 = tpu.vector_load %arg9[%get3A_323, %get3A_324] {strides = array<i32>} : memref<120x128xf32, #tpu.memory_space<vmem>>, vector<1x16xf32>,
        %get3A_326 = vector.shape_cast %get3A_325 : vector<1x16xf32> to vector<16xf32>
        %mul3A_327 = vector.broadcast %squeeze3A_135 : f32 to vector<16xf32>
        %mul3A_328 = arith.mulf %mul3A_327, %get3A_326 : vector<16xf32>
        %add3A_329 = arith.addf %add3A_318, %mul3A_328 : vector<16xf32>
        %mul3A_330 = arith.constant 10 : i32
        %mul3A_331 = arith.muli %add3A_116, %mul3A_330 : i32
        %add3A_332 = arith.constant 7 : i32
        %add3A_333 = arith.addi %mul3A_331, %add3A_332 : i32
        %get3A_334 = arith.index_cast %add3A_333 : i32 to index
        %get3A_335 = arith.constant 16 : index
        %get3A_336 = tpu.vector_load %arg9[%get3A_334, %get3A_335] {strides = array<i32>} : memref<120x128xf32, #tpu.memory_space<vmem>>, vector<1x16xf32>,
        %get3A_337 = vector.shape_cast %get3A_336 : vector<1x16xf32> to vector<16xf32>
        %mul3A_338 = vector.broadcast %squeeze3A_137 : f32 to vector<16xf32>
        %mul3A_339 = arith.mulf %mul3A_338, %get3A_337 : vector<16xf32>
        %add3A_340 = arith.addf %add3A_329, %mul3A_339 : vector<16xf32>
        %mul3A_341 = arith.constant 10 : i32
        %mul3A_342 = arith.muli %add3A_116, %mul3A_341 : i32
        %add3A_343 = arith.constant 8 : i32
        %add3A_344 = arith.addi %mul3A_342, %add3A_343 : i32
        %get3A_345 = arith.index_cast %add3A_344 : i32 to index
        %get3A_346 = arith.constant 16 : index
        %get3A_347 = tpu.vector_load %arg9[%get3A_345, %get3A_346] {strides = array<i32>} : memref<120x128xf32, #tpu.memory_space<vmem>>, vector<1x16xf32>,
        %get3A_348 = vector.shape_cast %get3A_347 : vector<1x16xf32> to vector<16xf32>
        %mul3A_349 = vector.broadcast %squeeze3A_139 : f32 to vector<16xf32>
        %mul3A_350 = arith.mulf %mul3A_349, %get3A_348 : vector<16xf32>
        %add3A_351 = arith.addf %add3A_340, %mul3A_350 : vector<16xf32>
        %mul3A_352 = arith.constant 10 : i32
        %mul3A_353 = arith.muli %add3A_116, %mul3A_352 : i32
        %add3A_354 = arith.constant 9 : i32
        %add3A_355 = arith.addi %mul3A_353, %add3A_354 : i32
        %get3A_356 = arith.index_cast %add3A_355 : i32 to index
        %get3A_357 = arith.constant 16 : index
        %get3A_358 = tpu.vector_load %arg9[%get3A_356, %get3A_357] {strides = array<i32>} : memref<120x128xf32, #tpu.memory_space<vmem>>, vector<1x16xf32>,
        %get3A_359 = vector.shape_cast %get3A_358 : vector<1x16xf32> to vector<16xf32>
        %mul3A_360 = vector.broadcast %squeeze3A_141 : f32 to vector<16xf32>
        %mul3A_361 = arith.mulf %mul3A_360, %get3A_359 : vector<16xf32>
        %add3A_362 = arith.addf %add3A_351, %mul3A_361 : vector<16xf32>
        %mul3A_363 = arith.constant 128 : i32
        %mul3A_364 = arith.muli %add3A_116, %mul3A_363 : i32
        %add3A_365 = arith.constant 16 : i32
        %add3A_366 = arith.addi %mul3A_364, %add3A_365 : i32
        %swap3A_367 = arith.index_cast %add3A_366 : i32 to index
        %swap3A_368 = tpu.vector_load %arg11[%swap3A_367] {strides = array<i32>} : memref<1536xf32, #tpu.memory_space<vmem>>, vector<16xf32>,
        %swap3A_369 = vector.shape_cast %swap3A_368 : vector<16xf32> to vector<16xf32>
        %swap3A_370 = vector.shape_cast %add3A_362 : vector<16xf32> to vector<16xf32>
        tpu.vector_store %arg11[%swap3A_367], %swap3A_370 {strides = array<i32>} : memref<1536xf32, #tpu.memory_space<vmem>>, vector<16xf32>,
        %mul3A_371 = arith.constant 10 : i32
        %mul3A_372 = arith.muli %add3A_116, %mul3A_371 : i32
        %get3A_373 = arith.index_cast %mul3A_372 : i32 to index
        %get3A_374 = arith.constant 32 : index
        %get3A_375 = tpu.vector_load %arg9[%get3A_373, %get3A_374] {strides = array<i32>} : memref<120x128xf32, #tpu.memory_space<vmem>>, vector<1x16xf32>,
        %get3A_376 = vector.shape_cast %get3A_375 : vector<1x16xf32> to vector<16xf32>
        %mul3A_377 = vector.broadcast %squeeze3A : f32 to vector<16xf32>
        %mul3A_378 = arith.mulf %mul3A_377, %get3A_376 : vector<16xf32>
        %mul3A_379 = arith.constant 10 : i32
        %mul3A_380 = arith.muli %add3A_116, %mul3A_379 : i32
        %add3A_381 = arith.constant 1 : i32
        %add3A_382 = arith.addi %mul3A_380, %add3A_381 : i32
        %get3A_383 = arith.index_cast %add3A_382 : i32 to index
        %get3A_384 = arith.constant 32 : index
        %get3A_385 = tpu.vector_load %arg9[%get3A_383, %get3A_384] {strides = array<i32>} : memref<120x128xf32, #tpu.memory_space<vmem>>, vector<1x16xf32>,
        %get3A_386 = vector.shape_cast %get3A_385 : vector<1x16xf32> to vector<16xf32>
        %mul3A_387 = vector.broadcast %squeeze3A_125 : f32 to vector<16xf32>
        %mul3A_388 = arith.mulf %mul3A_387, %get3A_386 : vector<16xf32>
        %add3A_389 = arith.addf %mul3A_378, %mul3A_388 : vector<16xf32>
        %mul3A_390 = arith.constant 10 : i32
        %mul3A_391 = arith.muli %add3A_116, %mul3A_390 : i32
        %add3A_392 = arith.constant 2 : i32
        %add3A_393 = arith.addi %mul3A_391, %add3A_392 : i32
        %get3A_394 = arith.index_cast %add3A_393 : i32 to index
        %get3A_395 = arith.constant 32 : index
        %get3A_396 = tpu.vector_load %arg9[%get3A_394, %get3A_395] {strides = array<i32>} : memref<120x128xf32, #tpu.memory_space<vmem>>, vector<1x16xf32>,
        %get3A_397 = vector.shape_cast %get3A_396 : vector<1x16xf32> to vector<16xf32>
        %mul3A_398 = vector.broadcast %squeeze3A_127 : f32 to vector<16xf32>
        %mul3A_399 = arith.mulf %mul3A_398, %get3A_397 : vector<16xf32>
        %add3A_400 = arith.addf %add3A_389, %mul3A_399 : vector<16xf32>
        %mul3A_401 = arith.constant 10 : i32
        %mul3A_402 = arith.muli %add3A_116, %mul3A_401 : i32
        %add3A_403 = arith.constant 3 : i32
        %add3A_404 = arith.addi %mul3A_402, %add3A_403 : i32
        %get3A_405 = arith.index_cast %add3A_404 : i32 to index
        %get3A_406 = arith.constant 32 : index
        %get3A_407 = tpu.vector_load %arg9[%get3A_405, %get3A_406] {strides = array<i32>} : memref<120x128xf32, #tpu.memory_space<vmem>>, vector<1x16xf32>,
        %get3A_408 = vector.shape_cast %get3A_407 : vector<1x16xf32> to vector<16xf32>
        %mul3A_409 = vector.broadcast %squeeze3A_129 : f32 to vector<16xf32>
        %mul3A_410 = arith.mulf %mul3A_409, %get3A_408 : vector<16xf32>
        %add3A_411 = arith.addf %add3A_400, %mul3A_410 : vector<16xf32>
        %mul3A_412 = arith.constant 10 : i32
        %mul3A_413 = arith.muli %add3A_116, %mul3A_412 : i32
        %add3A_414 = arith.constant 4 : i32
        %add3A_415 = arith.addi %mul3A_413, %add3A_414 : i32
        %get3A_416 = arith.index_cast %add3A_415 : i32 to index
        %get3A_417 = arith.constant 32 : index
        %get3A_418 = tpu.vector_load %arg9[%get3A_416, %get3A_417] {strides = array<i32>} : memref<120x128xf32, #tpu.memory_space<vmem>>, vector<1x16xf32>,
        %get3A_419 = vector.shape_cast %get3A_418 : vector<1x16xf32> to vector<16xf32>
        %mul3A_420 = vector.broadcast %squeeze3A_131 : f32 to vector<16xf32>
        %mul3A_421 = arith.mulf %mul3A_420, %get3A_419 : vector<16xf32>
        %add3A_422 = arith.addf %add3A_411, %mul3A_421 : vector<16xf32>
        %mul3A_423 = arith.constant 10 : i32
        %mul3A_424 = arith.muli %add3A_116, %mul3A_423 : i32
        %add3A_425 = arith.constant 5 : i32
        %add3A_426 = arith.addi %mul3A_424, %add3A_425 : i32
        %get3A_427 = arith.index_cast %add3A_426 : i32 to index
        %get3A_428 = arith.constant 32 : index
        %get3A_429 = tpu.vector_load %arg9[%get3A_427, %get3A_428] {strides = array<i32>} : memref<120x128xf32, #tpu.memory_space<vmem>>, vector<1x16xf32>,
        %get3A_430 = vector.shape_cast %get3A_429 : vector<1x16xf32> to vector<16xf32>
        %mul3A_431 = vector.broadcast %squeeze3A_133 : f32 to vector<16xf32>
        %mul3A_432 = arith.mulf %mul3A_431, %get3A_430 : vector<16xf32>
        %add3A_433 = arith.addf %add3A_422, %mul3A_432 : vector<16xf32>
        %mul3A_434 = arith.constant 10 : i32
        %mul3A_435 = arith.muli %add3A_116, %mul3A_434 : i32
        %add3A_436 = arith.constant 6 : i32
        %add3A_437 = arith.addi %mul3A_435, %add3A_436 : i32
        %get3A_438 = arith.index_cast %add3A_437 : i32 to index
        %get3A_439 = arith.constant 32 : index
        %get3A_440 = tpu.vector_load %arg9[%get3A_438, %get3A_439] {strides = array<i32>} : memref<120x128xf32, #tpu.memory_space<vmem>>, vector<1x16xf32>,
        %get3A_441 = vector.shape_cast %get3A_440 : vector<1x16xf32> to vector<16xf32>
        %mul3A_442 = vector.broadcast %squeeze3A_135 : f32 to vector<16xf32>
        %mul3A_443 = arith.mulf %mul3A_442, %get3A_441 : vector<16xf32>
        %add3A_444 = arith.addf %add3A_433, %mul3A_443 : vector<16xf32>
        %mul3A_445 = arith.constant 10 : i32
        %mul3A_446 = arith.muli %add3A_116, %mul3A_445 : i32
        %add3A_447 = arith.constant 7 : i32
        %add3A_448 = arith.addi %mul3A_446, %add3A_447 : i32
        %get3A_449 = arith.index_cast %add3A_448 : i32 to index
        %get3A_450 = arith.constant 32 : index
        %get3A_451 = tpu.vector_load %arg9[%get3A_449, %get3A_450] {strides = array<i32>} : memref<120x128xf32, #tpu.memory_space<vmem>>, vector<1x16xf32>,
        %get3A_452 = vector.shape_cast %get3A_451 : vector<1x16xf32> to vector<16xf32>
        %mul3A_453 = vector.broadcast %squeeze3A_137 : f32 to vector<16xf32>
        %mul3A_454 = arith.mulf %mul3A_453, %get3A_452 : vector<16xf32>
        %add3A_455 = arith.addf %add3A_444, %mul3A_454 : vector<16xf32>
        %mul3A_456 = arith.constant 10 : i32
        %mul3A_457 = arith.muli %add3A_116, %mul3A_456 : i32
        %add3A_458 = arith.constant 8 : i32
        %add3A_459 = arith.addi %mul3A_457, %add3A_458 : i32
        %get3A_460 = arith.index_cast %add3A_459 : i32 to index
        %get3A_461 = arith.constant 32 : index
        %get3A_462 = tpu.vector_load %arg9[%get3A_460, %get3A_461] {strides = array<i32>} : memref<120x128xf32, #tpu.memory_space<vmem>>, vector<1x16xf32>,
        %get3A_463 = vector.shape_cast %get3A_462 : vector<1x16xf32> to vector<16xf32>
        %mul3A_464 = vector.broadcast %squeeze3A_139 : f32 to vector<16xf32>
        %mul3A_465 = arith.mulf %mul3A_464, %get3A_463 : vector<16xf32>
        %add3A_466 = arith.addf %add3A_455, %mul3A_465 : vector<16xf32>
        %mul3A_467 = arith.constant 10 : i32
        %mul3A_468 = arith.muli %add3A_116, %mul3A_467 : i32
        %add3A_469 = arith.constant 9 : i32
        %add3A_470 = arith.addi %mul3A_468, %add3A_469 : i32
        %get3A_471 = arith.index_cast %add3A_470 : i32 to index
        %get3A_472 = arith.constant 32 : index
        %get3A_473 = tpu.vector_load %arg9[%get3A_471, %get3A_472] {strides = array<i32>} : memref<120x128xf32, #tpu.memory_space<vmem>>, vector<1x16xf32>,
        %get3A_474 = vector.shape_cast %get3A_473 : vector<1x16xf32> to vector<16xf32>
        %mul3A_475 = vector.broadcast %squeeze3A_141 : f32 to vector<16xf32>
        %mul3A_476 = arith.mulf %mul3A_475, %get3A_474 : vector<16xf32>
        %add3A_477 = arith.addf %add3A_466, %mul3A_476 : vector<16xf32>
        %mul3A_478 = arith.constant 128 : i32
        %mul3A_479 = arith.muli %add3A_116, %mul3A_478 : i32
        %add3A_480 = arith.constant 32 : i32
        %add3A_481 = arith.addi %mul3A_479, %add3A_480 : i32
        %swap3A_482 = arith.index_cast %add3A_481 : i32 to index
        %swap3A_483 = tpu.vector_load %arg11[%swap3A_482] {strides = array<i32>} : memref<1536xf32, #tpu.memory_space<vmem>>, vector<16xf32>,
        %swap3A_484 = vector.shape_cast %swap3A_483 : vector<16xf32> to vector<16xf32>
        %swap3A_485 = vector.shape_cast %add3A_477 : vector<16xf32> to vector<16xf32>
        tpu.vector_store %arg11[%swap3A_482], %swap3A_485 {strides = array<i32>} : memref<1536xf32, #tpu.memory_space<vmem>>, vector<16xf32>,
        %mul3A_486 = arith.constant 10 : i32
        %mul3A_487 = arith.muli %add3A_116, %mul3A_486 : i32
        %get3A_488 = arith.index_cast %mul3A_487 : i32 to index
        %get3A_489 = arith.constant 48 : index
        %get3A_490 = tpu.vector_load %arg9[%get3A_488, %get3A_489] {strides = array<i32>} : memref<120x128xf32, #tpu.memory_space<vmem>>, vector<1x16xf32>,
        %get3A_491 = vector.shape_cast %get3A_490 : vector<1x16xf32> to vector<16xf32>
        %mul3A_492 = vector.broadcast %squeeze3A : f32 to vector<16xf32>
        %mul3A_493 = arith.mulf %mul3A_492, %get3A_491 : vector<16xf32>
        %mul3A_494 = arith.constant 10 : i32
        %mul3A_495 = arith.muli %add3A_116, %mul3A_494 : i32
        %add3A_496 = arith.constant 1 : i32
        %add3A_497 = arith.addi %mul3A_495, %add3A_496 : i32
        %get3A_498 = arith.index_cast %add3A_497 : i32 to index
        %get3A_499 = arith.constant 48 : index
        %get3A_500 = tpu.vector_load %arg9[%get3A_498, %get3A_499] {strides = array<i32>} : memref<120x128xf32, #tpu.memory_space<vmem>>, vector<1x16xf32>,
        %get3A_501 = vector.shape_cast %get3A_500 : vector<1x16xf32> to vector<16xf32>
        %mul3A_502 = vector.broadcast %squeeze3A_125 : f32 to vector<16xf32>
        %mul3A_503 = arith.mulf %mul3A_502, %get3A_501 : vector<16xf32>
        %add3A_504 = arith.addf %mul3A_493, %mul3A_503 : vector<16xf32>
        %mul3A_505 = arith.constant 10 : i32
        %mul3A_506 = arith.muli %add3A_116, %mul3A_505 : i32
        %add3A_507 = arith.constant 2 : i32
        %add3A_508 = arith.addi %mul3A_506, %add3A_507 : i32
        %get3A_509 = arith.index_cast %add3A_508 : i32 to index
        %get3A_510 = arith.constant 48 : index
        %get3A_511 = tpu.vector_load %arg9[%get3A_509, %get3A_510] {strides = array<i32>} : memref<120x128xf32, #tpu.memory_space<vmem>>, vector<1x16xf32>,
        %get3A_512 = vector.shape_cast %get3A_511 : vector<1x16xf32> to vector<16xf32>
        %mul3A_513 = vector.broadcast %squeeze3A_127 : f32 to vector<16xf32>
        %mul3A_514 = arith.mulf %mul3A_513, %get3A_512 : vector<16xf32>
        %add3A_515 = arith.addf %add3A_504, %mul3A_514 : vector<16xf32>
        %mul3A_516 = arith.constant 10 : i32
        %mul3A_517 = arith.muli %add3A_116, %mul3A_516 : i32
        %add3A_518 = arith.constant 3 : i32
        %add3A_519 = arith.addi %mul3A_517, %add3A_518 : i32
        %get3A_520 = arith.index_cast %add3A_519 : i32 to index
        %get3A_521 = arith.constant 48 : index
        %get3A_522 = tpu.vector_load %arg9[%get3A_520, %get3A_521] {strides = array<i32>} : memref<120x128xf32, #tpu.memory_space<vmem>>, vector<1x16xf32>,
        %get3A_523 = vector.shape_cast %get3A_522 : vector<1x16xf32> to vector<16xf32>
        %mul3A_524 = vector.broadcast %squeeze3A_129 : f32 to vector<16xf32>
        %mul3A_525 = arith.mulf %mul3A_524, %get3A_523 : vector<16xf32>
        %add3A_526 = arith.addf %add3A_515, %mul3A_525 : vector<16xf32>
        %mul3A_527 = arith.constant 10 : i32
        %mul3A_528 = arith.muli %add3A_116, %mul3A_527 : i32
        %add3A_529 = arith.constant 4 : i32
        %add3A_530 = arith.addi %mul3A_528, %add3A_529 : i32
        %get3A_531 = arith.index_cast %add3A_530 : i32 to index
        %get3A_532 = arith.constant 48 : index
        %get3A_533 = tpu.vector_load %arg9[%get3A_531, %get3A_532] {strides = array<i32>} : memref<120x128xf32, #tpu.memory_space<vmem>>, vector<1x16xf32>,
        %get3A_534 = vector.shape_cast %get3A_533 : vector<1x16xf32> to vector<16xf32>
        %mul3A_535 = vector.broadcast %squeeze3A_131 : f32 to vector<16xf32>
        %mul3A_536 = arith.mulf %mul3A_535, %get3A_534 : vector<16xf32>
        %add3A_537 = arith.addf %add3A_526, %mul3A_536 : vector<16xf32>
        %mul3A_538 = arith.constant 10 : i32
        %mul3A_539 = arith.muli %add3A_116, %mul3A_538 : i32
        %add3A_540 = arith.constant 5 : i32
        %add3A_541 = arith.addi %mul3A_539, %add3A_540 : i32
        %get3A_542 = arith.index_cast %add3A_541 : i32 to index
        %get3A_543 = arith.constant 48 : index
        %get3A_544 = tpu.vector_load %arg9[%get3A_542, %get3A_543] {strides = array<i32>} : memref<120x128xf32, #tpu.memory_space<vmem>>, vector<1x16xf32>,
        %get3A_545 = vector.shape_cast %get3A_544 : vector<1x16xf32> to vector<16xf32>
        %mul3A_546 = vector.broadcast %squeeze3A_133 : f32 to vector<16xf32>
        %mul3A_547 = arith.mulf %mul3A_546, %get3A_545 : vector<16xf32>
        %add3A_548 = arith.addf %add3A_537, %mul3A_547 : vector<16xf32>
        %mul3A_549 = arith.constant 10 : i32
        %mul3A_550 = arith.muli %add3A_116, %mul3A_549 : i32
        %add3A_551 = arith.constant 6 : i32
        %add3A_552 = arith.addi %mul3A_550, %add3A_551 : i32
        %get3A_553 = arith.index_cast %add3A_552 : i32 to index
        %get3A_554 = arith.constant 48 : index
        %get3A_555 = tpu.vector_load %arg9[%get3A_553, %get3A_554] {strides = array<i32>} : memref<120x128xf32, #tpu.memory_space<vmem>>, vector<1x16xf32>,
        %get3A_556 = vector.shape_cast %get3A_555 : vector<1x16xf32> to vector<16xf32>
        %mul3A_557 = vector.broadcast %squeeze3A_135 : f32 to vector<16xf32>
        %mul3A_558 = arith.mulf %mul3A_557, %get3A_556 : vector<16xf32>
        %add3A_559 = arith.addf %add3A_548, %mul3A_558 : vector<16xf32>
        %mul3A_560 = arith.constant 10 : i32
        %mul3A_561 = arith.muli %add3A_116, %mul3A_560 : i32
        %add3A_562 = arith.constant 7 : i32
        %add3A_563 = arith.addi %mul3A_561, %add3A_562 : i32
        %get3A_564 = arith.index_cast %add3A_563 : i32 to index
        %get3A_565 = arith.constant 48 : index
        %get3A_566 = tpu.vector_load %arg9[%get3A_564, %get3A_565] {strides = array<i32>} : memref<120x128xf32, #tpu.memory_space<vmem>>, vector<1x16xf32>,
        %get3A_567 = vector.shape_cast %get3A_566 : vector<1x16xf32> to vector<16xf32>
        %mul3A_568 = vector.broadcast %squeeze3A_137 : f32 to vector<16xf32>
        %mul3A_569 = arith.mulf %mul3A_568, %get3A_567 : vector<16xf32>
        %add3A_570 = arith.addf %add3A_559, %mul3A_569 : vector<16xf32>
        %mul3A_571 = arith.constant 10 : i32
        %mul3A_572 = arith.muli %add3A_116, %mul3A_571 : i32
        %add3A_573 = arith.constant 8 : i32
        %add3A_574 = arith.addi %mul3A_572, %add3A_573 : i32
        %get3A_575 = arith.index_cast %add3A_574 : i32 to index
        %get3A_576 = arith.constant 48 : index
        %get3A_577 = tpu.vector_load %arg9[%get3A_575, %get3A_576] {strides = array<i32>} : memref<120x128xf32, #tpu.memory_space<vmem>>, vector<1x16xf32>,
        %get3A_578 = vector.shape_cast %get3A_577 : vector<1x16xf32> to vector<16xf32>
        %mul3A_579 = vector.broadcast %squeeze3A_139 : f32 to vector<16xf32>
        %mul3A_580 = arith.mulf %mul3A_579, %get3A_578 : vector<16xf32>
        %add3A_581 = arith.addf %add3A_570, %mul3A_580 : vector<16xf32>
        %mul3A_582 = arith.constant 10 : i32
        %mul3A_583 = arith.muli %add3A_116, %mul3A_582 : i32
        %add3A_584 = arith.constant 9 : i32
        %add3A_585 = arith.addi %mul3A_583, %add3A_584 : i32
        %get3A_586 = arith.index_cast %add3A_585 : i32 to index
        %get3A_587 = arith.constant 48 : index
        %get3A_588 = tpu.vector_load %arg9[%get3A_586, %get3A_587] {strides = array<i32>} : memref<120x128xf32, #tpu.memory_space<vmem>>, vector<1x16xf32>,
        %get3A_589 = vector.shape_cast %get3A_588 : vector<1x16xf32> to vector<16xf32>
        %mul3A_590 = vector.broadcast %squeeze3A_141 : f32 to vector<16xf32>
        %mul3A_591 = arith.mulf %mul3A_590, %get3A_589 : vector<16xf32>
        %add3A_592 = arith.addf %add3A_581, %mul3A_591 : vector<16xf32>
        %mul3A_593 = arith.constant 128 : i32
        %mul3A_594 = arith.muli %add3A_116, %mul3A_593 : i32
        %add3A_595 = arith.constant 48 : i32
        %add3A_596 = arith.addi %mul3A_594, %add3A_595 : i32
        %swap3A_597 = arith.index_cast %add3A_596 : i32 to index
        %swap3A_598 = tpu.vector_load %arg11[%swap3A_597] {strides = array<i32>} : memref<1536xf32, #tpu.memory_space<vmem>>, vector<16xf32>,
        %swap3A_599 = vector.shape_cast %swap3A_598 : vector<16xf32> to vector<16xf32>
        %swap3A_600 = vector.shape_cast %add3A_592 : vector<16xf32> to vector<16xf32>
        tpu.vector_store %arg11[%swap3A_597], %swap3A_600 {strides = array<i32>} : memref<1536xf32, #tpu.memory_space<vmem>>, vector<16xf32>,
        %mul3A_601 = arith.constant 10 : i32
        %mul3A_602 = arith.muli %add3A_116, %mul3A_601 : i32
        %get3A_603 = arith.index_cast %mul3A_602 : i32 to index
        %get3A_604 = arith.constant 64 : index
        %get3A_605 = tpu.vector_load %arg9[%get3A_603, %get3A_604] {strides = array<i32>} : memref<120x128xf32, #tpu.memory_space<vmem>>, vector<1x16xf32>,
        %get3A_606 = vector.shape_cast %get3A_605 : vector<1x16xf32> to vector<16xf32>
        %mul3A_607 = vector.broadcast %squeeze3A : f32 to vector<16xf32>
        %mul3A_608 = arith.mulf %mul3A_607, %get3A_606 : vector<16xf32>
        %mul3A_609 = arith.constant 10 : i32
        %mul3A_610 = arith.muli %add3A_116, %mul3A_609 : i32
        %add3A_611 = arith.constant 1 : i32
        %add3A_612 = arith.addi %mul3A_610, %add3A_611 : i32
        %get3A_613 = arith.index_cast %add3A_612 : i32 to index
        %get3A_614 = arith.constant 64 : index
        %get3A_615 = tpu.vector_load %arg9[%get3A_613, %get3A_614] {strides = array<i32>} : memref<120x128xf32, #tpu.memory_space<vmem>>, vector<1x16xf32>,
        %get3A_616 = vector.shape_cast %get3A_615 : vector<1x16xf32> to vector<16xf32>
        %mul3A_617 = vector.broadcast %squeeze3A_125 : f32 to vector<16xf32>
        %mul3A_618 = arith.mulf %mul3A_617, %get3A_616 : vector<16xf32>
        %add3A_619 = arith.addf %mul3A_608, %mul3A_618 : vector<16xf32>
        %mul3A_620 = arith.constant 10 : i32
        %mul3A_621 = arith.muli %add3A_116, %mul3A_620 : i32
        %add3A_622 = arith.constant 2 : i32
        %add3A_623 = arith.addi %mul3A_621, %add3A_622 : i32
        %get3A_624 = arith.index_cast %add3A_623 : i32 to index
        %get3A_625 = arith.constant 64 : index
        %get3A_626 = tpu.vector_load %arg9[%get3A_624, %get3A_625] {strides = array<i32>} : memref<120x128xf32, #tpu.memory_space<vmem>>, vector<1x16xf32>,
        %get3A_627 = vector.shape_cast %get3A_626 : vector<1x16xf32> to vector<16xf32>
        %mul3A_628 = vector.broadcast %squeeze3A_127 : f32 to vector<16xf32>
        %mul3A_629 = arith.mulf %mul3A_628, %get3A_627 : vector<16xf32>
        %add3A_630 = arith.addf %add3A_619, %mul3A_629 : vector<16xf32>
        %mul3A_631 = arith.constant 10 : i32
        %mul3A_632 = arith.muli %add3A_116, %mul3A_631 : i32
        %add3A_633 = arith.constant 3 : i32
        %add3A_634 = arith.addi %mul3A_632, %add3A_633 : i32
        %get3A_635 = arith.index_cast %add3A_634 : i32 to index
        %get3A_636 = arith.constant 64 : index
        %get3A_637 = tpu.vector_load %arg9[%get3A_635, %get3A_636] {strides = array<i32>} : memref<120x128xf32, #tpu.memory_space<vmem>>, vector<1x16xf32>,
        %get3A_638 = vector.shape_cast %get3A_637 : vector<1x16xf32> to vector<16xf32>
        %mul3A_639 = vector.broadcast %squeeze3A_129 : f32 to vector<16xf32>
        %mul3A_640 = arith.mulf %mul3A_639, %get3A_638 : vector<16xf32>
        %add3A_641 = arith.addf %add3A_630, %mul3A_640 : vector<16xf32>
        %mul3A_642 = arith.constant 10 : i32
        %mul3A_643 = arith.muli %add3A_116, %mul3A_642 : i32
        %add3A_644 = arith.constant 4 : i32
        %add3A_645 = arith.addi %mul3A_643, %add3A_644 : i32
        %get3A_646 = arith.index_cast %add3A_645 : i32 to index
        %get3A_647 = arith.constant 64 : index
        %get3A_648 = tpu.vector_load %arg9[%get3A_646, %get3A_647] {strides = array<i32>} : memref<120x128xf32, #tpu.memory_space<vmem>>, vector<1x16xf32>,
        %get3A_649 = vector.shape_cast %get3A_648 : vector<1x16xf32> to vector<16xf32>
        %mul3A_650 = vector.broadcast %squeeze3A_131 : f32 to vector<16xf32>
        %mul3A_651 = arith.mulf %mul3A_650, %get3A_649 : vector<16xf32>
        %add3A_652 = arith.addf %add3A_641, %mul3A_651 : vector<16xf32>
        %mul3A_653 = arith.constant 10 : i32
        %mul3A_654 = arith.muli %add3A_116, %mul3A_653 : i32
        %add3A_655 = arith.constant 5 : i32
        %add3A_656 = arith.addi %mul3A_654, %add3A_655 : i32
        %get3A_657 = arith.index_cast %add3A_656 : i32 to index
        %get3A_658 = arith.constant 64 : index
        %get3A_659 = tpu.vector_load %arg9[%get3A_657, %get3A_658] {strides = array<i32>} : memref<120x128xf32, #tpu.memory_space<vmem>>, vector<1x16xf32>,
        %get3A_660 = vector.shape_cast %get3A_659 : vector<1x16xf32> to vector<16xf32>
        %mul3A_661 = vector.broadcast %squeeze3A_133 : f32 to vector<16xf32>
        %mul3A_662 = arith.mulf %mul3A_661, %get3A_660 : vector<16xf32>
        %add3A_663 = arith.addf %add3A_652, %mul3A_662 : vector<16xf32>
        %mul3A_664 = arith.constant 10 : i32
        %mul3A_665 = arith.muli %add3A_116, %mul3A_664 : i32
        %add3A_666 = arith.constant 6 : i32
        %add3A_667 = arith.addi %mul3A_665, %add3A_666 : i32
        %get3A_668 = arith.index_cast %add3A_667 : i32 to index
        %get3A_669 = arith.constant 64 : index
        %get3A_670 = tpu.vector_load %arg9[%get3A_668, %get3A_669] {strides = array<i32>} : memref<120x128xf32, #tpu.memory_space<vmem>>, vector<1x16xf32>,
        %get3A_671 = vector.shape_cast %get3A_670 : vector<1x16xf32> to vector<16xf32>
        %mul3A_672 = vector.broadcast %squeeze3A_135 : f32 to vector<16xf32>
        %mul3A_673 = arith.mulf %mul3A_672, %get3A_671 : vector<16xf32>
        %add3A_674 = arith.addf %add3A_663, %mul3A_673 : vector<16xf32>
        %mul3A_675 = arith.constant 10 : i32
        %mul3A_676 = arith.muli %add3A_116, %mul3A_675 : i32
        %add3A_677 = arith.constant 7 : i32
        %add3A_678 = arith.addi %mul3A_676, %add3A_677 : i32
        %get3A_679 = arith.index_cast %add3A_678 : i32 to index
        %get3A_680 = arith.constant 64 : index
        %get3A_681 = tpu.vector_load %arg9[%get3A_679, %get3A_680] {strides = array<i32>} : memref<120x128xf32, #tpu.memory_space<vmem>>, vector<1x16xf32>,
        %get3A_682 = vector.shape_cast %get3A_681 : vector<1x16xf32> to vector<16xf32>
        %mul3A_683 = vector.broadcast %squeeze3A_137 : f32 to vector<16xf32>
        %mul3A_684 = arith.mulf %mul3A_683, %get3A_682 : vector<16xf32>
        %add3A_685 = arith.addf %add3A_674, %mul3A_684 : vector<16xf32>
        %mul3A_686 = arith.constant 10 : i32
        %mul3A_687 = arith.muli %add3A_116, %mul3A_686 : i32
        %add3A_688 = arith.constant 8 : i32
        %add3A_689 = arith.addi %mul3A_687, %add3A_688 : i32
        %get3A_690 = arith.index_cast %add3A_689 : i32 to index
        %get3A_691 = arith.constant 64 : index
        %get3A_692 = tpu.vector_load %arg9[%get3A_690, %get3A_691] {strides = array<i32>} : memref<120x128xf32, #tpu.memory_space<vmem>>, vector<1x16xf32>,
        %get3A_693 = vector.shape_cast %get3A_692 : vector<1x16xf32> to vector<16xf32>
        %mul3A_694 = vector.broadcast %squeeze3A_139 : f32 to vector<16xf32>
        %mul3A_695 = arith.mulf %mul3A_694, %get3A_693 : vector<16xf32>
        %add3A_696 = arith.addf %add3A_685, %mul3A_695 : vector<16xf32>
        %mul3A_697 = arith.constant 10 : i32
        %mul3A_698 = arith.muli %add3A_116, %mul3A_697 : i32
        %add3A_699 = arith.constant 9 : i32
        %add3A_700 = arith.addi %mul3A_698, %add3A_699 : i32
        %get3A_701 = arith.index_cast %add3A_700 : i32 to index
        %get3A_702 = arith.constant 64 : index
        %get3A_703 = tpu.vector_load %arg9[%get3A_701, %get3A_702] {strides = array<i32>} : memref<120x128xf32, #tpu.memory_space<vmem>>, vector<1x16xf32>,
        %get3A_704 = vector.shape_cast %get3A_703 : vector<1x16xf32> to vector<16xf32>
        %mul3A_705 = vector.broadcast %squeeze3A_141 : f32 to vector<16xf32>
        %mul3A_706 = arith.mulf %mul3A_705, %get3A_704 : vector<16xf32>
        %add3A_707 = arith.addf %add3A_696, %mul3A_706 : vector<16xf32>
        %mul3A_708 = arith.constant 128 : i32
        %mul3A_709 = arith.muli %add3A_116, %mul3A_708 : i32
        %add3A_710 = arith.constant 64 : i32
        %add3A_711 = arith.addi %mul3A_709, %add3A_710 : i32
        %swap3A_712 = arith.index_cast %add3A_711 : i32 to index
        %swap3A_713 = tpu.vector_load %arg11[%swap3A_712] {strides = array<i32>} : memref<1536xf32, #tpu.memory_space<vmem>>, vector<16xf32>,
        %swap3A_714 = vector.shape_cast %swap3A_713 : vector<16xf32> to vector<16xf32>
        %swap3A_715 = vector.shape_cast %add3A_707 : vector<16xf32> to vector<16xf32>
        tpu.vector_store %arg11[%swap3A_712], %swap3A_715 {strides = array<i32>} : memref<1536xf32, #tpu.memory_space<vmem>>, vector<16xf32>,
        %mul3A_716 = arith.constant 10 : i32
        %mul3A_717 = arith.muli %add3A_116, %mul3A_716 : i32
        %get3A_718 = arith.index_cast %mul3A_717 : i32 to index
        %get3A_719 = arith.constant 80 : index
        %get3A_720 = tpu.vector_load %arg9[%get3A_718, %get3A_719] {strides = array<i32>} : memref<120x128xf32, #tpu.memory_space<vmem>>, vector<1x16xf32>,
        %get3A_721 = vector.shape_cast %get3A_720 : vector<1x16xf32> to vector<16xf32>
        %mul3A_722 = vector.broadcast %squeeze3A : f32 to vector<16xf32>
        %mul3A_723 = arith.mulf %mul3A_722, %get3A_721 : vector<16xf32>
        %mul3A_724 = arith.constant 10 : i32
        %mul3A_725 = arith.muli %add3A_116, %mul3A_724 : i32
        %add3A_726 = arith.constant 1 : i32
        %add3A_727 = arith.addi %mul3A_725, %add3A_726 : i32
        %get3A_728 = arith.index_cast %add3A_727 : i32 to index
        %get3A_729 = arith.constant 80 : index
        %get3A_730 = tpu.vector_load %arg9[%get3A_728, %get3A_729] {strides = array<i32>} : memref<120x128xf32, #tpu.memory_space<vmem>>, vector<1x16xf32>,
        %get3A_731 = vector.shape_cast %get3A_730 : vector<1x16xf32> to vector<16xf32>
        %mul3A_732 = vector.broadcast %squeeze3A_125 : f32 to vector<16xf32>
        %mul3A_733 = arith.mulf %mul3A_732, %get3A_731 : vector<16xf32>
        %add3A_734 = arith.addf %mul3A_723, %mul3A_733 : vector<16xf32>
        %mul3A_735 = arith.constant 10 : i32
        %mul3A_736 = arith.muli %add3A_116, %mul3A_735 : i32
        %add3A_737 = arith.constant 2 : i32
        %add3A_738 = arith.addi %mul3A_736, %add3A_737 : i32
        %get3A_739 = arith.index_cast %add3A_738 : i32 to index
        %get3A_740 = arith.constant 80 : index
        %get3A_741 = tpu.vector_load %arg9[%get3A_739, %get3A_740] {strides = array<i32>} : memref<120x128xf32, #tpu.memory_space<vmem>>, vector<1x16xf32>,
        %get3A_742 = vector.shape_cast %get3A_741 : vector<1x16xf32> to vector<16xf32>
        %mul3A_743 = vector.broadcast %squeeze3A_127 : f32 to vector<16xf32>
        %mul3A_744 = arith.mulf %mul3A_743, %get3A_742 : vector<16xf32>
        %add3A_745 = arith.addf %add3A_734, %mul3A_744 : vector<16xf32>
        %mul3A_746 = arith.constant 10 : i32
        %mul3A_747 = arith.muli %add3A_116, %mul3A_746 : i32
        %add3A_748 = arith.constant 3 : i32
        %add3A_749 = arith.addi %mul3A_747, %add3A_748 : i32
        %get3A_750 = arith.index_cast %add3A_749 : i32 to index
        %get3A_751 = arith.constant 80 : index
        %get3A_752 = tpu.vector_load %arg9[%get3A_750, %get3A_751] {strides = array<i32>} : memref<120x128xf32, #tpu.memory_space<vmem>>, vector<1x16xf32>,
        %get3A_753 = vector.shape_cast %get3A_752 : vector<1x16xf32> to vector<16xf32>
        %mul3A_754 = vector.broadcast %squeeze3A_129 : f32 to vector<16xf32>
        %mul3A_755 = arith.mulf %mul3A_754, %get3A_753 : vector<16xf32>
        %add3A_756 = arith.addf %add3A_745, %mul3A_755 : vector<16xf32>
        %mul3A_757 = arith.constant 10 : i32
        %mul3A_758 = arith.muli %add3A_116, %mul3A_757 : i32
        %add3A_759 = arith.constant 4 : i32
        %add3A_760 = arith.addi %mul3A_758, %add3A_759 : i32
        %get3A_761 = arith.index_cast %add3A_760 : i32 to index
        %get3A_762 = arith.constant 80 : index
        %get3A_763 = tpu.vector_load %arg9[%get3A_761, %get3A_762] {strides = array<i32>} : memref<120x128xf32, #tpu.memory_space<vmem>>, vector<1x16xf32>,
        %get3A_764 = vector.shape_cast %get3A_763 : vector<1x16xf32> to vector<16xf32>
        %mul3A_765 = vector.broadcast %squeeze3A_131 : f32 to vector<16xf32>
        %mul3A_766 = arith.mulf %mul3A_765, %get3A_764 : vector<16xf32>
        %add3A_767 = arith.addf %add3A_756, %mul3A_766 : vector<16xf32>
        %mul3A_768 = arith.constant 10 : i32
        %mul3A_769 = arith.muli %add3A_116, %mul3A_768 : i32
        %add3A_770 = arith.constant 5 : i32
        %add3A_771 = arith.addi %mul3A_769, %add3A_770 : i32
        %get3A_772 = arith.index_cast %add3A_771 : i32 to index
        %get3A_773 = arith.constant 80 : index
        %get3A_774 = tpu.vector_load %arg9[%get3A_772, %get3A_773] {strides = array<i32>} : memref<120x128xf32, #tpu.memory_space<vmem>>, vector<1x16xf32>,
        %get3A_775 = vector.shape_cast %get3A_774 : vector<1x16xf32> to vector<16xf32>
        %mul3A_776 = vector.broadcast %squeeze3A_133 : f32 to vector<16xf32>
        %mul3A_777 = arith.mulf %mul3A_776, %get3A_775 : vector<16xf32>
        %add3A_778 = arith.addf %add3A_767, %mul3A_777 : vector<16xf32>
        %mul3A_779 = arith.constant 10 : i32
        %mul3A_780 = arith.muli %add3A_116, %mul3A_779 : i32
        %add3A_781 = arith.constant 6 : i32
        %add3A_782 = arith.addi %mul3A_780, %add3A_781 : i32
        %get3A_783 = arith.index_cast %add3A_782 : i32 to index
        %get3A_784 = arith.constant 80 : index
        %get3A_785 = tpu.vector_load %arg9[%get3A_783, %get3A_784] {strides = array<i32>} : memref<120x128xf32, #tpu.memory_space<vmem>>, vector<1x16xf32>,
        %get3A_786 = vector.shape_cast %get3A_785 : vector<1x16xf32> to vector<16xf32>
        %mul3A_787 = vector.broadcast %squeeze3A_135 : f32 to vector<16xf32>
        %mul3A_788 = arith.mulf %mul3A_787, %get3A_786 : vector<16xf32>
        %add3A_789 = arith.addf %add3A_778, %mul3A_788 : vector<16xf32>
        %mul3A_790 = arith.constant 10 : i32
        %mul3A_791 = arith.muli %add3A_116, %mul3A_790 : i32
        %add3A_792 = arith.constant 7 : i32
        %add3A_793 = arith.addi %mul3A_791, %add3A_792 : i32
        %get3A_794 = arith.index_cast %add3A_793 : i32 to index
        %get3A_795 = arith.constant 80 : index
        %get3A_796 = tpu.vector_load %arg9[%get3A_794, %get3A_795] {strides = array<i32>} : memref<120x128xf32, #tpu.memory_space<vmem>>, vector<1x16xf32>,
        %get3A_797 = vector.shape_cast %get3A_796 : vector<1x16xf32> to vector<16xf32>
        %mul3A_798 = vector.broadcast %squeeze3A_137 : f32 to vector<16xf32>
        %mul3A_799 = arith.mulf %mul3A_798, %get3A_797 : vector<16xf32>
        %add3A_800 = arith.addf %add3A_789, %mul3A_799 : vector<16xf32>
        %mul3A_801 = arith.constant 10 : i32
        %mul3A_802 = arith.muli %add3A_116, %mul3A_801 : i32
        %add3A_803 = arith.constant 8 : i32
        %add3A_804 = arith.addi %mul3A_802, %add3A_803 : i32
        %get3A_805 = arith.index_cast %add3A_804 : i32 to index
        %get3A_806 = arith.constant 80 : index
        %get3A_807 = tpu.vector_load %arg9[%get3A_805, %get3A_806] {strides = array<i32>} : memref<120x128xf32, #tpu.memory_space<vmem>>, vector<1x16xf32>,
        %get3A_808 = vector.shape_cast %get3A_807 : vector<1x16xf32> to vector<16xf32>
        %mul3A_809 = vector.broadcast %squeeze3A_139 : f32 to vector<16xf32>
        %mul3A_810 = arith.mulf %mul3A_809, %get3A_808 : vector<16xf32>
        %add3A_811 = arith.addf %add3A_800, %mul3A_810 : vector<16xf32>
        %mul3A_812 = arith.constant 10 : i32
        %mul3A_813 = arith.muli %add3A_116, %mul3A_812 : i32
        %add3A_814 = arith.constant 9 : i32
        %add3A_815 = arith.addi %mul3A_813, %add3A_814 : i32
        %get3A_816 = arith.index_cast %add3A_815 : i32 to index
        %get3A_817 = arith.constant 80 : index
        %get3A_818 = tpu.vector_load %arg9[%get3A_816, %get3A_817] {strides = array<i32>} : memref<120x128xf32, #tpu.memory_space<vmem>>, vector<1x16xf32>,
        %get3A_819 = vector.shape_cast %get3A_818 : vector<1x16xf32> to vector<16xf32>
        %mul3A_820 = vector.broadcast %squeeze3A_141 : f32 to vector<16xf32>
        %mul3A_821 = arith.mulf %mul3A_820, %get3A_819 : vector<16xf32>
        %add3A_822 = arith.addf %add3A_811, %mul3A_821 : vector<16xf32>
        %mul3A_823 = arith.constant 128 : i32
        %mul3A_824 = arith.muli %add3A_116, %mul3A_823 : i32
        %add3A_825 = arith.constant 80 : i32
        %add3A_826 = arith.addi %mul3A_824, %add3A_825 : i32
        %swap3A_827 = arith.index_cast %add3A_826 : i32 to index
        %swap3A_828 = tpu.vector_load %arg11[%swap3A_827] {strides = array<i32>} : memref<1536xf32, #tpu.memory_space<vmem>>, vector<16xf32>,
        %swap3A_829 = vector.shape_cast %swap3A_828 : vector<16xf32> to vector<16xf32>
        %swap3A_830 = vector.shape_cast %add3A_822 : vector<16xf32> to vector<16xf32>
        tpu.vector_store %arg11[%swap3A_827], %swap3A_830 {strides = array<i32>} : memref<1536xf32, #tpu.memory_space<vmem>>, vector<16xf32>,
        %mul3A_831 = arith.constant 10 : i32
        %mul3A_832 = arith.muli %add3A_116, %mul3A_831 : i32
        %get3A_833 = arith.index_cast %mul3A_832 : i32 to index
        %get3A_834 = arith.constant 96 : index
        %get3A_835 = tpu.vector_load %arg9[%get3A_833, %get3A_834] {strides = array<i32>} : memref<120x128xf32, #tpu.memory_space<vmem>>, vector<1x16xf32>,
        %get3A_836 = vector.shape_cast %get3A_835 : vector<1x16xf32> to vector<16xf32>
        %mul3A_837 = vector.broadcast %squeeze3A : f32 to vector<16xf32>
        %mul3A_838 = arith.mulf %mul3A_837, %get3A_836 : vector<16xf32>
        %mul3A_839 = arith.constant 10 : i32
        %mul3A_840 = arith.muli %add3A_116, %mul3A_839 : i32
        %add3A_841 = arith.constant 1 : i32
        %add3A_842 = arith.addi %mul3A_840, %add3A_841 : i32
        %get3A_843 = arith.index_cast %add3A_842 : i32 to index
        %get3A_844 = arith.constant 96 : index
        %get3A_845 = tpu.vector_load %arg9[%get3A_843, %get3A_844] {strides = array<i32>} : memref<120x128xf32, #tpu.memory_space<vmem>>, vector<1x16xf32>,
        %get3A_846 = vector.shape_cast %get3A_845 : vector<1x16xf32> to vector<16xf32>
        %mul3A_847 = vector.broadcast %squeeze3A_125 : f32 to vector<16xf32>
        %mul3A_848 = arith.mulf %mul3A_847, %get3A_846 : vector<16xf32>
        %add3A_849 = arith.addf %mul3A_838, %mul3A_848 : vector<16xf32>
        %mul3A_850 = arith.constant 10 : i32
        %mul3A_851 = arith.muli %add3A_116, %mul3A_850 : i32
        %add3A_852 = arith.constant 2 : i32
        %add3A_853 = arith.addi %mul3A_851, %add3A_852 : i32
        %get3A_854 = arith.index_cast %add3A_853 : i32 to index
        %get3A_855 = arith.constant 96 : index
        %get3A_856 = tpu.vector_load %arg9[%get3A_854, %get3A_855] {strides = array<i32>} : memref<120x128xf32, #tpu.memory_space<vmem>>, vector<1x16xf32>,
        %get3A_857 = vector.shape_cast %get3A_856 : vector<1x16xf32> to vector<16xf32>
        %mul3A_858 = vector.broadcast %squeeze3A_127 : f32 to vector<16xf32>
        %mul3A_859 = arith.mulf %mul3A_858, %get3A_857 : vector<16xf32>
        %add3A_860 = arith.addf %add3A_849, %mul3A_859 : vector<16xf32>
        %mul3A_861 = arith.constant 10 : i32
        %mul3A_862 = arith.muli %add3A_116, %mul3A_861 : i32
        %add3A_863 = arith.constant 3 : i32
        %add3A_864 = arith.addi %mul3A_862, %add3A_863 : i32
        %get3A_865 = arith.index_cast %add3A_864 : i32 to index
        %get3A_866 = arith.constant 96 : index
        %get3A_867 = tpu.vector_load %arg9[%get3A_865, %get3A_866] {strides = array<i32>} : memref<120x128xf32, #tpu.memory_space<vmem>>, vector<1x16xf32>,
        %get3A_868 = vector.shape_cast %get3A_867 : vector<1x16xf32> to vector<16xf32>
        %mul3A_869 = vector.broadcast %squeeze3A_129 : f32 to vector<16xf32>
        %mul3A_870 = arith.mulf %mul3A_869, %get3A_868 : vector<16xf32>
        %add3A_871 = arith.addf %add3A_860, %mul3A_870 : vector<16xf32>
        %mul3A_872 = arith.constant 10 : i32
        %mul3A_873 = arith.muli %add3A_116, %mul3A_872 : i32
        %add3A_874 = arith.constant 4 : i32
        %add3A_875 = arith.addi %mul3A_873, %add3A_874 : i32
        %get3A_876 = arith.index_cast %add3A_875 : i32 to index
        %get3A_877 = arith.constant 96 : index
        %get3A_878 = tpu.vector_load %arg9[%get3A_876, %get3A_877] {strides = array<i32>} : memref<120x128xf32, #tpu.memory_space<vmem>>, vector<1x16xf32>,
        %get3A_879 = vector.shape_cast %get3A_878 : vector<1x16xf32> to vector<16xf32>
        %mul3A_880 = vector.broadcast %squeeze3A_131 : f32 to vector<16xf32>
        %mul3A_881 = arith.mulf %mul3A_880, %get3A_879 : vector<16xf32>
        %add3A_882 = arith.addf %add3A_871, %mul3A_881 : vector<16xf32>
        %mul3A_883 = arith.constant 10 : i32
        %mul3A_884 = arith.muli %add3A_116, %mul3A_883 : i32
        %add3A_885 = arith.constant 5 : i32
        %add3A_886 = arith.addi %mul3A_884, %add3A_885 : i32
        %get3A_887 = arith.index_cast %add3A_886 : i32 to index
        %get3A_888 = arith.constant 96 : index
        %get3A_889 = tpu.vector_load %arg9[%get3A_887, %get3A_888] {strides = array<i32>} : memref<120x128xf32, #tpu.memory_space<vmem>>, vector<1x16xf32>,
        %get3A_890 = vector.shape_cast %get3A_889 : vector<1x16xf32> to vector<16xf32>
        %mul3A_891 = vector.broadcast %squeeze3A_133 : f32 to vector<16xf32>
        %mul3A_892 = arith.mulf %mul3A_891, %get3A_890 : vector<16xf32>
        %add3A_893 = arith.addf %add3A_882, %mul3A_892 : vector<16xf32>
        %mul3A_894 = arith.constant 10 : i32
        %mul3A_895 = arith.muli %add3A_116, %mul3A_894 : i32
        %add3A_896 = arith.constant 6 : i32
        %add3A_897 = arith.addi %mul3A_895, %add3A_896 : i32
        %get3A_898 = arith.index_cast %add3A_897 : i32 to index
        %get3A_899 = arith.constant 96 : index
        %get3A_900 = tpu.vector_load %arg9[%get3A_898, %get3A_899] {strides = array<i32>} : memref<120x128xf32, #tpu.memory_space<vmem>>, vector<1x16xf32>,
        %get3A_901 = vector.shape_cast %get3A_900 : vector<1x16xf32> to vector<16xf32>
        %mul3A_902 = vector.broadcast %squeeze3A_135 : f32 to vector<16xf32>
        %mul3A_903 = arith.mulf %mul3A_902, %get3A_901 : vector<16xf32>
        %add3A_904 = arith.addf %add3A_893, %mul3A_903 : vector<16xf32>
        %mul3A_905 = arith.constant 10 : i32
        %mul3A_906 = arith.muli %add3A_116, %mul3A_905 : i32
        %add3A_907 = arith.constant 7 : i32
        %add3A_908 = arith.addi %mul3A_906, %add3A_907 : i32
        %get3A_909 = arith.index_cast %add3A_908 : i32 to index
        %get3A_910 = arith.constant 96 : index
        %get3A_911 = tpu.vector_load %arg9[%get3A_909, %get3A_910] {strides = array<i32>} : memref<120x128xf32, #tpu.memory_space<vmem>>, vector<1x16xf32>,
        %get3A_912 = vector.shape_cast %get3A_911 : vector<1x16xf32> to vector<16xf32>
        %mul3A_913 = vector.broadcast %squeeze3A_137 : f32 to vector<16xf32>
        %mul3A_914 = arith.mulf %mul3A_913, %get3A_912 : vector<16xf32>
        %add3A_915 = arith.addf %add3A_904, %mul3A_914 : vector<16xf32>
        %mul3A_916 = arith.constant 10 : i32
        %mul3A_917 = arith.muli %add3A_116, %mul3A_916 : i32
        %add3A_918 = arith.constant 8 : i32
        %add3A_919 = arith.addi %mul3A_917, %add3A_918 : i32
        %get3A_920 = arith.index_cast %add3A_919 : i32 to index
        %get3A_921 = arith.constant 96 : index
        %get3A_922 = tpu.vector_load %arg9[%get3A_920, %get3A_921] {strides = array<i32>} : memref<120x128xf32, #tpu.memory_space<vmem>>, vector<1x16xf32>,
        %get3A_923 = vector.shape_cast %get3A_922 : vector<1x16xf32> to vector<16xf32>
        %mul3A_924 = vector.broadcast %squeeze3A_139 : f32 to vector<16xf32>
        %mul3A_925 = arith.mulf %mul3A_924, %get3A_923 : vector<16xf32>
        %add3A_926 = arith.addf %add3A_915, %mul3A_925 : vector<16xf32>
        %mul3A_927 = arith.constant 10 : i32
        %mul3A_928 = arith.muli %add3A_116, %mul3A_927 : i32
        %add3A_929 = arith.constant 9 : i32
        %add3A_930 = arith.addi %mul3A_928, %add3A_929 : i32
        %get3A_931 = arith.index_cast %add3A_930 : i32 to index
        %get3A_932 = arith.constant 96 : index
        %get3A_933 = tpu.vector_load %arg9[%get3A_931, %get3A_932] {strides = array<i32>} : memref<120x128xf32, #tpu.memory_space<vmem>>, vector<1x16xf32>,
        %get3A_934 = vector.shape_cast %get3A_933 : vector<1x16xf32> to vector<16xf32>
        %mul3A_935 = vector.broadcast %squeeze3A_141 : f32 to vector<16xf32>
        %mul3A_936 = arith.mulf %mul3A_935, %get3A_934 : vector<16xf32>
        %add3A_937 = arith.addf %add3A_926, %mul3A_936 : vector<16xf32>
        %mul3A_938 = arith.constant 128 : i32
        %mul3A_939 = arith.muli %add3A_116, %mul3A_938 : i32
        %add3A_940 = arith.constant 96 : i32
        %add3A_941 = arith.addi %mul3A_939, %add3A_940 : i32
        %swap3A_942 = arith.index_cast %add3A_941 : i32 to index
        %swap3A_943 = tpu.vector_load %arg11[%swap3A_942] {strides = array<i32>} : memref<1536xf32, #tpu.memory_space<vmem>>, vector<16xf32>,
        %swap3A_944 = vector.shape_cast %swap3A_943 : vector<16xf32> to vector<16xf32>
        %swap3A_945 = vector.shape_cast %add3A_937 : vector<16xf32> to vector<16xf32>
        tpu.vector_store %arg11[%swap3A_942], %swap3A_945 {strides = array<i32>} : memref<1536xf32, #tpu.memory_space<vmem>>, vector<16xf32>,
        %mul3A_946 = arith.constant 10 : i32
        %mul3A_947 = arith.muli %add3A_116, %mul3A_946 : i32
        %get3A_948 = arith.index_cast %mul3A_947 : i32 to index
        %get3A_949 = arith.constant 112 : index
        %get3A_950 = tpu.vector_load %arg9[%get3A_948, %get3A_949] {strides = array<i32>} : memref<120x128xf32, #tpu.memory_space<vmem>>, vector<1x16xf32>,
        %get3A_951 = vector.shape_cast %get3A_950 : vector<1x16xf32> to vector<16xf32>
        %mul3A_952 = vector.broadcast %squeeze3A : f32 to vector<16xf32>
        %mul3A_953 = arith.mulf %mul3A_952, %get3A_951 : vector<16xf32>
        %mul3A_954 = arith.constant 10 : i32
        %mul3A_955 = arith.muli %add3A_116, %mul3A_954 : i32
        %add3A_956 = arith.constant 1 : i32
        %add3A_957 = arith.addi %mul3A_955, %add3A_956 : i32
        %get3A_958 = arith.index_cast %add3A_957 : i32 to index
        %get3A_959 = arith.constant 112 : index
        %get3A_960 = tpu.vector_load %arg9[%get3A_958, %get3A_959] {strides = array<i32>} : memref<120x128xf32, #tpu.memory_space<vmem>>, vector<1x16xf32>,
        %get3A_961 = vector.shape_cast %get3A_960 : vector<1x16xf32> to vector<16xf32>
        %mul3A_962 = vector.broadcast %squeeze3A_125 : f32 to vector<16xf32>
        %mul3A_963 = arith.mulf %mul3A_962, %get3A_961 : vector<16xf32>
        %add3A_964 = arith.addf %mul3A_953, %mul3A_963 : vector<16xf32>
        %mul3A_965 = arith.constant 10 : i32
        %mul3A_966 = arith.muli %add3A_116, %mul3A_965 : i32
        %add3A_967 = arith.constant 2 : i32
        %add3A_968 = arith.addi %mul3A_966, %add3A_967 : i32
        %get3A_969 = arith.index_cast %add3A_968 : i32 to index
        %get3A_970 = arith.constant 112 : index
        %get3A_971 = tpu.vector_load %arg9[%get3A_969, %get3A_970] {strides = array<i32>} : memref<120x128xf32, #tpu.memory_space<vmem>>, vector<1x16xf32>,
        %get3A_972 = vector.shape_cast %get3A_971 : vector<1x16xf32> to vector<16xf32>
        %mul3A_973 = vector.broadcast %squeeze3A_127 : f32 to vector<16xf32>
        %mul3A_974 = arith.mulf %mul3A_973, %get3A_972 : vector<16xf32>
        %add3A_975 = arith.addf %add3A_964, %mul3A_974 : vector<16xf32>
        %mul3A_976 = arith.constant 10 : i32
        %mul3A_977 = arith.muli %add3A_116, %mul3A_976 : i32
        %add3A_978 = arith.constant 3 : i32
        %add3A_979 = arith.addi %mul3A_977, %add3A_978 : i32
        %get3A_980 = arith.index_cast %add3A_979 : i32 to index
        %get3A_981 = arith.constant 112 : index
        %get3A_982 = tpu.vector_load %arg9[%get3A_980, %get3A_981] {strides = array<i32>} : memref<120x128xf32, #tpu.memory_space<vmem>>, vector<1x16xf32>,
        %get3A_983 = vector.shape_cast %get3A_982 : vector<1x16xf32> to vector<16xf32>
        %mul3A_984 = vector.broadcast %squeeze3A_129 : f32 to vector<16xf32>
        %mul3A_985 = arith.mulf %mul3A_984, %get3A_983 : vector<16xf32>
        %add3A_986 = arith.addf %add3A_975, %mul3A_985 : vector<16xf32>
        %mul3A_987 = arith.constant 10 : i32
        %mul3A_988 = arith.muli %add3A_116, %mul3A_987 : i32
        %add3A_989 = arith.constant 4 : i32
        %add3A_990 = arith.addi %mul3A_988, %add3A_989 : i32
        %get3A_991 = arith.index_cast %add3A_990 : i32 to index
        %get3A_992 = arith.constant 112 : index
        %get3A_993 = tpu.vector_load %arg9[%get3A_991, %get3A_992] {strides = array<i32>} : memref<120x128xf32, #tpu.memory_space<vmem>>, vector<1x16xf32>,
        %get3A_994 = vector.shape_cast %get3A_993 : vector<1x16xf32> to vector<16xf32>
        %mul3A_995 = vector.broadcast %squeeze3A_131 : f32 to vector<16xf32>
        %mul3A_996 = arith.mulf %mul3A_995, %get3A_994 : vector<16xf32>
        %add3A_997 = arith.addf %add3A_986, %mul3A_996 : vector<16xf32>
        %mul3A_998 = arith.constant 10 : i32
        %mul3A_999 = arith.muli %add3A_116, %mul3A_998 : i32
        %add3A_1000 = arith.constant 5 : i32
        %add3A_1001 = arith.addi %mul3A_999, %add3A_1000 : i32
        %get3A_1002 = arith.index_cast %add3A_1001 : i32 to index
        %get3A_1003 = arith.constant 112 : index
        %get3A_1004 = tpu.vector_load %arg9[%get3A_1002, %get3A_1003] {strides = array<i32>} : memref<120x128xf32, #tpu.memory_space<vmem>>, vector<1x16xf32>,
        %get3A_1005 = vector.shape_cast %get3A_1004 : vector<1x16xf32> to vector<16xf32>
        %mul3A_1006 = vector.broadcast %squeeze3A_133 : f32 to vector<16xf32>
        %mul3A_1007 = arith.mulf %mul3A_1006, %get3A_1005 : vector<16xf32>
        %add3A_1008 = arith.addf %add3A_997, %mul3A_1007 : vector<16xf32>
        %mul3A_1009 = arith.constant 10 : i32
        %mul3A_1010 = arith.muli %add3A_116, %mul3A_1009 : i32
        %add3A_1011 = arith.constant 6 : i32
        %add3A_1012 = arith.addi %mul3A_1010, %add3A_1011 : i32
        %get3A_1013 = arith.index_cast %add3A_1012 : i32 to index
        %get3A_1014 = arith.constant 112 : index
        %get3A_1015 = tpu.vector_load %arg9[%get3A_1013, %get3A_1014] {strides = array<i32>} : memref<120x128xf32, #tpu.memory_space<vmem>>, vector<1x16xf32>,
        %get3A_1016 = vector.shape_cast %get3A_1015 : vector<1x16xf32> to vector<16xf32>
        %mul3A_1017 = vector.broadcast %squeeze3A_135 : f32 to vector<16xf32>
        %mul3A_1018 = arith.mulf %mul3A_1017, %get3A_1016 : vector<16xf32>
        %add3A_1019 = arith.addf %add3A_1008, %mul3A_1018 : vector<16xf32>
        %mul3A_1020 = arith.constant 10 : i32
        %mul3A_1021 = arith.muli %add3A_116, %mul3A_1020 : i32
        %add3A_1022 = arith.constant 7 : i32
        %add3A_1023 = arith.addi %mul3A_1021, %add3A_1022 : i32
        %get3A_1024 = arith.index_cast %add3A_1023 : i32 to index
        %get3A_1025 = arith.constant 112 : index
        %get3A_1026 = tpu.vector_load %arg9[%get3A_1024, %get3A_1025] {strides = array<i32>} : memref<120x128xf32, #tpu.memory_space<vmem>>, vector<1x16xf32>,
        %get3A_1027 = vector.shape_cast %get3A_1026 : vector<1x16xf32> to vector<16xf32>
        %mul3A_1028 = vector.broadcast %squeeze3A_137 : f32 to vector<16xf32>
        %mul3A_1029 = arith.mulf %mul3A_1028, %get3A_1027 : vector<16xf32>
        %add3A_1030 = arith.addf %add3A_1019, %mul3A_1029 : vector<16xf32>
        %mul3A_1031 = arith.constant 10 : i32
        %mul3A_1032 = arith.muli %add3A_116, %mul3A_1031 : i32
        %add3A_1033 = arith.constant 8 : i32
        %add3A_1034 = arith.addi %mul3A_1032, %add3A_1033 : i32
        %get3A_1035 = arith.index_cast %add3A_1034 : i32 to index
        %get3A_1036 = arith.constant 112 : index
        %get3A_1037 = tpu.vector_load %arg9[%get3A_1035, %get3A_1036] {strides = array<i32>} : memref<120x128xf32, #tpu.memory_space<vmem>>, vector<1x16xf32>,
        %get3A_1038 = vector.shape_cast %get3A_1037 : vector<1x16xf32> to vector<16xf32>
        %mul3A_1039 = vector.broadcast %squeeze3A_139 : f32 to vector<16xf32>
        %mul3A_1040 = arith.mulf %mul3A_1039, %get3A_1038 : vector<16xf32>
        %add3A_1041 = arith.addf %add3A_1030, %mul3A_1040 : vector<16xf32>
        %mul3A_1042 = arith.constant 10 : i32
        %mul3A_1043 = arith.muli %add3A_116, %mul3A_1042 : i32
        %add3A_1044 = arith.constant 9 : i32
        %add3A_1045 = arith.addi %mul3A_1043, %add3A_1044 : i32
        %get3A_1046 = arith.index_cast %add3A_1045 : i32 to index
        %get3A_1047 = arith.constant 112 : index
        %get3A_1048 = tpu.vector_load %arg9[%get3A_1046, %get3A_1047] {strides = array<i32>} : memref<120x128xf32, #tpu.memory_space<vmem>>, vector<1x16xf32>,
        %get3A_1049 = vector.shape_cast %get3A_1048 : vector<1x16xf32> to vector<16xf32>
        %mul3A_1050 = vector.broadcast %squeeze3A_141 : f32 to vector<16xf32>
        %mul3A_1051 = arith.mulf %mul3A_1050, %get3A_1049 : vector<16xf32>
        %add3A_1052 = arith.addf %add3A_1041, %mul3A_1051 : vector<16xf32>
        %mul3A_1053 = arith.constant 128 : i32
        %mul3A_1054 = arith.muli %add3A_116, %mul3A_1053 : i32
        %add3A_1055 = arith.constant 112 : i32
        %add3A_1056 = arith.addi %mul3A_1054, %add3A_1055 : i32
        %swap3A_1057 = arith.index_cast %add3A_1056 : i32 to index
        %swap3A_1058 = tpu.vector_load %arg11[%swap3A_1057] {strides = array<i32>} : memref<1536xf32, #tpu.memory_space<vmem>>, vector<16xf32>,
        %swap3A_1059 = vector.shape_cast %swap3A_1058 : vector<16xf32> to vector<16xf32>
        %swap3A_1060 = vector.shape_cast %add3A_1052 : vector<16xf32> to vector<16xf32>
        tpu.vector_store %arg11[%swap3A_1057], %swap3A_1060 {strides = array<i32>} : memref<1536xf32, #tpu.memory_space<vmem>>, vector<16xf32>,
      }
      %scan3A_104 = arith.constant 12 : i32
      %mul3A_105 = arith.constant 12 : i32
      %mul3A_106 = arith.muli %add3A_79, %mul3A_105 : i32
      %add3A_107 = arith.addi %mul3A_2, %mul3A_106 : i32
      %mul3A_108 = arith.constant 128 : i32
      %mul3A_109 = arith.muli %add3A_107, %mul3A_108 : i32
      %dma_start3A_110 = tpu.memref_slice %arg5[%mul3A_109] : memref<11599872xf32, #tpu.memory_space<hbm>> -> memref<1536xf32, #tpu.memory_space<hbm>>
      %dma_start3A_111 = tpu.memref_slice %arg5[%mul3A_109] : memref<11599872xf32, #tpu.memory_space<hbm>> -> memref<1536xf32, #tpu.memory_space<hbm>>
      tpu.enqueue_dma source(%arg11 : memref<1536xf32, #tpu.memory_space<vmem>>) target(%dma_start3A_111 : memref<1536xf32, #tpu.memory_space<hbm>>) target_semaphore(%arg15 : memref<!tpu.dma_semaphore, #tpu.memory_space<semaphore_mem>>)
    }
    %scan3A_31 = arith.constant 118 : i32
    %add3A_32 = arith.constant 2808 : i32
    %add3A_33 = arith.addi %mul3A_2, %add3A_32 : i32
    %mul3A_34 = arith.constant 128 : i32
    %mul3A_35 = arith.muli %add3A_33, %mul3A_34 : i32
    %dma_wait3A_36 = tpu.memref_slice %arg5[%mul3A_35] : memref<11599872xf32, #tpu.memory_space<hbm>> -> memref<1536xf32, #tpu.memory_space<hbm>>
    %dma_wait3A_37 = tpu.memref_slice %arg5[%mul3A_35] : memref<11599872xf32, #tpu.memory_space<hbm>> -> memref<1536xf32, #tpu.memory_space<hbm>>
    tpu.wait_dma2 semaphore(%arg14 : memref<!tpu.dma_semaphore, #tpu.memory_space<semaphore_mem>>) src(%arg10 : memref<1536xf32, #tpu.memory_space<vmem>>) dst(%dma_wait3A_37 : memref<1536xf32, #tpu.memory_space<hbm>>)
    %add3A_38 = arith.constant 2820 : i32
    %add3A_39 = arith.addi %mul3A_2, %add3A_38 : i32
    %mul3A_40 = arith.constant 128 : i32
    %mul3A_41 = arith.muli %add3A_39, %mul3A_40 : i32
    %dma_wait3A_42 = tpu.memref_slice %arg5[%mul3A_41] : memref<11599872xf32, #tpu.memory_space<hbm>> -> memref<1536xf32, #tpu.memory_space<hbm>>
    %dma_wait3A_43 = tpu.memref_slice %arg5[%mul3A_41] : memref<11599872xf32, #tpu.memory_space<hbm>> -> memref<1536xf32, #tpu.memory_space<hbm>>
    tpu.wait_dma2 semaphore(%arg15 : memref<!tpu.dma_semaphore, #tpu.memory_space<semaphore_mem>>) src(%arg11 : memref<1536xf32, #tpu.memory_space<vmem>>) dst(%dma_wait3A_43 : memref<1536xf32, #tpu.memory_space<hbm>>)
    return
  }
}

module attributes {stable_mosaic.version = 14 : i64} {
  func.func @_wnorm_body(%arg0: i32, %arg1: memref<2000x10xf32, #tpu.memory_space<vmem>>, %arg2: memref<2000x10xf32, #tpu.memory_space<vmem>>) attributes {dimension_semantics = [#tpu.dimension_semantics<arbitrary>], iteration_bounds = array<i64: 45>, scalar_prefetch = 0 : i64, scratch_operands = 0 : i64, tpu.core_type = #tpu.core_type<tc>, window_params = [{transform_indices = @transform_0, window_bounds = array<i64: 2000, 10>}, {transform_indices = @transform_1, window_bounds = array<i64: 2000, 10>}]} {
    %get3A = arith.constant 0 : index
    %get3A_0 = arith.constant 0 : index
    %get3A_1 = vector.load %arg1[%get3A, %get3A_0] : memref<2000x10xf32, #tpu.memory_space<vmem>>, vector<2000x10xf32>
    %reduce_sum3A = arith.constant dense<0.000000e+00> : vector<2000xf32>
    %reduce_sum3A_2 = vector.multi_reduction <add>, %get3A_1, %reduce_sum3A [1] : vector<2000x10xf32> to vector<2000xf32>
    %broadcast_in_dim3A = vector.shape_cast %reduce_sum3A_2 : vector<2000xf32> to vector<2000x1xf32>
    %jit3A = arith.constant 9.99999997E-7 : f32
    %max3A = vector.broadcast %jit3A : f32 to vector<2000x1xf32>
    %max3A_3 = arith.maximumf %max3A, %broadcast_in_dim3A : vector<2000x1xf32>
    %div3A = vector.broadcast %max3A_3 : vector<2000x1xf32> to vector<2000x10xf32>
    %div3A_4 = arith.divf %get3A_1, %div3A : vector<2000x10xf32>
    %swap3A = arith.constant 0 : index
    %swap3A_5 = arith.constant 0 : index
    %swap3A_6 = vector.load %arg2[%swap3A, %swap3A_5] : memref<2000x10xf32, #tpu.memory_space<vmem>>, vector<2000x10xf32>
    tpu.vector_store %arg2[%swap3A, %swap3A_5], %div3A_4 {strides = array<i32>} : memref<2000x10xf32, #tpu.memory_space<vmem>>, vector<2000x10xf32>,
    return
  }
  func.func @transform_0(%arg0: i32) -> (i32, i32) {
    %c0_i32 = arith.constant 0 : i32
    %c0_i32_0 = arith.constant 0 : i32
    return %arg0, %c0_i32 : i32, i32
  }
  func.func @transform_1(%arg0: i32) -> (i32, i32) {
    %c0_i32 = arith.constant 0 : i32
    %c0_i32_0 = arith.constant 0 : i32
    return %arg0, %c0_i32 : i32, i32
  }
}

module attributes {stable_mosaic.version = 14 : i64} {
  func.func @_proj_body(%arg0: i32, %arg1: memref<2000x256xf32, #tpu.memory_space<vmem>>, %arg2: memref<2000x256xf32, #tpu.memory_space<vmem>>, %arg3: memref<2000x256xf32, #tpu.memory_space<vmem>>, %arg4: memref<3x256x128xf32, #tpu.memory_space<vmem>>, %arg5: memref<3x128xf32, #tpu.memory_space<vmem>>, %arg6: memref<3x2000x128xf32, #tpu.memory_space<vmem>>) attributes {dimension_semantics = [#tpu.dimension_semantics<arbitrary>], iteration_bounds = array<i64: 5>, scalar_prefetch = 0 : i64, scratch_operands = 0 : i64, tpu.core_type = #tpu.core_type<tc>, window_params = [{transform_indices = @transform_0, window_bounds = array<i64: 2000, 256>}, {transform_indices = @transform_1, window_bounds = array<i64: 2000, 256>}, {transform_indices = @transform_2, window_bounds = array<i64: 2000, 256>}, {pipeline_mode = #tpu.pipeline_mode<synchronous>, transform_indices = @transform_3, window_bounds = array<i64: 3, 256, 128>}, {pipeline_mode = #tpu.pipeline_mode<synchronous>, transform_indices = @transform_4, window_bounds = array<i64: 3, 128>}, {transform_indices = @transform_5, window_bounds = array<i64: 3, 2000, 128>}]} {
    %get3A = arith.constant 0 : index
    %get3A_0 = arith.constant 0 : index
    %get3A_1 = vector.load %arg1[%get3A, %get3A_0] : memref<2000x256xf32, #tpu.memory_space<vmem>>, vector<2000x256xf32>
    %get3A_2 = arith.constant 0 : index
    %get3A_3 = arith.constant 0 : index
    %get3A_4 = arith.constant 0 : index
    %get3A_5 = vector.load %arg4[%get3A_2, %get3A_3, %get3A_4] : memref<3x256x128xf32, #tpu.memory_space<vmem>>, vector<1x256x128xf32>
    %get3A_6 = vector.shape_cast %get3A_5 : vector<1x256x128xf32> to vector<256x128xf32>
    %dot_general3A = arith.constant dense<0.000000e+00> : vector<2000x128xf32>
    %dot_general3A_7 = tpu.matmul %get3A_1, %get3A_6, %dot_general3A {dimension_numbers = #tpu.dot_dimension_numbers<[1], [0], [0], [1], [0, 0, 1, 1], [], []>, transpose_lhs_hint = false} : vector<2000x256xf32>, vector<256x128xf32>, vector<2000x128xf32> -> vector<2000x128xf32>
    %get3A_8 = arith.constant 0 : index
    %get3A_9 = arith.constant 0 : index
    %get3A_10 = vector.load %arg5[%get3A_8, %get3A_9] : memref<3x128xf32, #tpu.memory_space<vmem>>, vector<1x128xf32>
    %get3A_11 = vector.shape_cast %get3A_10 : vector<1x128xf32> to vector<128xf32>
    %broadcast_in_dim3A = vector.shape_cast %get3A_11 : vector<128xf32> to vector<1x128xf32>
    %add3A = vector.broadcast %broadcast_in_dim3A : vector<1x128xf32> to vector<2000x128xf32>
    %add3A_12 = arith.addf %dot_general3A_7, %add3A : vector<2000x128xf32>
    %max3A = arith.constant 0.000000e+00 : f32
    %max3A_13 = vector.broadcast %max3A : f32 to vector<2000x128xf32>
    %max3A_14 = arith.maximumf %add3A_12, %max3A_13 : vector<2000x128xf32>
    %swap3A = arith.constant 0 : index
    %swap3A_15 = arith.constant 0 : index
    %swap3A_16 = arith.constant 0 : index
    %swap3A_17 = vector.load %arg6[%swap3A, %swap3A_15, %swap3A_16] : memref<3x2000x128xf32, #tpu.memory_space<vmem>>, vector<1x2000x128xf32>
    %swap3A_18 = vector.shape_cast %swap3A_17 : vector<1x2000x128xf32> to vector<2000x128xf32>
    %swap3A_19 = vector.shape_cast %max3A_14 : vector<2000x128xf32> to vector<1x2000x128xf32>
    tpu.vector_store %arg6[%swap3A, %swap3A_15, %swap3A_16], %swap3A_19 {strides = array<i32>} : memref<3x2000x128xf32, #tpu.memory_space<vmem>>, vector<1x2000x128xf32>,
    %get3A_20 = arith.constant 0 : index
    %get3A_21 = arith.constant 0 : index
    %get3A_22 = vector.load %arg2[%get3A_20, %get3A_21] : memref<2000x256xf32, #tpu.memory_space<vmem>>, vector<2000x256xf32>
    %get3A_23 = arith.constant 1 : index
    %get3A_24 = arith.constant 0 : index
    %get3A_25 = arith.constant 0 : index
    %get3A_26 = vector.load %arg4[%get3A_23, %get3A_24, %get3A_25] : memref<3x256x128xf32, #tpu.memory_space<vmem>>, vector<1x256x128xf32>
    %get3A_27 = vector.shape_cast %get3A_26 : vector<1x256x128xf32> to vector<256x128xf32>
    %dot_general3A_28 = arith.constant dense<0.000000e+00> : vector<2000x128xf32>
    %dot_general3A_29 = tpu.matmul %get3A_22, %get3A_27, %dot_general3A_28 {dimension_numbers = #tpu.dot_dimension_numbers<[1], [0], [0], [1], [0, 0, 1, 1], [], []>, transpose_lhs_hint = false} : vector<2000x256xf32>, vector<256x128xf32>, vector<2000x128xf32> -> vector<2000x128xf32>
    %get3A_30 = arith.constant 1 : index
    %get3A_31 = arith.constant 0 : index
    %get3A_32 = vector.load %arg5[%get3A_30, %get3A_31] : memref<3x128xf32, #tpu.memory_space<vmem>>, vector<1x128xf32>
    %get3A_33 = vector.shape_cast %get3A_32 : vector<1x128xf32> to vector<128xf32>
    %broadcast_in_dim3A_34 = vector.shape_cast %get3A_33 : vector<128xf32> to vector<1x128xf32>
    %add3A_35 = vector.broadcast %broadcast_in_dim3A_34 : vector<1x128xf32> to vector<2000x128xf32>
    %add3A_36 = arith.addf %dot_general3A_29, %add3A_35 : vector<2000x128xf32>
    %max3A_37 = arith.constant 0.000000e+00 : f32
    %max3A_38 = vector.broadcast %max3A_37 : f32 to vector<2000x128xf32>
    %max3A_39 = arith.maximumf %add3A_36, %max3A_38 : vector<2000x128xf32>
    %swap3A_40 = arith.constant 1 : index
    %swap3A_41 = arith.constant 0 : index
    %swap3A_42 = arith.constant 0 : index
    %swap3A_43 = vector.load %arg6[%swap3A_40, %swap3A_41, %swap3A_42] : memref<3x2000x128xf32, #tpu.memory_space<vmem>>, vector<1x2000x128xf32>
    %swap3A_44 = vector.shape_cast %swap3A_43 : vector<1x2000x128xf32> to vector<2000x128xf32>
    %swap3A_45 = vector.shape_cast %max3A_39 : vector<2000x128xf32> to vector<1x2000x128xf32>
    tpu.vector_store %arg6[%swap3A_40, %swap3A_41, %swap3A_42], %swap3A_45 {strides = array<i32>} : memref<3x2000x128xf32, #tpu.memory_space<vmem>>, vector<1x2000x128xf32>,
    %get3A_46 = arith.constant 0 : index
    %get3A_47 = arith.constant 0 : index
    %get3A_48 = vector.load %arg3[%get3A_46, %get3A_47] : memref<2000x256xf32, #tpu.memory_space<vmem>>, vector<2000x256xf32>
    %get3A_49 = arith.constant 2 : index
    %get3A_50 = arith.constant 0 : index
    %get3A_51 = arith.constant 0 : index
    %get3A_52 = vector.load %arg4[%get3A_49, %get3A_50, %get3A_51] : memref<3x256x128xf32, #tpu.memory_space<vmem>>, vector<1x256x128xf32>
    %get3A_53 = vector.shape_cast %get3A_52 : vector<1x256x128xf32> to vector<256x128xf32>
    %dot_general3A_54 = arith.constant dense<0.000000e+00> : vector<2000x128xf32>
    %dot_general3A_55 = tpu.matmul %get3A_48, %get3A_53, %dot_general3A_54 {dimension_numbers = #tpu.dot_dimension_numbers<[1], [0], [0], [1], [0, 0, 1, 1], [], []>, transpose_lhs_hint = false} : vector<2000x256xf32>, vector<256x128xf32>, vector<2000x128xf32> -> vector<2000x128xf32>
    %get3A_56 = arith.constant 2 : index
    %get3A_57 = arith.constant 0 : index
    %get3A_58 = vector.load %arg5[%get3A_56, %get3A_57] : memref<3x128xf32, #tpu.memory_space<vmem>>, vector<1x128xf32>
    %get3A_59 = vector.shape_cast %get3A_58 : vector<1x128xf32> to vector<128xf32>
    %broadcast_in_dim3A_60 = vector.shape_cast %get3A_59 : vector<128xf32> to vector<1x128xf32>
    %add3A_61 = vector.broadcast %broadcast_in_dim3A_60 : vector<1x128xf32> to vector<2000x128xf32>
    %add3A_62 = arith.addf %dot_general3A_55, %add3A_61 : vector<2000x128xf32>
    %max3A_63 = arith.constant 0.000000e+00 : f32
    %max3A_64 = vector.broadcast %max3A_63 : f32 to vector<2000x128xf32>
    %max3A_65 = arith.maximumf %add3A_62, %max3A_64 : vector<2000x128xf32>
    %swap3A_66 = arith.constant 2 : index
    %swap3A_67 = arith.constant 0 : index
    %swap3A_68 = arith.constant 0 : index
    %swap3A_69 = vector.load %arg6[%swap3A_66, %swap3A_67, %swap3A_68] : memref<3x2000x128xf32, #tpu.memory_space<vmem>>, vector<1x2000x128xf32>
    %swap3A_70 = vector.shape_cast %swap3A_69 : vector<1x2000x128xf32> to vector<2000x128xf32>
    %swap3A_71 = vector.shape_cast %max3A_65 : vector<2000x128xf32> to vector<1x2000x128xf32>
    tpu.vector_store %arg6[%swap3A_66, %swap3A_67, %swap3A_68], %swap3A_71 {strides = array<i32>} : memref<3x2000x128xf32, #tpu.memory_space<vmem>>, vector<1x2000x128xf32>,
    return
  }
  func.func @transform_0(%arg0: i32) -> (i32, i32) {
    %c0_i32 = arith.constant 0 : i32
    %c0_i32_0 = arith.constant 0 : i32
    return %arg0, %c0_i32 : i32, i32
  }
  func.func @transform_1(%arg0: i32) -> (i32, i32) {
    %c0_i32 = arith.constant 0 : i32
    %c0_i32_0 = arith.constant 0 : i32
    return %arg0, %c0_i32 : i32, i32
  }
  func.func @transform_2(%arg0: i32) -> (i32, i32) {
    %c0_i32 = arith.constant 0 : i32
    %c0_i32_0 = arith.constant 0 : i32
    return %arg0, %c0_i32 : i32, i32
  }
  func.func @transform_3(%arg0: i32) -> (i32, i32, i32) {
    %c0_i32 = arith.constant 0 : i32
    %c0_i32_0 = arith.constant 0 : i32
    %c0_i32_1 = arith.constant 0 : i32
    %c0_i32_2 = arith.constant 0 : i32
    return %c0_i32, %c0_i32_0, %c0_i32_1 : i32, i32, i32
  }
  func.func @transform_4(%arg0: i32) -> (i32, i32) {
    %c0_i32 = arith.constant 0 : i32
    %c0_i32_0 = arith.constant 0 : i32
    %c0_i32_1 = arith.constant 0 : i32
    return %c0_i32, %c0_i32_0 : i32, i32
  }
  func.func @transform_5(%arg0: i32) -> (i32, i32, i32) {
    %c0_i32 = arith.constant 0 : i32
    %c0_i32_0 = arith.constant 0 : i32
    %c0_i32_1 = arith.constant 0 : i32
    return %c0_i32, %arg0, %c0_i32_0 : i32, i32, i32
  }
}

module attributes {stable_mosaic.version = 14 : i64} {
  func.func @_comb_body(%arg0: i32, %arg1: i32, %arg2: memref<1x2000x128xf32, #tpu.memory_space<vmem>>, %arg3: memref<1x1x2000x128xf32, #tpu.memory_space<vmem>>, %arg4: memref<1x1x2000x128xf32, #tpu.memory_space<vmem>>, %arg5: memref<1x1x2000x128xf32, #tpu.memory_space<vmem>>, %arg6: memref<1x512x128xf32, #tpu.memory_space<vmem>>, %arg7: memref<3x128xf32, #tpu.memory_space<vmem>>, %arg8: memref<1x2000x128xf32, #tpu.memory_space<vmem>>) attributes {dimension_semantics = [#tpu.dimension_semantics<arbitrary>, #tpu.dimension_semantics<arbitrary>], iteration_bounds = array<i64: 3, 5>, scalar_prefetch = 0 : i64, scratch_operands = 0 : i64, tpu.core_type = #tpu.core_type<tc>, window_params = [{transform_indices = @transform_0, window_bounds = array<i64: 1, 2000, 128>}, {transform_indices = @transform_1, window_bounds = array<i64: 1, 1, 2000, 128>}, {transform_indices = @transform_2, window_bounds = array<i64: 1, 1, 2000, 128>}, {transform_indices = @transform_3, window_bounds = array<i64: 1, 1, 2000, 128>}, {transform_indices = @transform_4, window_bounds = array<i64: 1, 512, 128>}, {pipeline_mode = #tpu.pipeline_mode<synchronous>, transform_indices = @transform_5, window_bounds = array<i64: 3, 128>}, {transform_indices = @transform_6, window_bounds = array<i64: 1, 2000, 128>}]} {
    %get3A = arith.constant 0 : index
    %get3A_0 = arith.constant 0 : index
    %get3A_1 = arith.constant 0 : index
    %get3A_2 = vector.load %arg2[%get3A, %get3A_0, %get3A_1] : memref<1x2000x128xf32, #tpu.memory_space<vmem>>, vector<1x2000x128xf32>
    %get3A_3 = vector.shape_cast %get3A_2 : vector<1x2000x128xf32> to vector<2000x128xf32>
    %get3A_4 = arith.constant 0 : index
    %get3A_5 = arith.constant 0 : index
    %get3A_6 = arith.constant 0 : index
    %get3A_7 = arith.constant 0 : index
    %get3A_8 = vector.load %arg3[%get3A_4, %get3A_5, %get3A_6, %get3A_7] : memref<1x1x2000x128xf32, #tpu.memory_space<vmem>>, vector<1x1x2000x128xf32>
    %get3A_9 = vector.shape_cast %get3A_8 : vector<1x1x2000x128xf32> to vector<2000x128xf32>
    %get3A_10 = arith.constant 0 : index
    %get3A_11 = arith.constant 0 : index
    %get3A_12 = arith.constant 0 : index
    %get3A_13 = arith.constant 0 : index
    %get3A_14 = vector.load %arg4[%get3A_10, %get3A_11, %get3A_12, %get3A_13] : memref<1x1x2000x128xf32, #tpu.memory_space<vmem>>, vector<1x1x2000x128xf32>
    %get3A_15 = vector.shape_cast %get3A_14 : vector<1x1x2000x128xf32> to vector<2000x128xf32>
    %get3A_16 = arith.constant 0 : index
    %get3A_17 = arith.constant 0 : index
    %get3A_18 = arith.constant 0 : index
    %get3A_19 = arith.constant 0 : index
    %get3A_20 = vector.load %arg5[%get3A_16, %get3A_17, %get3A_18, %get3A_19] : memref<1x1x2000x128xf32, #tpu.memory_space<vmem>>, vector<1x1x2000x128xf32>
    %get3A_21 = vector.shape_cast %get3A_20 : vector<1x1x2000x128xf32> to vector<2000x128xf32>
    %concatenate3A = tpu.concatenate %get3A_3, %get3A_9, %get3A_15, %get3A_21 in 1 : vector<2000x128xf32>, vector<2000x128xf32>, vector<2000x128xf32>, vector<2000x128xf32> -> vector<2000x512xf32>
    %get3A_22 = arith.constant 0 : index
    %get3A_23 = arith.constant 0 : index
    %get3A_24 = arith.constant 0 : index
    %get3A_25 = vector.load %arg6[%get3A_22, %get3A_23, %get3A_24] : memref<1x512x128xf32, #tpu.memory_space<vmem>>, vector<1x512x128xf32>
    %get3A_26 = vector.shape_cast %get3A_25 : vector<1x512x128xf32> to vector<512x128xf32>
    %dot_general3A = arith.constant dense<0.000000e+00> : vector<2000x128xf32>
    %dot_general3A_27 = tpu.matmul %concatenate3A, %get3A_26, %dot_general3A {dimension_numbers = #tpu.dot_dimension_numbers<[1], [0], [0], [1], [0, 0, 1, 1], [], []>, transpose_lhs_hint = false} : vector<2000x512xf32>, vector<512x128xf32>, vector<2000x128xf32> -> vector<2000x128xf32>
    %get3A_28 = arith.index_cast %arg0 : i32 to index
    %get3A_29 = arith.constant 0 : index
    %get3A_30 = vector.load %arg7[%get3A_28, %get3A_29] : memref<3x128xf32, #tpu.memory_space<vmem>>, vector<1x128xf32>
    %add3A = vector.broadcast %get3A_30 : vector<1x128xf32> to vector<2000x128xf32>
    %add3A_31 = arith.addf %dot_general3A_27, %add3A : vector<2000x128xf32>
    %max3A = arith.constant 0.000000e+00 : f32
    %max3A_32 = vector.broadcast %max3A : f32 to vector<2000x128xf32>
    %max3A_33 = arith.maximumf %add3A_31, %max3A_32 : vector<2000x128xf32>
    %swap3A = arith.constant 0 : index
    %swap3A_34 = arith.constant 0 : index
    %swap3A_35 = arith.constant 0 : index
    %swap3A_36 = vector.load %arg8[%swap3A, %swap3A_34, %swap3A_35] : memref<1x2000x128xf32, #tpu.memory_space<vmem>>, vector<1x2000x128xf32>
    %swap3A_37 = vector.shape_cast %swap3A_36 : vector<1x2000x128xf32> to vector<2000x128xf32>
    %swap3A_38 = vector.shape_cast %max3A_33 : vector<2000x128xf32> to vector<1x2000x128xf32>
    tpu.vector_store %arg8[%swap3A, %swap3A_34, %swap3A_35], %swap3A_38 {strides = array<i32>} : memref<1x2000x128xf32, #tpu.memory_space<vmem>>, vector<1x2000x128xf32>,
    return
  }
  func.func @transform_0(%arg0: i32, %arg1: i32) -> (i32, i32, i32) {
    %c0_i32 = arith.constant 0 : i32
    %c0_i32_0 = arith.constant 0 : i32
    return %arg0, %arg1, %c0_i32 : i32, i32, i32
  }
  func.func @transform_1(%arg0: i32, %arg1: i32) -> (i32, i32, i32, i32) {
    %c0_i32 = arith.constant 0 : i32
    %c0_i32_0 = arith.constant 0 : i32
    %c0_i32_1 = arith.constant 0 : i32
    return %arg0, %c0_i32, %arg1, %c0_i32_0 : i32, i32, i32, i32
  }
  func.func @transform_2(%arg0: i32, %arg1: i32) -> (i32, i32, i32, i32) {
    %c1_i32 = arith.constant 1 : i32
    %c0_i32 = arith.constant 0 : i32
    %c0_i32_0 = arith.constant 0 : i32
    return %arg0, %c1_i32, %arg1, %c0_i32 : i32, i32, i32, i32
  }
  func.func @transform_3(%arg0: i32, %arg1: i32) -> (i32, i32, i32, i32) {
    %c2_i32 = arith.constant 2 : i32
    %c0_i32 = arith.constant 0 : i32
    %c0_i32_0 = arith.constant 0 : i32
    return %arg0, %c2_i32, %arg1, %c0_i32 : i32, i32, i32, i32
  }
  func.func @transform_4(%arg0: i32, %arg1: i32) -> (i32, i32, i32) {
    %c0_i32 = arith.constant 0 : i32
    %c0_i32_0 = arith.constant 0 : i32
    %c0_i32_1 = arith.constant 0 : i32
    return %arg0, %c0_i32, %c0_i32_0 : i32, i32, i32
  }
  func.func @transform_5(%arg0: i32, %arg1: i32) -> (i32, i32) {
    %c0_i32 = arith.constant 0 : i32
    %c0_i32_0 = arith.constant 0 : i32
    %c0_i32_1 = arith.constant 0 : i32
    return %c0_i32, %c0_i32_0 : i32, i32
  }
  func.func @transform_6(%arg0: i32, %arg1: i32) -> (i32, i32, i32) {
    %c0_i32 = arith.constant 0 : i32
    %c0_i32_0 = arith.constant 0 : i32
    return %arg0, %arg1, %c0_i32 : i32, i32, i32
  }
}

</mosaic_0001>

<sc_bundles>
// kernel: kernel.6.cloned.1.call-start
scs
__scs_entry_jumppad:
0x0: {  	(pc) =	sbr.rel $0x88, $3  }
0x1: {  	(tag) =	ssettag $0x0;
	lr =	simm.s32 $0x1  }
0x2: {  	[smem:$0x3F97] =	sst lr;
	_ =	strace $0xD0000000  }
0x3: {  	_ = 	snop  }
0x4: {  	_ = 	snop  }
0x5: {  	_ = 	snop  }
0x6: {  	_ = 	snop  }
0x7: {  	_ = 	snop  }
__scs_overlays_trampoline_lowered:
0x8: {  	[smem:$0x3FA6] =	sst s0  }
0x9: {  	[smem:$0x3FA7] =	sst s1  }
0xa: {  	[smem:$0x3FA8] =	sst s2  }
0xb: {  	[smem:$0x3FA9] =	sst s3  }
0xc: {  	[smem:$0x3FAA] =	sst s4  }
0xd: {  	[smem:$0x3FAB] =	sst s5  }
0xe: {  	[smem:$0x3FAC] =	sst s6  }
0xf: {  	[smem:$0x3FAD] =	sst s7  }
0x10: {  	[smem:$0x3FAE] =	sst s8  }
0x11: {  	[smem:$0x3FAF] =	sst s9;
	s0 =	simm.s32 @!p0 $0x0  }
0x12: {  	s1 =	sld [smem:$0x3F95];
	s0 =	simm.s32 @p0 $0x1  }
0x13: {  	[smem:$0x3FB0] =	sst s0;
	s0 =	simm.s32 @!p1 $0x0  }
0x14: {  	s2 =	sld [smem:$0x3F94];
	s0 =	simm.s32 @p1 $0x1  }
0x15: {  	[smem:$0x3FB1] =	sst s0;
	s0 =	simm.s32 @!p2 $0x0  }
0x16: {  	s3 =	sld [smem:$0x3FDB];
	s0 =	simm.s32 @p2 $0x1  }
0x17: {  	s4 =	simm.s32 $0x1BF5;
	[smem:$0x3FB3] =	sst s0  }
0x18: {  	s0 =	sld [smem:$0x3F96];
	_ =	swait.ge [sflag:s4], $0x0  }
0x19: {  	s7 =	sld [smem:$0x3F97]  }
0x1a: {  	s8 =	sadd.s32 $0xFFFFE003, lr  }
0x1b: {  	s9 =	sadd.s32 $0xFFFFFEF7, lr;
	s5 =	simm.s32 $0xFFFFFFFF;
	p2 =	slt.u32 s8, $0xFFFFF086  }
0x1c: {  	p1 =	slt.u32 s9, $0xF7A;
	s5 =	simm.s32 @!p2 $0x0  }
0x1d: {  	s5 =	simm.s32 @p1 $0x1;
	p0 =	seq.s32 s7, s2  }
0x1e: {  	s7 =	smul.u32 @!p0 $0xF7A, s2;
	p2 =	seq.s32 @!p0 s5, $0x0  }
0x1f: {  	s9 =	smul.u32 $0xF7A, s1;
	s8 =	simm.s32 @!p0 $0x1BF5;
	p2 =	por !p2, p0  }
0x20: {  	[sflag:s8] =	ssyncset.s32 @!p0 $0xFFFFF086;
	s6 =	sadd.s32 @!p0 s3, s7;
	s7 =	simm.s32 @!p0 $0x108  }
0x21: {  	s3 =	sadd.s32 s3, s9;
	s6 =	sadd.s32 @!p0 $0x88, s6;
	s7 =	simm.s32 @p2 $0x1082  }
0x22: {  	[simem:s7], [sflag:s8] =	dma.local @!p0 [hbm:s6], $0xF7A  }
0x23: {  	s9 =	sor.u32 $0xD0000000, s2;
	s6 =	simm.s32 $0x108;
	_ =	swait.ge @!p0 [sflag:s8], $0x0  }
0x24: {  	s3 =	sadd.s32 $0x88, s3;
	s6 =	simm.s32 @!p1 $0x1082;
	[sflag:s4] =	ssyncset.s32 $0xFFFFF086  }
0x25: {  	[simem:s6], [sflag:s4] =	dma.local [hbm:s3], $0xF7A  }
0x26: {  	[smem:$0x3F97] =	sst s1;
	(tag) =	ssettag s2;
	_ =	strace s9  }
0x27: {  	s1 =	sld [smem:$0x3FA7]  }
0x28: {  	s2 =	sld [smem:$0x3FA8]  }
0x29: {  	s4 =	sld [smem:$0x3FAA]  }
0x2a: {  	p0 =	seq.s32 s5, $0x0;
	s5 =	sld [smem:$0x3FAB]  }
0x2b: {  	s6 =	sld [smem:$0x3FAC]  }
0x2c: {  	s7 =	sld [smem:$0x3FAD]  }
0x2d: {  	s3 =	simm.s32 $0x108;
	s8 =	sld [smem:$0x3FAE]  }
0x2e: {  	s3 =	simm.s32 @!p0 $0x1082;
	s9 =	sld [smem:$0x3FAF]  }
0x2f: {  	lr =	sadd.s32 s0, s3;
	s0 =	sld [smem:$0x3FA6]  }
0x30: {  	s3 =	sld [smem:$0x3FA9]  }
0x31: {  	[smem:$0x3FB2] =	sst s10  }
0x32: {  	s10 =	sld [smem:$0x3FB0];
	_ =	sdelay $0x3  }
0x33: {  	p0 =	seq.s32 s10, $0x1;
	s10 =	sld [smem:$0x3FB2];
	_ =	sdelay $0x3  }
0x34: {  	[smem:$0x3FB2] =	sst s10  }
0x35: {  	s10 =	sld [smem:$0x3FB1];
	_ =	sdelay $0x3  }
0x36: {  	p1 =	seq.s32 s10, $0x1;
	s10 =	sld [smem:$0x3FB2];
	_ =	sdelay $0x3  }
0x37: {  	[smem:$0x3FB2] =	sst s10  }
0x38: {  	s10 =	sld [smem:$0x3FB3]  }
0x39: {  	_ = 	snop;
	(pc) =	sbr.ind lr, $3  }
0x3a: {  	_ = 	snop  }
0x3b: {  	_ = 	snop  }
0x3c: {  	p2 =	seq.s32 s10, $0x1;
	s10 =	sld [smem:$0x3FB2]  }
0x3d: {  	_ =	shalt  }
0x3e: {  	_ =	shalt  }
0x3f: {  	_ =	shalt  }
0x40: {  	_ =	shalt  }
0x41: {  	_ =	shalt  }
0x42: {  	_ =	shalt  }
0x43: {  	_ =	shalt  }
0x44: {  	_ =	shalt  }
0x45: {  	_ =	shalt  }
0x46: {  	_ =	shalt  }
0x47: {  	_ =	shalt  }
0x48: {  	_ =	shalt  }
0x49: {  	_ =	shalt  }
0x4a: {  	_ =	shalt  }
0x4b: {  	_ =	shalt  }
0x4c: {  	_ =	shalt  }
0x4d: {  	_ =	shalt  }
0x4e: {  	_ =	shalt  }
0x4f: {  	_ =	shalt  }
0x50: {  	_ =	shalt  }
0x51: {  	_ =	shalt  }
0x52: {  	_ =	shalt  }
0x53: {  	_ =	shalt  }
0x54: {  	_ =	shalt  }
0x55: {  	_ =	shalt  }
0x56: {  	_ =	shalt  }
0x57: {  	_ =	shalt  }
0x58: {  	_ =	shalt  }
0x59: {  	_ =	shalt  }
0x5a: {  	_ =	shalt  }
0x5b: {  	_ =	shalt  }
0x5c: {  	_ =	shalt  }
0x5d: {  	_ =	shalt  }
0x5e: {  	_ =	shalt  }
0x5f: {  	_ =	shalt  }
0x60: {  	_ =	shalt  }
0x61: {  	_ =	shalt  }
0x62: {  	_ =	shalt  }
0x63: {  	_ =	shalt  }
0x64: {  	_ =	shalt  }
0x65: {  	_ =	shalt  }
0x66: {  	_ =	shalt  }
0x67: {  	_ =	shalt  }
0x68: {  	_ =	shalt  }
0x69: {  	_ =	shalt  }
0x6a: {  	_ =	shalt  }
0x6b: {  	_ =	shalt  }
0x6c: {  	_ =	shalt  }
0x6d: {  	_ =	shalt  }
0x6e: {  	_ =	shalt  }
0x6f: {  	_ =	shalt  }
0x70: {  	_ =	shalt  }
0x71: {  	_ =	shalt  }
0x72: {  	_ =	shalt  }
0x73: {  	_ =	shalt  }
0x74: {  	_ =	shalt  }
0x75: {  	_ =	shalt  }
0x76: {  	_ =	shalt  }
0x77: {  	_ =	shalt  }
0x78: {  	_ =	shalt  }
0x79: {  	_ =	shalt  }
0x7a: {  	_ =	shalt  }
0x7b: {  	_ =	shalt  }
0x7c: {  	_ =	shalt  }
0x7d: {  	_ =	shalt  }
0x7e: {  	_ =	shalt  }
0x7f: {  	_ =	shalt  }
0x80: {  	_ =	shalt  }
0x81: {  	_ =	shalt  }
0x82: {  	_ =	shalt  }
0x83: {  	_ =	shalt  }
0x84: {  	_ =	shalt  }
0x85: {  	_ =	shalt  }
0x86: {  	_ =	shalt  }
0x87: {  	_ =	shalt  }
.Lfunc_end0:
.L_simem_size_0:
called_computation_lowered:
.L_overlay_start_0:
0x88: {  	s2 =	sld [smem:$0x3FD9]  }
0x89: {  	s3 =	sld [smem:$0x3FFE];
	_ =	sdelay $0x1  }
0x8a: {  	s1 =	srdreg.scid  }
0x8b: {  	s0 =	sand.u32 $0x1, s1  }
0x8c: {  	s17 =	sshll.u32 s0, $0xA;
	s2 =	sadd.s32 s3, s2  }
0x8d: {  	s2 =	sadd.s32 s2, s17  }
0x8e: {  	[smem:$0x3FBE] =	sst s2  }
0x8f: {  	_ = 	snop  }
0x90: {  	s2 =	sld [smem:$0x3FD0];
	(tm) =	ssettm $0x1  }
0x91: {  	s18 =	sld [smem:$0x3FFB];
	_ =	sdelay $0x3  }
0x92: {  	_ =	strace s18  }
0x93: {  	s3 =	sld [smem:$0x3FFC];
	_ =	sdelay $0x3  }
0x94: {  	_ =	strace s3  }
0x95: {  	s3 =	sld [smem:$0x3FFD];
	_ =	sdelay $0x3  }
0x96: {  	_ =	strace s3  }
0x97: {  	_ =	strace $0x8FFFFFFF  }
0x98: {  	s19 =	sld [smem:$0x3FDB];
	_ =	sdelay $0x1  }
0x99: {  	s4 =	simm.s32 $_scs_section_size  }
0x9a: {  	s5 =	simm.s32 $_size__tile_overlayer_lowered;
	s6 =	simm.s32 $_tile_overlayer_lowered  }
0x9b: {  	s22 =	simm.s32 $0x1BFF;
	s21 =	sshll.u32 s6, $0x1;
	s3 =	sadd.s32 s4, s19  }
0x9c: {  	s7 =	simm.s32 $0x0;
	s20 =	sshll.u32 s5, $0x1;
	s5 =	sadd.s32 s21, s3  }
0x9d: {  	[timem:s7], [sflag:s22] =	dma.local [hbm:s5], s20  }
0x9e: {  	_ =	swait.ge [sflag:s22], s20  }
0x9f: {  	s4 =	ssub.s32 $0x0, s20;
	[sflag:s22] =	ssyncset.done $0x0  }
0xa0: {  	[sflag:s22] =	ssyncadd.s32 s4;
	_ =	sdelay $0x1  }
0xa1: {  	s23 =	simm.s32 $0x1B8B  }
0xa2: {  	_ =	swait.ge [sflag:s23], $0x1  }
0xa3: {  	[sflag:s23] =	ssyncset.done $0x0  }
0xa4: {  	s25 =	simm.s32 $0x1B8E;
	s24 =	sld [smem:$0x3FFE];
	[sflag:s23] =	ssyncadd.s32 $0xFFFFFFFF  }
0xa5: {  	s26 =	simm.s32 $execute0_lowered;
	[smem:$0x3FD2] =	sst s25  }
0xa6: {  	s5 =	sshll.u32 s26, $0x1;
	_ =	strace $0x80000046;
	[dreg:$0x1] =	wrdreg $0xFFFFFFFF  }
0xa7: {  	s28 =	simm.s32 $_size_execute0_lowered;
	s3 =	sadd.s32 s3, s5;
	[dreg:$0x0] =	wrdreg $0x0  }
0xa8: {  	s5 =	sshll.u32 s28, $0x1;
	[dreg:$0x2] =	wrdreg s3  }
0xa9: {  	[dreg:$0x3] =	wrdreg s5  }
0xaa: {  	[dreg:$0x4] =	wrdreg $0xC0  }
0xab: {  	_ =	task [dreg:s7], $0x5FFFF  }
0xac: {  	[dreg:$0x1] =	wrdreg $0xFFFFFFFF  }
0xad: {  	[dreg:$0x0] =	wrdreg $0x60  }
0xae: {  	[dreg:$0x2] =	wrdreg s2  }
0xaf: {  	[dreg:$0x3] =	wrdreg s24  }
0xb0: {  	[dreg:$0x4] =	wrdreg $0x9  }
0xb1: {  	_ =	task.clear_ibuf [dreg:s7], $0x5FFFF;
	_ =	strace $0x90000046  }
0xb2: {  	s29 =	simm.s32 $0x9;
	_ =	strace $0x80000048  }
0xb3: {  	_ =	swait.ge [sflag:s29], $0x1  }
0xb4: {  	[sflag:s29] =	ssyncadd.s32 $0xFFFFFFFF  }
0xb5: {  	_ =	strace $0x90000048  }
0xb6: {  	_ =	sfence  }
0xb7: {  	s30 =	sld [smem:$0x0];
	_ =	sdelay $0x2  }
0xb8: {  	s31 =	sshll.u32 s1, $0xD;
	s1 =	sshrl.u32 s1, $0x2  }
0xb9: {  	s3 =	sand.u32 $0x4000, s31;
	s1 =	sadd.s32 s1, s30  }
0xba: {  	s0 =	sor.u32 s3, s0;
	s1 =	sshll.u32 s1, $0x11  }
0xbb: {  	s0 =	sor.u32 s1, s0  }
0xbc: {  	s0 =	sadd.s32 $0x8F2B, s0  }
0xbd: {  	[sflag:s0] =	ssyncadd.remote.s32 $0x1  }
0xbe: {  	_ =	sfence.sel $0xFFFF  }
0xbf: {  	[dreg:$0x0] =	wrdreg $0xFFFFFFFF;
	(pc) =	sbr.abs _section_cstart, $3  }
0xc0: {  	[dreg:$0x1] =	wrdreg $0xFFFFFFFF  }
0xc1: {  	_ =	task.clear_ibuf [dreg:s7], $0x2FFFF;
	_ =	strace $0x9FFFFFFF  }
0xc2: {  	(tm) =	ssettm $0x7FFFFFFF  }
0xc3: {  	_ =	shalt  }
tec
execute0_lowered:
.L_overlay_start_1:
0x0: {  	(tag) =	ssettag $0x1  }
0x1: {  	s2 =	rddreg [dreg:$0x0]  }
0x2: {  	s0 =	srdreg.scid;
	s5 =	rddreg [dreg:$0x1];
	s3 =	simm.s32 $0x0  }
0x3: {  	s11 =	simm.s32 $0xE500;
	s12 =	simm.s32 $0x12100;
	s13 =	simm.s32 $0x1  }
0x4: {  	s14 =	simm.s32 $0x15D00;
	s15 =	simm.s32 $0x2;
	s16 =	simm.s32 $0x4  }
0x5: {  	s17 =	simm.s32 $0x16300;
	s18 =	simm.s32 $0x3;
	s4 =	sand.u32 $0x1, s0  }
0x6: {  	s19 =	simm.s32 $0x0;
	s0 =	stileid.u32;
	s1 =	sshll.u32 s4, $0x4  }
0x7: {  	[smem:$0x7FF] =	sst s3;
	s9 =	ssub.s32 $0x2, s4;
	s6 =	sor.u32 s0, s1  }
0x8: {  	s4 =	sadd.s32 $0x3D000, s5;
	s1 =	rddreg [dreg:$0x2];
	s7 =	smul.u32 $0xEC0, s6  }
0x9: {  	_ =	strace $0x80000047;
	s10 =	sshrl.u32 s9, $0x1;
	s8 =	smul.u32 $0xDD4, s6  }
0xa: {  	s9 =	ssub.s32 s9, s10;
	s10 =	simm.s32 $0x78;
	s7 =	sadd.s32 s7, s5  }
0xb: {  	s8 =	sadd.s32 s8, s5;
	s5 =	smul.u32 $0xB10, s6;
	s6 =	sadd.s32 $0x3C00, s7  }
0xc: {  	s7 =	sadd.s32 $0x21400, s8;
	s8 =	smax.u32 s9, $0x1;
	s9 =	simm.s32 $0x5  }
.LBB2_1:
0xd: {  	[tilespmem:s3], [sflag:$0x5] =	stream.linear.gather [hbm4b:s6+s3], $0x7600, $0x38;
	[tilespmem:$0x16900] =	vst v63  }
0xe: {  	_ =	swait.ge [sflag:s9], $0x7600  }
0xf: {  	[sflag:s9] =	ssyncset.done $0x0  }
0x10: {  	s20 =	simm.s32 $0x7600;
	[sflag:s9] =	ssyncadd.s32 $0xFFFF8A00  }
0x11: {  	[tilespmem:s20], [sflag:$0x5] =	stream.linear.gather [hbm4b:s7+s3], $0x6EA0, $0x38;
	[tilespmem:$0x16900] =	vst v63  }
0x12: {  	_ =	swait.ge [sflag:s9], $0x6EA0  }
0x13: {  	[sflag:s9] =	ssyncset.done $0x0  }
0x14: {  	s21 =	simm.s32 $0x7678;
	s22 =	simm.s32 $0x0;
	[sflag:s9] =	ssyncadd.s32 $0xFFFF9160  }
0x15: {  	[tilespmem:s11], [sflag:$0x1] =	stream.indirect.gather [hbm4b:s2+s10], $0x80, s3, s10, $0xb8;
	[tilespmem:$0x16900] =	vst v63  }
.LBB2_2:
0x16: {  	s23 =	sshllo.u32 s22, $0x1  }
0x17: {  	s24 =	sshll.u32 s23, $0x7  }
0x18: {  	s24 =	sand.u32 $0x3FFFFF80, s24  }
0x19: {  	[tilespmem:s12], [sflag:$0x2] =	stream.indirect.gather [hbm4b:s2+s10], $0x80, s24, s10, $0xb8;
	[tilespmem:$0x16900] =	vst v63  }
0x1a: {  	_ =	swait.ge [sflag:s13], $0x3C00  }
0x1b: {  	p0 =	seq.s32 s22, $0x0;
	v0 =	vmov s20;
	[sflag:s13] =	ssyncset.done $0x0  }
0x1c: {  	s24 =	simm.s32 @!p0 $0x3;
	[sflag:s13] =	ssyncadd.s32 $0xFFFFC400  }
0x1d: {  	_ =	swait.ge @!p0 [sflag:s24], $0x600  }
0x1e: {  	[sflag:s24] =	ssyncset.done @!p0 $0x0  }
0x1f: {  	s25 =	simm.s32 $0x0;
	[sflag:s24] =	ssyncadd.s32 @!p0 $0xFFFFFA00  }
0x20: {  	s24 =	simm.s32 $0xE780;
	v3 =	vld.idx.msk [tilespmem:v0+s25+$0x0 ss:$0x1], $0xffff  }
0x21: {  	v1 =	vld [tilespmem:s24+$0xFFFFFE00]  }
0x22: {  	v2 =	vld [tilespmem:s24+$0xFFFFFD80];
	_ =	sdelay $0x1  }
0x23: {  	v4 =	vld [tilespmem:s24+$0xFFFFFE80]  }
0x24: {  	v5 =	vbroadcast v3, $0x0;
	v6 =	vbroadcast v3, $0x1  }
0x25: {  	v9 =	vld [tilespmem:s24+$0xFFFFFF00];
	v7 =	vbroadcast v3, $0x2  }
0x26: {  	v2 =	vmul.f32 v2, v5;
	v1 =	vmul.f32 v1, v6  }
0x27: {  	v11 =	vld [tilespmem:s24+$0xFFFFFF80]  }
0x28: {  	v8 =	vbroadcast v3, $0x3;
	v4 =	vmul.f32 v4, v7;
	v1 =	vadd.f32 v1, v2  }
0x29: {  	v2 =	vld [tilespmem:s24+$0x0]  }
0x2a: {  	v12 =	vmul.f32 v9, v8;
	v9 =	vbroadcast v3, $0x4;
	v1 =	vadd.f32 v4, v1  }
0x2b: {  	v4 =	vld [tilespmem:s24+$0x80]  }
0x2c: {  	v10 =	vbroadcast v3, $0x5;
	v11 =	vmul.f32 v11, v9;
	v12 =	vadd.f32 v12, v1  }
0x2d: {  	v13 =	vld [tilespmem:s24+$0x100]  }
0x2e: {  	v1 =	vbroadcast v3, $0x6;
	v11 =	vadd.f32 v11, v12;
	v12 =	vmul.f32 v2, v10  }
0x2f: {  	v14 =	vld [tilespmem:s24+$0x180]  }
0x30: {  	v2 =	vbroadcast v3, $0x7;
	v11 =	vadd.f32 v12, v11;
	v12 =	vmul.f32 v4, v1  }
0x31: {  	v15 =	vld [tilespmem:s24+$0x200]  }
0x32: {  	v4 =	vbroadcast v3, $0x8;
	v11 =	vadd.f32 v12, v11;
	v12 =	vmul.f32 v13, v2;
	_ =	sdelay $0x1  }
0x33: {  	v3 =	vbroadcast v3, $0x9;
	v11 =	vadd.f32 v12, v11;
	v12 =	vmul.f32 v14, v4;
	_ =	sdelay $0x1  }
0x34: {  	v11 =	vadd.f32 v12, v11;
	v12 =	vmul.f32 v15, v3;
	_ =	sdelay $0x1  }
0x35: {  	v11 =	vadd.f32 v12, v11  }
0x36: {  	s25 =	simm.s32 $0x15D40  }
0x37: {  	[tilespmem:s25+$0xFFFFFFC0] =	vst v11  }
0x38: {  	v11 =	vld [tilespmem:s24+$0xFFFFFD90]  }
0x39: {  	v12 =	vld [tilespmem:s24+$0xFFFFFE10];
	_ =	sdelay $0x1  }
0x3a: {  	v13 =	vld [tilespmem:s24+$0xFFFFFE90];
	_ =	sdelay $0x1  }
0x3b: {  	v14 =	vld [tilespmem:s24+$0xFFFFFF10]  }
0x3c: {  	v11 =	vmul.f32 v11, v5;
	v12 =	vmul.f32 v12, v6  }
0x3d: {  	v15 =	vld [tilespmem:s24+$0xFFFFFF90]  }
0x3e: {  	v13 =	vmul.f32 v13, v7;
	v11 =	vadd.f32 v12, v11  }
0x3f: {  	v12 =	vld [tilespmem:s24+$0x10]  }
0x40: {  	v11 =	vadd.f32 v13, v11;
	v13 =	vmul.f32 v14, v8  }
0x41: {  	v14 =	vld [tilespmem:s24+$0x90]  }
0x42: {  	v11 =	vadd.f32 v13, v11;
	v13 =	vmul.f32 v15, v9  }
0x43: {  	v15 =	vld [tilespmem:s24+$0x110]  }
0x44: {  	v12 =	vmul.f32 v12, v10;
	v11 =	vadd.f32 v13, v11  }
0x45: {  	v13 =	vld [tilespmem:s24+$0x190]  }
0x46: {  	v11 =	vadd.f32 v12, v11;
	v12 =	vmul.f32 v14, v1  }
0x47: {  	v14 =	vld [tilespmem:s24+$0x210]  }
0x48: {  	v11 =	vadd.f32 v12, v11;
	v12 =	vmul.f32 v15, v2;
	_ =	sdelay $0x1  }
0x49: {  	v11 =	vadd.f32 v12, v11;
	v12 =	vmul.f32 v13, v4;
	_ =	sdelay $0x1  }
0x4a: {  	v11 =	vadd.f32 v12, v11;
	v12 =	vmul.f32 v14, v3;
	_ =	sdelay $0x1  }
0x4b: {  	v11 =	vadd.f32 v12, v11;
	_ =	sdelay $0x1  }
0x4c: {  	[tilespmem:s25+$0xFFFFFFD0] =	vst v11  }
0x4d: {  	v11 =	vld [tilespmem:s24+$0xFFFFFDA0]  }
0x4e: {  	v12 =	vld [tilespmem:s24+$0xFFFFFE20];
	_ =	sdelay $0x1  }
0x4f: {  	v13 =	vld [tilespmem:s24+$0xFFFFFEA0];
	_ =	sdelay $0x1  }
0x50: {  	v14 =	vld [tilespmem:s24+$0xFFFFFF20]  }
0x51: {  	v11 =	vmul.f32 v11, v5;
	v12 =	vmul.f32 v12, v6  }
0x52: {  	v15 =	vld [tilespmem:s24+$0xFFFFFFA0]  }
0x53: {  	v11 =	vadd.f32 v12, v11;
	v12 =	vmul.f32 v13, v7  }
0x54: {  	v13 =	vld [tilespmem:s24+$0x20]  }
0x55: {  	v11 =	vadd.f32 v12, v11;
	v12 =	vmul.f32 v14, v8  }
0x56: {  	v14 =	vld [tilespmem:s24+$0xA0]  }
0x57: {  	v11 =	vadd.f32 v12, v11;
	v12 =	vmul.f32 v15, v9  }
0x58: {  	v15 =	vld [tilespmem:s24+$0x120]  }
0x59: {  	v11 =	vadd.f32 v12, v11;
	v12 =	vmul.f32 v13, v10  }
0x5a: {  	v13 =	vld [tilespmem:s24+$0x1A0]  }
0x5b: {  	v11 =	vadd.f32 v12, v11;
	v12 =	vmul.f32 v14, v1  }
0x5c: {  	v14 =	vld [tilespmem:s24+$0x220]  }
0x5d: {  	v11 =	vadd.f32 v12, v11;
	v12 =	vmul.f32 v15, v2;
	_ =	sdelay $0x1  }
0x5e: {  	v11 =	vadd.f32 v12, v11;
	v12 =	vmul.f32 v13, v4;
	_ =	sdelay $0x1  }
0x5f: {  	v11 =	vadd.f32 v12, v11;
	v12 =	vmul.f32 v14, v3;
	_ =	sdelay $0x1  }
0x60: {  	v11 =	vadd.f32 v12, v11;
	_ =	sdelay $0x1  }
0x61: {  	[tilespmem:s25+$0xFFFFFFE0] =	vst v11  }
0x62: {  	v11 =	vld [tilespmem:s24+$0xFFFFFDB0]  }
0x63: {  	v12 =	vld [tilespmem:s24+$0xFFFFFE30];
	_ =	sdelay $0x1  }
0x64: {  	v13 =	vld [tilespmem:s24+$0xFFFFFEB0];
	_ =	sdelay $0x1  }
0x65: {  	v14 =	vld [tilespmem:s24+$0xFFFFFF30]  }
0x66: {  	v11 =	vmul.f32 v11, v5;
	v12 =	vmul.f32 v12, v6  }
0x67: {  	v15 =	vld [tilespmem:s24+$0xFFFFFFB0]  }
0x68: {  	v11 =	vadd.f32 v12, v11;
	v12 =	vmul.f32 v13, v7  }
0x69: {  	v13 =	vld [tilespmem:s24+$0x30]  }
0x6a: {  	v11 =	vadd.f32 v12, v11;
	v12 =	vmul.f32 v14, v8  }
0x6b: {  	v14 =	vld [tilespmem:s24+$0xB0]  }
0x6c: {  	v11 =	vadd.f32 v12, v11;
	v12 =	vmul.f32 v15, v9  }
0x6d: {  	v15 =	vld [tilespmem:s24+$0x130]  }
0x6e: {  	v11 =	vadd.f32 v12, v11;
	v12 =	vmul.f32 v13, v10  }
0x6f: {  	v13 =	vld [tilespmem:s24+$0x1B0]  }
0x70: {  	v11 =	vadd.f32 v12, v11;
	v12 =	vmul.f32 v14, v1  }
0x71: {  	v14 =	vld [tilespmem:s24+$0x230]  }
0x72: {  	v11 =	vadd.f32 v12, v11;
	v12 =	vmul.f32 v15, v2;
	_ =	sdelay $0x1  }
0x73: {  	v11 =	vadd.f32 v12, v11;
	v12 =	vmul.f32 v13, v4;
	_ =	sdelay $0x1  }
0x74: {  	v11 =	vadd.f32 v12, v11;
	v12 =	vmul.f32 v14, v3;
	_ =	sdelay $0x1  }
0x75: {  	v11 =	vadd.f32 v12, v11;
	_ =	sdelay $0x1  }
0x76: {  	[tilespmem:s25+$0xFFFFFFF0] =	vst v11  }
0x77: {  	v11 =	vld [tilespmem:s24+$0xFFFFFDC0]  }
0x78: {  	v12 =	vld [tilespmem:s24+$0xFFFFFE40];
	_ =	sdelay $0x1  }
0x79: {  	v13 =	vld [tilespmem:s24+$0xFFFFFEC0];
	_ =	sdelay $0x1  }
0x7a: {  	v14 =	vld [tilespmem:s24+$0xFFFFFF40]  }
0x7b: {  	v11 =	vmul.f32 v11, v5;
	v12 =	vmul.f32 v12, v6  }
0x7c: {  	v15 =	vld [tilespmem:s24+$0xFFFFFFC0]  }
0x7d: {  	v13 =	vmul.f32 v13, v7;
	v11 =	vadd.f32 v12, v11  }
0x7e: {  	v12 =	vld [tilespmem:s24+$0x40]  }
0x7f: {  	v11 =	vadd.f32 v13, v11;
	v13 =	vmul.f32 v14, v8  }
0x80: {  	v14 =	vld [tilespmem:s24+$0xC0]  }
0x81: {  	v11 =	vadd.f32 v13, v11;
	v13 =	vmul.f32 v15, v9  }
0x82: {  	v15 =	vld [tilespmem:s24+$0x140]  }
0x83: {  	v12 =	vmul.f32 v12, v10;
	v11 =	vadd.f32 v13, v11  }
0x84: {  	v13 =	vld [tilespmem:s24+$0x1C0]  }
0x85: {  	v11 =	vadd.f32 v12, v11;
	v12 =	vmul.f32 v14, v1  }
0x86: {  	v14 =	vld [tilespmem:s24+$0x240]  }
0x87: {  	v11 =	vadd.f32 v12, v11;
	v12 =	vmul.f32 v15, v2;
	_ =	sdelay $0x1  }
0x88: {  	v11 =	vadd.f32 v12, v11;
	v12 =	vmul.f32 v13, v4;
	_ =	sdelay $0x1  }
0x89: {  	v11 =	vadd.f32 v12, v11;
	v12 =	vmul.f32 v14, v3;
	_ =	sdelay $0x1  }
0x8a: {  	v11 =	vadd.f32 v12, v11;
	_ =	sdelay $0x1  }
0x8b: {  	[tilespmem:s25+$0x0] =	vst v11  }
0x8c: {  	v11 =	vld [tilespmem:s24+$0xFFFFFDD0]  }
0x8d: {  	v12 =	vld [tilespmem:s24+$0xFFFFFE50];
	_ =	sdelay $0x1  }
0x8e: {  	v13 =	vld [tilespmem:s24+$0xFFFFFED0];
	_ =	sdelay $0x1  }
0x8f: {  	v14 =	vld [tilespmem:s24+$0xFFFFFF50]  }
0x90: {  	v11 =	vmul.f32 v11, v5;
	v12 =	vmul.f32 v12, v6  }
0x91: {  	v15 =	vld [tilespmem:s24+$0xFFFFFFD0]  }
0x92: {  	v13 =	vmul.f32 v13, v7;
	v11 =	vadd.f32 v12, v11  }
0x93: {  	v12 =	vld [tilespmem:s24+$0x50]  }
0x94: {  	v14 =	vmul.f32 v14, v8;
	v11 =	vadd.f32 v13, v11  }
0x95: {  	v13 =	vld [tilespmem:s24+$0xD0]  }
0x96: {  	v15 =	vmul.f32 v15, v9;
	v11 =	vadd.f32 v14, v11  }
0x97: {  	v14 =	vld [tilespmem:s24+$0x150]  }
0x98: {  	v12 =	vmul.f32 v12, v10;
	v11 =	vadd.f32 v15, v11  }
0x99: {  	v15 =	vld [tilespmem:s24+$0x1D0]  }
0x9a: {  	v13 =	vmul.f32 v13, v1;
	v11 =	vadd.f32 v12, v11  }
0x9b: {  	v12 =	vld [tilespmem:s24+$0x250]  }
0x9c: {  	v14 =	vmul.f32 v14, v2;
	v11 =	vadd.f32 v13, v11;
	_ =	sdelay $0x1  }
0x9d: {  	v13 =	vmul.f32 v15, v4;
	v11 =	vadd.f32 v14, v11;
	_ =	sdelay $0x1  }
0x9e: {  	v12 =	vmul.f32 v12, v3;
	v11 =	vadd.f32 v13, v11;
	_ =	sdelay $0x1  }
0x9f: {  	v11 =	vadd.f32 v12, v11;
	_ =	sdelay $0x1  }
0xa0: {  	[tilespmem:s25+$0x10] =	vst v11  }
0xa1: {  	v11 =	vld [tilespmem:s24+$0xFFFFFDE0]  }
0xa2: {  	v12 =	vld [tilespmem:s24+$0xFFFFFE60];
	_ =	sdelay $0x1  }
0xa3: {  	v13 =	vld [tilespmem:s24+$0xFFFFFEE0];
	_ =	sdelay $0x1  }
0xa4: {  	v14 =	vld [tilespmem:s24+$0xFFFFFF60]  }
0xa5: {  	v11 =	vmul.f32 v11, v5;
	v12 =	vmul.f32 v12, v6  }
0xa6: {  	v15 =	vld [tilespmem:s24+$0xFFFFFFE0]  }
0xa7: {  	v13 =	vmul.f32 v13, v7;
	v11 =	vadd.f32 v12, v11  }
0xa8: {  	v12 =	vld [tilespmem:s24+$0x60]  }
0xa9: {  	v14 =	vmul.f32 v14, v8;
	v11 =	vadd.f32 v13, v11  }
0xaa: {  	v13 =	vld [tilespmem:s24+$0xE0]  }
0xab: {  	v15 =	vmul.f32 v15, v9;
	v11 =	vadd.f32 v14, v11  }
0xac: {  	v14 =	vld [tilespmem:s24+$0x160]  }
0xad: {  	v12 =	vmul.f32 v12, v10;
	v11 =	vadd.f32 v15, v11  }
0xae: {  	v15 =	vld [tilespmem:s24+$0x1E0]  }
0xaf: {  	v13 =	vmul.f32 v13, v1;
	v11 =	vadd.f32 v12, v11  }
0xb0: {  	v12 =	vld [tilespmem:s24+$0x260]  }
0xb1: {  	v14 =	vmul.f32 v14, v2;
	v11 =	vadd.f32 v13, v11;
	_ =	sdelay $0x1  }
0xb2: {  	v13 =	vmul.f32 v15, v4;
	v11 =	vadd.f32 v14, v11;
	_ =	sdelay $0x1  }
0xb3: {  	v12 =	vmul.f32 v12, v3;
	v11 =	vadd.f32 v13, v11;
	_ =	sdelay $0x1  }
0xb4: {  	v11 =	vadd.f32 v12, v11;
	_ =	sdelay $0x1  }
0xb5: {  	[tilespmem:s25+$0x20] =	vst v11  }
0xb6: {  	v11 =	vld [tilespmem:s24+$0xFFFFFDF0]  }
0xb7: {  	v12 =	vld [tilespmem:s24+$0xFFFFFE70]  }
0xb8: {  	v13 =	vld [tilespmem:s24+$0xFFFFFEF0]  }
0xb9: {  	v14 =	vld [tilespmem:s24+$0xFFFFFF70]  }
0xba: {  	v15 =	vld [tilespmem:s24+$0xFFFFFFF0]  }
0xbb: {  	v16 =	vld [tilespmem:s24+$0x70]  }
0xbc: {  	v5 =	vmul.f32 v11, v5;
	v12 =	vmul.f32 v12, v6  }
0xbd: {  	v6 =	vld [tilespmem:s24+$0x170]  }
0xbe: {  	v13 =	vmul.f32 v13, v7;
	v17 =	vadd.f32 v12, v5;
	v5 =	vld [tilespmem:s24+$0x1F0]  }
0xbf: {  	v9 =	vmul.f32 v15, v9;
	v7 =	vld [tilespmem:s24+$0x270]  }
0xc0: {  	s28 =	simm.s32 $0x28;
	s26 =	simm.s32 $0x15D40;
	v11 =	vld [tilespmem:s24+$0xF0];
	v12 =	vmul.f32 v14, v8;
	v8 =	vmul.f32 v16, v10;
	v13 =	vadd.f32 v13, v17  }
.LBB2_3:
0xc1: {  	p1 =	sne.s32 s28, $0x1B8;
	s24 =	sadd.s32 $0x500, s24;
	s25 =	sadd.s32 $0x80, s25  }
0xc2: {  	s29 =	smov.u32 s28;
	s28 =	sadd.s32 $0x28, s28;
	v10 =	vadd.f32 v12, v13;
	v2 =	vmul.f32 v6, v2  }
0xc3: {  	v4 =	vmul.f32 v5, v4  }
0xc4: {  	v5 =	vadd.f32 v9, v10;
	v3 =	vmul.f32 v7, v3  }
0xc5: {  	v1 =	vmul.f32 v11, v1  }
0xc6: {  	v5 =	vadd.f32 v8, v5;
	_ =	sdelay $0x1  }
0xc7: {  	s29 =	sshra.s32 s29, $0x2;
	v1 =	vadd.f32 v1, v5;
	_ =	sdelay $0x1  }
0xc8: {  	v1 =	vadd.f32 v2, v1;
	_ =	sdelay $0x1  }
0xc9: {  	v1 =	vadd.f32 v4, v1;
	_ =	sdelay $0x1  }
0xca: {  	v1 =	vadd.f32 v3, v1;
	_ =	sdelay $0x1  }
0xcb: {  	[tilespmem:s26+$0x30] =	vst v1;
	s26 =	smov.u32 s25  }
0xcc: {  	v3 =	vld.idx.msk [tilespmem:v0+s29+$0x0 ss:$0x1], $0xffff  }
0xcd: {  	v1 =	vld [tilespmem:s24+$0xFFFFFF00]  }
0xce: {  	v2 =	vld [tilespmem:s24+$0xFFFFFE00]  }
0xcf: {  	v4 =	vld [tilespmem:s24+$0xFFFFFD80]  }
0xd0: {  	v8 =	vld [tilespmem:s24+$0xFFFFFE80];
	_ =	sdelay $0x1  }
0xd1: {  	v9 =	vbroadcast v3, $0x0;
	v7 =	vbroadcast v3, $0x1  }
0xd2: {  	v6 =	vbroadcast v3, $0x2;
	v5 =	vbroadcast v3, $0x3  }
0xd3: {  	v2 =	vmul.f32 v2, v7;
	v4 =	vmul.f32 v4, v9  }
0xd4: {  	v12 =	vmul.f32 v1, v5;
	v11 =	vmul.f32 v8, v6;
	v13 =	vld [tilespmem:s24+$0xFFFFFF80]  }
0xd5: {  	v10 =	vbroadcast v3, $0x4;
	v8 =	vbroadcast v3, $0x5;
	v4 =	vadd.f32 v2, v4  }
0xd6: {  	v1 =	vbroadcast v3, $0x6;
	v2 =	vbroadcast v3, $0x7;
	v14 =	vld [tilespmem:s24+$0x0]  }
0xd7: {  	v11 =	vadd.f32 v11, v4;
	v4 =	vbroadcast v3, $0x8;
	v3 =	vbroadcast v3, $0x9  }
0xd8: {  	v15 =	vld [tilespmem:s24+$0x80]  }
0xd9: {  	v11 =	vadd.f32 v12, v11;
	v12 =	vmul.f32 v13, v10  }
0xda: {  	v13 =	vld [tilespmem:s24+$0x100]  }
0xdb: {  	v11 =	vadd.f32 v12, v11;
	v12 =	vmul.f32 v14, v8  }
0xdc: {  	v14 =	vld [tilespmem:s24+$0x180]  }
0xdd: {  	v11 =	vadd.f32 v12, v11;
	v12 =	vmul.f32 v15, v1  }
0xde: {  	v15 =	vld [tilespmem:s24+$0x200]  }
0xdf: {  	v11 =	vadd.f32 v12, v11;
	v12 =	vmul.f32 v13, v2;
	_ =	sdelay $0x1  }
0xe0: {  	v11 =	vadd.f32 v12, v11;
	v12 =	vmul.f32 v14, v4;
	_ =	sdelay $0x1  }
0xe1: {  	v11 =	vadd.f32 v12, v11;
	v12 =	vmul.f32 v15, v3;
	_ =	sdelay $0x1  }
0xe2: {  	v11 =	vadd.f32 v12, v11;
	_ =	sdelay $0x1  }
0xe3: {  	[tilespmem:s25+$0xFFFFFFC0] =	vst v11  }
0xe4: {  	v11 =	vld [tilespmem:s24+$0xFFFFFD90]  }
0xe5: {  	v12 =	vld [tilespmem:s24+$0xFFFFFE10]  }
0xe6: {  	v13 =	vld [tilespmem:s24+$0xFFFFFE90];
	_ =	sdelay $0x2  }
0xe7: {  	v11 =	vmul.f32 v11, v9;
	v14 =	vld [tilespmem:s24+$0xFFFFFF10]  }
0xe8: {  	v12 =	vmul.f32 v12, v7  }
0xe9: {  	v13 =	vmul.f32 v13, v6;
	v15 =	vld [tilespmem:s24+$0xFFFFFF90]  }
0xea: {  	v11 =	vadd.f32 v12, v11  }
0xeb: {  	v12 =	vld [tilespmem:s24+$0x10]  }
0xec: {  	v11 =	vadd.f32 v13, v11;
	v13 =	vmul.f32 v14, v5  }
0xed: {  	v14 =	vld [tilespmem:s24+$0x90]  }
0xee: {  	v11 =	vadd.f32 v13, v11;
	v13 =	vmul.f32 v15, v10  }
0xef: {  	v15 =	vld [tilespmem:s24+$0x110]  }
0xf0: {  	v11 =	vadd.f32 v13, v11;
	v12 =	vmul.f32 v12, v8  }
0xf1: {  	v13 =	vld [tilespmem:s24+$0x190]  }
0xf2: {  	v11 =	vadd.f32 v12, v11;
	v12 =	vmul.f32 v14, v1  }
0xf3: {  	v14 =	vld [tilespmem:s24+$0x210]  }
0xf4: {  	v11 =	vadd.f32 v12, v11;
	v12 =	vmul.f32 v15, v2;
	_ =	sdelay $0x1  }
0xf5: {  	v11 =	vadd.f32 v12, v11;
	v12 =	vmul.f32 v13, v4;
	_ =	sdelay $0x1  }
0xf6: {  	v11 =	vadd.f32 v12, v11;
	v12 =	vmul.f32 v14, v3;
	_ =	sdelay $0x1  }
0xf7: {  	v11 =	vadd.f32 v12, v11;
	_ =	sdelay $0x1  }
0xf8: {  	[tilespmem:s25+$0xFFFFFFD0] =	vst v11  }
0xf9: {  	v11 =	vld [tilespmem:s24+$0xFFFFFDA0]  }
0xfa: {  	v12 =	vld [tilespmem:s24+$0xFFFFFE20];
	_ =	sdelay $0x1  }
0xfb: {  	v13 =	vld [tilespmem:s24+$0xFFFFFEA0];
	_ =	sdelay $0x1  }
0xfc: {  	v11 =	vmul.f32 v11, v9;
	v14 =	vld [tilespmem:s24+$0xFFFFFF20]  }
0xfd: {  	v12 =	vmul.f32 v12, v7  }
0xfe: {  	v15 =	vld [tilespmem:s24+$0xFFFFFFA0]  }
0xff: {  	v11 =	vadd.f32 v12, v11;
	v12 =	vmul.f32 v13, v6  }
0x100: {  	v13 =	vld [tilespmem:s24+$0x20]  }
0x101: {  	v11 =	vadd.f32 v12, v11;
	v12 =	vmul.f32 v14, v5  }
0x102: {  	v14 =	vld [tilespmem:s24+$0xA0]  }
0x103: {  	v11 =	vadd.f32 v12, v11;
	v12 =	vmul.f32 v15, v10  }
0x104: {  	v15 =	vld [tilespmem:s24+$0x120]  }
0x105: {  	v11 =	vadd.f32 v12, v11;
	v12 =	vmul.f32 v13, v8  }
0x106: {  	v13 =	vld [tilespmem:s24+$0x1A0]  }
0x107: {  	v11 =	vadd.f32 v12, v11;
	v12 =	vmul.f32 v14, v1  }
0x108: {  	v14 =	vld [tilespmem:s24+$0x220]  }
0x109: {  	v11 =	vadd.f32 v12, v11;
	v12 =	vmul.f32 v15, v2;
	_ =	sdelay $0x1  }
0x10a: {  	v11 =	vadd.f32 v12, v11;
	v12 =	vmul.f32 v13, v4;
	_ =	sdelay $0x1  }
0x10b: {  	v11 =	vadd.f32 v12, v11;
	v12 =	vmul.f32 v14, v3;
	_ =	sdelay $0x1  }
0x10c: {  	v11 =	vadd.f32 v12, v11;
	_ =	sdelay $0x1  }
0x10d: {  	[tilespmem:s25+$0xFFFFFFE0] =	vst v11  }
0x10e: {  	v11 =	vld [tilespmem:s24+$0xFFFFFDB0]  }
0x10f: {  	v12 =	vld [tilespmem:s24+$0xFFFFFE30]  }
0x110: {  	v13 =	vld [tilespmem:s24+$0xFFFFFEB0];
	_ =	sdelay $0x2  }
0x111: {  	v11 =	vmul.f32 v11, v9;
	v14 =	vld [tilespmem:s24+$0xFFFFFF30]  }
0x112: {  	v12 =	vmul.f32 v12, v7  }
0x113: {  	v15 =	vld [tilespmem:s24+$0xFFFFFFB0]  }
0x114: {  	v11 =	vadd.f32 v12, v11;
	v12 =	vmul.f32 v13, v6  }
0x115: {  	v13 =	vld [tilespmem:s24+$0x30]  }
0x116: {  	v11 =	vadd.f32 v12, v11;
	v12 =	vmul.f32 v14, v5  }
0x117: {  	v14 =	vld [tilespmem:s24+$0xB0]  }
0x118: {  	v11 =	vadd.f32 v12, v11;
	v12 =	vmul.f32 v15, v10  }
0x119: {  	v15 =	vld [tilespmem:s24+$0x130]  }
0x11a: {  	v11 =	vadd.f32 v12, v11;
	v12 =	vmul.f32 v13, v8  }
0x11b: {  	v13 =	vld [tilespmem:s24+$0x1B0]  }
0x11c: {  	v11 =	vadd.f32 v12, v11;
	v12 =	vmul.f32 v14, v1  }
0x11d: {  	v14 =	vld [tilespmem:s24+$0x230]  }
0x11e: {  	v11 =	vadd.f32 v12, v11;
	v12 =	vmul.f32 v15, v2;
	_ =	sdelay $0x1  }
0x11f: {  	v11 =	vadd.f32 v12, v11;
	v12 =	vmul.f32 v13, v4;
	_ =	sdelay $0x1  }
0x120: {  	v11 =	vadd.f32 v12, v11;
	v12 =	vmul.f32 v14, v3;
	_ =	sdelay $0x1  }
0x121: {  	v11 =	vadd.f32 v12, v11;
	_ =	sdelay $0x1  }
0x122: {  	[tilespmem:s25+$0xFFFFFFF0] =	vst v11  }
0x123: {  	v11 =	vld [tilespmem:s24+$0xFFFFFDC0]  }
0x124: {  	v12 =	vld [tilespmem:s24+$0xFFFFFE40]  }
0x125: {  	v13 =	vld [tilespmem:s24+$0xFFFFFEC0];
	_ =	sdelay $0x2  }
0x126: {  	v11 =	vmul.f32 v11, v9;
	v14 =	vld [tilespmem:s24+$0xFFFFFF40]  }
0x127: {  	v12 =	vmul.f32 v12, v7  }
0x128: {  	v13 =	vmul.f32 v13, v6;
	v15 =	vld [tilespmem:s24+$0xFFFFFFC0]  }
0x129: {  	v11 =	vadd.f32 v12, v11  }
0x12a: {  	v12 =	vld [tilespmem:s24+$0x40]  }
0x12b: {  	v11 =	vadd.f32 v13, v11;
	v13 =	vmul.f32 v14, v5  }
0x12c: {  	v14 =	vld [tilespmem:s24+$0xC0]  }
0x12d: {  	v11 =	vadd.f32 v13, v11;
	v13 =	vmul.f32 v15, v10  }
0x12e: {  	v15 =	vld [tilespmem:s24+$0x140]  }
0x12f: {  	v11 =	vadd.f32 v13, v11;
	v12 =	vmul.f32 v12, v8  }
0x130: {  	v13 =	vld [tilespmem:s24+$0x1C0]  }
0x131: {  	v11 =	vadd.f32 v12, v11;
	v12 =	vmul.f32 v14, v1  }
0x132: {  	v14 =	vld [tilespmem:s24+$0x240]  }
0x133: {  	v11 =	vadd.f32 v12, v11;
	v12 =	vmul.f32 v15, v2;
	_ =	sdelay $0x1  }
0x134: {  	v11 =	vadd.f32 v12, v11;
	v12 =	vmul.f32 v13, v4;
	_ =	sdelay $0x1  }
0x135: {  	v11 =	vadd.f32 v12, v11;
	v12 =	vmul.f32 v14, v3;
	_ =	sdelay $0x1  }
0x136: {  	v11 =	vadd.f32 v12, v11;
	_ =	sdelay $0x1  }
0x137: {  	[tilespmem:s25+$0x0] =	vst v11  }
0x138: {  	v11 =	vld [tilespmem:s24+$0xFFFFFDD0]  }
0x139: {  	v12 =	vld [tilespmem:s24+$0xFFFFFE50]  }
0x13a: {  	v13 =	vld [tilespmem:s24+$0xFFFFFED0]  }
0x13b: {  	v14 =	vld [tilespmem:s24+$0xFFFFFF50]  }
0x13c: {  	v15 =	vld [tilespmem:s24+$0xFFFFFFD0]  }
0x13d: {  	v11 =	vmul.f32 v11, v9;
	v16 =	vld [tilespmem:s24+$0x50]  }
0x13e: {  	v12 =	vmul.f32 v12, v7;
	v17 =	vld [tilespmem:s24+$0xD0]  }
0x13f: {  	v13 =	vmul.f32 v13, v6;
	v18 =	vld [tilespmem:s24+$0x150]  }
0x140: {  	v11 =	vadd.f32 v12, v11;
	v12 =	vmul.f32 v14, v5;
	v14 =	vld [tilespmem:s24+$0x1D0]  }
0x141: {  	v15 =	vmul.f32 v15, v10;
	v19 =	vld [tilespmem:s24+$0x250]  }
0x142: {  	v11 =	vadd.f32 v13, v11;
	v13 =	vmul.f32 v16, v8  }
0x143: {  	v16 =	vmul.f32 v17, v1  }
0x144: {  	v11 =	vadd.f32 v12, v11;
	v12 =	vmul.f32 v18, v2  }
0x145: {  	v14 =	vmul.f32 v14, v4  }
0x146: {  	v11 =	vadd.f32 v15, v11;
	v15 =	vmul.f32 v19, v3;
	_ =	sdelay $0x1  }
0x147: {  	v11 =	vadd.f32 v13, v11;
	_ =	sdelay $0x1  }
0x148: {  	v11 =	vadd.f32 v16, v11;
	_ =	sdelay $0x1  }
0x149: {  	v11 =	vadd.f32 v12, v11;
	_ =	sdelay $0x1  }
0x14a: {  	v11 =	vadd.f32 v14, v11;
	_ =	sdelay $0x1  }
0x14b: {  	v11 =	vadd.f32 v15, v11;
	_ =	sdelay $0x1  }
0x14c: {  	[tilespmem:s25+$0x10] =	vst v11  }
0x14d: {  	v11 =	vld [tilespmem:s24+$0xFFFFFDE0]  }
0x14e: {  	v12 =	vld [tilespmem:s24+$0xFFFFFE60]  }
0x14f: {  	v13 =	vld [tilespmem:s24+$0xFFFFFEE0]  }
0x150: {  	v14 =	vld [tilespmem:s24+$0xFFFFFF60]  }
0x151: {  	v15 =	vld [tilespmem:s24+$0xFFFFFFE0]  }
0x152: {  	v11 =	vmul.f32 v11, v9;
	v16 =	vld [tilespmem:s24+$0x60]  }
0x153: {  	v12 =	vmul.f32 v12, v7;
	v17 =	vld [tilespmem:s24+$0xE0]  }
0x154: {  	v13 =	vmul.f32 v13, v6;
	v18 =	vld [tilespmem:s24+$0x160]  }
0x155: {  	v11 =	vadd.f32 v12, v11;
	v12 =	vmul.f32 v14, v5;
	v14 =	vld [tilespmem:s24+$0x1E0]  }
0x156: {  	v15 =	vmul.f32 v15, v10;
	v19 =	vld [tilespmem:s24+$0x260]  }
0x157: {  	v11 =	vadd.f32 v13, v11;
	v13 =	vmul.f32 v16, v8  }
0x158: {  	v16 =	vmul.f32 v17, v1  }
0x159: {  	v11 =	vadd.f32 v12, v11;
	v12 =	vmul.f32 v18, v2  }
0x15a: {  	v14 =	vmul.f32 v14, v4  }
0x15b: {  	v11 =	vadd.f32 v15, v11;
	v15 =	vmul.f32 v19, v3;
	_ =	sdelay $0x1  }
0x15c: {  	v11 =	vadd.f32 v13, v11;
	_ =	sdelay $0x1  }
0x15d: {  	v11 =	vadd.f32 v16, v11;
	_ =	sdelay $0x1  }
0x15e: {  	v11 =	vadd.f32 v12, v11;
	_ =	sdelay $0x1  }
0x15f: {  	v11 =	vadd.f32 v14, v11;
	_ =	sdelay $0x1  }
0x160: {  	v11 =	vadd.f32 v15, v11;
	_ =	sdelay $0x1  }
0x161: {  	[tilespmem:s25+$0x20] =	vst v11  }
0x162: {  	v11 =	vld [tilespmem:s24+$0xFFFFFDF0]  }
0x163: {  	v12 =	vld [tilespmem:s24+$0xFFFFFE70]  }
0x164: {  	v13 =	vld [tilespmem:s24+$0xFFFFFEF0]  }
0x165: {  	v14 =	vld [tilespmem:s24+$0xFFFFFF70]  }
0x166: {  	v15 =	vld [tilespmem:s24+$0xFFFFFFF0]  }
0x167: {  	v9 =	vmul.f32 v11, v9;
	v16 =	vld [tilespmem:s24+$0x70]  }
.Ltmp0:
0x168: {  	v7 =	vmul.f32 v12, v7;
	v11 =	vld [tilespmem:s24+$0xF0];
	(pc) =	sbr.rel @p1 .LBB2_3-.Ltmp0, $4  }
0x169: {  	v13 =	vmul.f32 v13, v6;
	v6 =	vld [tilespmem:s24+$0x170]  }
0x16a: {  	v17 =	vadd.f32 v7, v9;
	v12 =	vmul.f32 v14, v5;
	v5 =	vld [tilespmem:s24+$0x1F0]  }
0x16b: {  	v9 =	vmul.f32 v15, v10;
	v7 =	vld [tilespmem:s24+$0x270]  }
0x16c: {  	v13 =	vadd.f32 v13, v17;
	v8 =	vmul.f32 v16, v8  }
0x16d: {  	_ = 	snop  }
0x16e: {  	v0 =	vadd.f32 v12, v13;
	_ =	sdelay $0x1  }
0x16f: {  	v0 =	vadd.f32 v9, v0;
	_ =	sdelay $0x1  }
0x170: {  	v1 =	vmul.f32 v11, v1;
	v0 =	vadd.f32 v8, v0;
	_ =	sdelay $0x1  }
0x171: {  	v2 =	vmul.f32 v6, v2;
	v0 =	vadd.f32 v1, v0;
	_ =	sdelay $0x1  }
0x172: {  	v62 =	vmul.f32 v5, v4;
	v0 =	vadd.f32 v2, v0;
	_ =	sdelay $0x1  }
0x173: {  	s24 =	smul.u32 $0x18, s22;
	p1 =	sne.s32 s22, $0x75;
	v63 =	vmul.f32 v7, v3;
	v0 =	vadd.f32 v62, v0  }
.Ltmp1:
0x174: {  	_ = 	snop;
	(pc) =	sbr.rel @p1 .LBB2_6-.Ltmp1, $4  }
0x175: {  	s24 =	sadd.s32 s5, s24;
	v0 =	vadd.f32 v63, v0  }
0x176: {  	s24 =	sshll.u32 s24, $0x4  }
0x177: {  	s24 =	sadd.s32 s4, s24;
	[tilespmem:s26+$0x30] =	vst v0  }
0x178: {  	[hbm4b:s24+s3] =	stream.linear.scatter [tilespmem:s14], [sflag:$0x3], $0x600, $0x38;
	[tilespmem:$0x16900] =	vst v63  }
.Ltmp2:
0x179: {  	(pc) =	sbr.rel .LBB2_7-.Ltmp2, $4  }
0x17a: {  	_ = 	snop  }
0x17b: {  	_ =	swait.ge [sflag:s15], $0x3C00  }
0x17c: {  	[sflag:s15] =	ssyncset.done $0x0  }
0x17d: {  	[sflag:s15] =	ssyncadd.s32 $0xFFFFC400  }
.LBB2_6:
0x17e: {  	s24 =	sshll.u32 s22, $0x8  }
0x17f: {  	s24 =	sand.u32 $0x3FFFFF00, s24  }
.Ltmp3:
0x180: {  	s24 =	sadd.s32 $0x100, s24;
	(pc) =	sbr.rel @p0 .LBB2_8-.Ltmp3, $4  }
0x181: {  	[tilespmem:s11], [sflag:$0x1] =	stream.indirect.gather [hbm4b:s2+s10], $0x80, s24, s10, $0xb8;
	[tilespmem:$0x16900] =	vst v63  }
0x182: {  	_ =	swait.ge [sflag:s15], $0x3C00  }
0x183: {  	[sflag:s15] =	ssyncset.done $0x0  }
0x184: {  	[sflag:s15] =	ssyncadd.s32 $0xFFFFC400  }
.LBB2_7:
0x185: {  	_ =	swait.ge [sflag:s16], $0x600  }
0x186: {  	[sflag:s16] =	ssyncset.done $0x0  }
0x187: {  	[sflag:s16] =	ssyncadd.s32 $0xFFFFFA00  }
.LBB2_8:
0x188: {  	v0 =	vmov s21;
	_ =	sdelay $0x3  }
0x189: {  	s25 =	simm.s32 $0x0  }
0x18a: {  	s24 =	simm.s32 $0x12380;
	v2 =	vld.idx.msk [tilespmem:v0+s25+$0x0 ss:$0x1], $0xffff  }
0x18b: {  	v1 =	vld [tilespmem:s24+$0xFFFFFE00]  }
0x18c: {  	v3 =	vld [tilespmem:s24+$0xFFFFFD80];
	_ =	sdelay $0x1  }
0x18d: {  	v4 =	vld [tilespmem:s24+$0xFFFFFE80]  }
0x18e: {  	v5 =	vbroadcast v2, $0x0;
	v6 =	vbroadcast v2, $0x1  }
0x18f: {  	v9 =	vld [tilespmem:s24+$0xFFFFFF00];
	v7 =	vbroadcast v2, $0x2  }
0x190: {  	v3 =	vmul.f32 v3, v5;
	v1 =	vmul.f32 v1, v6  }
0x191: {  	v11 =	vld [tilespmem:s24+$0xFFFFFF80]  }
0x192: {  	v8 =	vbroadcast v2, $0x3;
	v4 =	vmul.f32 v4, v7;
	v1 =	vadd.f32 v1, v3  }
0x193: {  	v3 =	vld [tilespmem:s24+$0x0]  }
0x194: {  	v12 =	vmul.f32 v9, v8;
	v9 =	vbroadcast v2, $0x4;
	v1 =	vadd.f32 v4, v1  }
0x195: {  	v4 =	vld [tilespmem:s24+$0x80]  }
0x196: {  	v10 =	vbroadcast v2, $0x5;
	v11 =	vmul.f32 v11, v9;
	v12 =	vadd.f32 v12, v1  }
0x197: {  	v13 =	vld [tilespmem:s24+$0x100]  }
0x198: {  	v1 =	vbroadcast v2, $0x6;
	v11 =	vadd.f32 v11, v12;
	v12 =	vmul.f32 v3, v10  }
0x199: {  	v14 =	vld [tilespmem:s24+$0x180]  }
0x19a: {  	v3 =	vbroadcast v2, $0x7;
	v11 =	vadd.f32 v12, v11;
	v12 =	vmul.f32 v4, v1  }
0x19b: {  	v15 =	vld [tilespmem:s24+$0x200]  }
0x19c: {  	v4 =	vbroadcast v2, $0x8;
	v11 =	vadd.f32 v12, v11;
	v12 =	vmul.f32 v13, v3;
	_ =	sdelay $0x1  }
0x19d: {  	v2 =	vbroadcast v2, $0x9;
	v11 =	vadd.f32 v12, v11;
	v12 =	vmul.f32 v14, v4;
	_ =	sdelay $0x1  }
0x19e: {  	v11 =	vadd.f32 v12, v11;
	v12 =	vmul.f32 v15, v2;
	_ =	sdelay $0x1  }
0x19f: {  	v11 =	vadd.f32 v12, v11  }
0x1a0: {  	s25 =	simm.s32 $0x16340  }
0x1a1: {  	[tilespmem:s25+$0xFFFFFFC0] =	vst v11  }
0x1a2: {  	v11 =	vld [tilespmem:s24+$0xFFFFFD90]  }
0x1a3: {  	v12 =	vld [tilespmem:s24+$0xFFFFFE10];
	_ =	sdelay $0x1  }
0x1a4: {  	v13 =	vld [tilespmem:s24+$0xFFFFFE90];
	_ =	sdelay $0x1  }
0x1a5: {  	v14 =	vld [tilespmem:s24+$0xFFFFFF10]  }
0x1a6: {  	v11 =	vmul.f32 v11, v5;
	v12 =	vmul.f32 v12, v6  }
0x1a7: {  	v15 =	vld [tilespmem:s24+$0xFFFFFF90]  }
0x1a8: {  	v13 =	vmul.f32 v13, v7;
	v11 =	vadd.f32 v12, v11  }
0x1a9: {  	v12 =	vld [tilespmem:s24+$0x10]  }
0x1aa: {  	v11 =	vadd.f32 v13, v11;
	v13 =	vmul.f32 v14, v8  }
0x1ab: {  	v14 =	vld [tilespmem:s24+$0x90]  }
0x1ac: {  	v11 =	vadd.f32 v13, v11;
	v13 =	vmul.f32 v15, v9  }
0x1ad: {  	v15 =	vld [tilespmem:s24+$0x110]  }
0x1ae: {  	v12 =	vmul.f32 v12, v10;
	v11 =	vadd.f32 v13, v11  }
0x1af: {  	v13 =	vld [tilespmem:s24+$0x190]  }
0x1b0: {  	v11 =	vadd.f32 v12, v11;
	v12 =	vmul.f32 v14, v1  }
0x1b1: {  	v14 =	vld [tilespmem:s24+$0x210]  }
0x1b2: {  	v11 =	vadd.f32 v12, v11;
	v12 =	vmul.f32 v15, v3;
	_ =	sdelay $0x1  }
0x1b3: {  	v11 =	vadd.f32 v12, v11;
	v12 =	vmul.f32 v13, v4;
	_ =	sdelay $0x1  }
0x1b4: {  	v11 =	vadd.f32 v12, v11;
	v12 =	vmul.f32 v14, v2;
	_ =	sdelay $0x1  }
0x1b5: {  	v11 =	vadd.f32 v12, v11;
	_ =	sdelay $0x1  }
0x1b6: {  	[tilespmem:s25+$0xFFFFFFD0] =	vst v11  }
0x1b7: {  	v11 =	vld [tilespmem:s24+$0xFFFFFDA0]  }
0x1b8: {  	v12 =	vld [tilespmem:s24+$0xFFFFFE20];
	_ =	sdelay $0x1  }
0x1b9: {  	v13 =	vld [tilespmem:s24+$0xFFFFFEA0];
	_ =	sdelay $0x1  }
0x1ba: {  	v14 =	vld [tilespmem:s24+$0xFFFFFF20]  }
0x1bb: {  	v11 =	vmul.f32 v11, v5;
	v12 =	vmul.f32 v12, v6  }
0x1bc: {  	v15 =	vld [tilespmem:s24+$0xFFFFFFA0]  }
0x1bd: {  	v11 =	vadd.f32 v12, v11;
	v12 =	vmul.f32 v13, v7  }
0x1be: {  	v13 =	vld [tilespmem:s24+$0x20]  }
0x1bf: {  	v11 =	vadd.f32 v12, v11;
	v12 =	vmul.f32 v14, v8  }
0x1c0: {  	v14 =	vld [tilespmem:s24+$0xA0]  }
0x1c1: {  	v11 =	vadd.f32 v12, v11;
	v12 =	vmul.f32 v15, v9  }
0x1c2: {  	v15 =	vld [tilespmem:s24+$0x120]  }
0x1c3: {  	v11 =	vadd.f32 v12, v11;
	v12 =	vmul.f32 v13, v10  }
0x1c4: {  	v13 =	vld [tilespmem:s24+$0x1A0]  }
0x1c5: {  	v11 =	vadd.f32 v12, v11;
	v12 =	vmul.f32 v14, v1  }
0x1c6: {  	v14 =	vld [tilespmem:s24+$0x220]  }
0x1c7: {  	v11 =	vadd.f32 v12, v11;
	v12 =	vmul.f32 v15, v3;
	_ =	sdelay $0x1  }
0x1c8: {  	v11 =	vadd.f32 v12, v11;
	v12 =	vmul.f32 v13, v4;
	_ =	sdelay $0x1  }
0x1c9: {  	v11 =	vadd.f32 v12, v11;
	v12 =	vmul.f32 v14, v2;
	_ =	sdelay $0x1  }
0x1ca: {  	v11 =	vadd.f32 v12, v11;
	_ =	sdelay $0x1  }
0x1cb: {  	[tilespmem:s25+$0xFFFFFFE0] =	vst v11  }
0x1cc: {  	v11 =	vld [tilespmem:s24+$0xFFFFFDB0]  }
0x1cd: {  	v12 =	vld [tilespmem:s24+$0xFFFFFE30];
	_ =	sdelay $0x1  }
0x1ce: {  	v13 =	vld [tilespmem:s24+$0xFFFFFEB0];
	_ =	sdelay $0x1  }
0x1cf: {  	v14 =	vld [tilespmem:s24+$0xFFFFFF30]  }
0x1d0: {  	v11 =	vmul.f32 v11, v5;
	v12 =	vmul.f32 v12, v6  }
0x1d1: {  	v15 =	vld [tilespmem:s24+$0xFFFFFFB0]  }
0x1d2: {  	v11 =	vadd.f32 v12, v11;
	v12 =	vmul.f32 v13, v7  }
0x1d3: {  	v13 =	vld [tilespmem:s24+$0x30]  }
0x1d4: {  	v11 =	vadd.f32 v12, v11;
	v12 =	vmul.f32 v14, v8  }
0x1d5: {  	v14 =	vld [tilespmem:s24+$0xB0]  }
0x1d6: {  	v11 =	vadd.f32 v12, v11;
	v12 =	vmul.f32 v15, v9  }
0x1d7: {  	v15 =	vld [tilespmem:s24+$0x130]  }
0x1d8: {  	v11 =	vadd.f32 v12, v11;
	v12 =	vmul.f32 v13, v10  }
0x1d9: {  	v13 =	vld [tilespmem:s24+$0x1B0]  }
0x1da: {  	v11 =	vadd.f32 v12, v11;
	v12 =	vmul.f32 v14, v1  }
0x1db: {  	v14 =	vld [tilespmem:s24+$0x230]  }
0x1dc: {  	v11 =	vadd.f32 v12, v11;
	v12 =	vmul.f32 v15, v3;
	_ =	sdelay $0x1  }
0x1dd: {  	v11 =	vadd.f32 v12, v11;
	v12 =	vmul.f32 v13, v4;
	_ =	sdelay $0x1  }
0x1de: {  	v11 =	vadd.f32 v12, v11;
	v12 =	vmul.f32 v14, v2;
	_ =	sdelay $0x1  }
0x1df: {  	v11 =	vadd.f32 v12, v11;
	_ =	sdelay $0x1  }
0x1e0: {  	[tilespmem:s25+$0xFFFFFFF0] =	vst v11  }
0x1e1: {  	v11 =	vld [tilespmem:s24+$0xFFFFFDC0]  }
0x1e2: {  	v12 =	vld [tilespmem:s24+$0xFFFFFE40];
	_ =	sdelay $0x1  }
0x1e3: {  	v13 =	vld [tilespmem:s24+$0xFFFFFEC0];
	_ =	sdelay $0x1  }
0x1e4: {  	v14 =	vld [tilespmem:s24+$0xFFFFFF40]  }
0x1e5: {  	v11 =	vmul.f32 v11, v5;
	v12 =	vmul.f32 v12, v6  }
0x1e6: {  	v15 =	vld [tilespmem:s24+$0xFFFFFFC0]  }
0x1e7: {  	v13 =	vmul.f32 v13, v7;
	v11 =	vadd.f32 v12, v11  }
0x1e8: {  	v12 =	vld [tilespmem:s24+$0x40]  }
0x1e9: {  	v11 =	vadd.f32 v13, v11;
	v13 =	vmul.f32 v14, v8  }
0x1ea: {  	v14 =	vld [tilespmem:s24+$0xC0]  }
0x1eb: {  	v11 =	vadd.f32 v13, v11;
	v13 =	vmul.f32 v15, v9  }
0x1ec: {  	v15 =	vld [tilespmem:s24+$0x140]  }
0x1ed: {  	v12 =	vmul.f32 v12, v10;
	v11 =	vadd.f32 v13, v11  }
0x1ee: {  	v13 =	vld [tilespmem:s24+$0x1C0]  }
0x1ef: {  	v11 =	vadd.f32 v12, v11;
	v12 =	vmul.f32 v14, v1  }
0x1f0: {  	v14 =	vld [tilespmem:s24+$0x240]  }
0x1f1: {  	v11 =	vadd.f32 v12, v11;
	v12 =	vmul.f32 v15, v3;
	_ =	sdelay $0x1  }
0x1f2: {  	v11 =	vadd.f32 v12, v11;
	v12 =	vmul.f32 v13, v4;
	_ =	sdelay $0x1  }
0x1f3: {  	v11 =	vadd.f32 v12, v11;
	v12 =	vmul.f32 v14, v2;
	_ =	sdelay $0x1  }
0x1f4: {  	v11 =	vadd.f32 v12, v11;
	_ =	sdelay $0x1  }
0x1f5: {  	[tilespmem:s25+$0x0] =	vst v11  }
0x1f6: {  	v11 =	vld [tilespmem:s24+$0xFFFFFDD0]  }
0x1f7: {  	v12 =	vld [tilespmem:s24+$0xFFFFFE50];
	_ =	sdelay $0x1  }
0x1f8: {  	v13 =	vld [tilespmem:s24+$0xFFFFFED0];
	_ =	sdelay $0x1  }
0x1f9: {  	v14 =	vld [tilespmem:s24+$0xFFFFFF50]  }
0x1fa: {  	v11 =	vmul.f32 v11, v5;
	v12 =	vmul.f32 v12, v6  }
0x1fb: {  	v15 =	vld [tilespmem:s24+$0xFFFFFFD0]  }
0x1fc: {  	v13 =	vmul.f32 v13, v7;
	v11 =	vadd.f32 v12, v11  }
0x1fd: {  	v12 =	vld [tilespmem:s24+$0x50]  }
0x1fe: {  	v14 =	vmul.f32 v14, v8;
	v11 =	vadd.f32 v13, v11  }
0x1ff: {  	v13 =	vld [tilespmem:s24+$0xD0]  }
0x200: {  	v15 =	vmul.f32 v15, v9;
	v11 =	vadd.f32 v14, v11  }
0x201: {  	v14 =	vld [tilespmem:s24+$0x150]  }
0x202: {  	v12 =	vmul.f32 v12, v10;
	v11 =	vadd.f32 v15, v11  }
0x203: {  	v15 =	vld [tilespmem:s24+$0x1D0]  }
0x204: {  	v13 =	vmul.f32 v13, v1;
	v11 =	vadd.f32 v12, v11  }
0x205: {  	v12 =	vld [tilespmem:s24+$0x250]  }
0x206: {  	v14 =	vmul.f32 v14, v3;
	v11 =	vadd.f32 v13, v11;
	_ =	sdelay $0x1  }
0x207: {  	v13 =	vmul.f32 v15, v4;
	v11 =	vadd.f32 v14, v11;
	_ =	sdelay $0x1  }
0x208: {  	v12 =	vmul.f32 v12, v2;
	v11 =	vadd.f32 v13, v11;
	_ =	sdelay $0x1  }
0x209: {  	v11 =	vadd.f32 v12, v11;
	_ =	sdelay $0x1  }
0x20a: {  	[tilespmem:s25+$0x10] =	vst v11  }
0x20b: {  	v11 =	vld [tilespmem:s24+$0xFFFFFDE0]  }
0x20c: {  	v12 =	vld [tilespmem:s24+$0xFFFFFE60];
	_ =	sdelay $0x1  }
0x20d: {  	v13 =	vld [tilespmem:s24+$0xFFFFFEE0];
	_ =	sdelay $0x1  }
0x20e: {  	v14 =	vld [tilespmem:s24+$0xFFFFFF60]  }
0x20f: {  	v11 =	vmul.f32 v11, v5;
	v12 =	vmul.f32 v12, v6  }
0x210: {  	v15 =	vld [tilespmem:s24+$0xFFFFFFE0]  }
0x211: {  	v13 =	vmul.f32 v13, v7;
	v11 =	vadd.f32 v12, v11  }
0x212: {  	v12 =	vld [tilespmem:s24+$0x60]  }
0x213: {  	v14 =	vmul.f32 v14, v8;
	v11 =	vadd.f32 v13, v11  }
0x214: {  	v13 =	vld [tilespmem:s24+$0xE0]  }
0x215: {  	v15 =	vmul.f32 v15, v9;
	v11 =	vadd.f32 v14, v11  }
0x216: {  	v14 =	vld [tilespmem:s24+$0x160]  }
0x217: {  	v12 =	vmul.f32 v12, v10;
	v11 =	vadd.f32 v15, v11  }
0x218: {  	v15 =	vld [tilespmem:s24+$0x1E0]  }
0x219: {  	v13 =	vmul.f32 v13, v1;
	v11 =	vadd.f32 v12, v11  }
0x21a: {  	v12 =	vld [tilespmem:s24+$0x260]  }
0x21b: {  	v14 =	vmul.f32 v14, v3;
	v11 =	vadd.f32 v13, v11;
	_ =	sdelay $0x1  }
0x21c: {  	v13 =	vmul.f32 v15, v4;
	v11 =	vadd.f32 v14, v11;
	_ =	sdelay $0x1  }
0x21d: {  	v12 =	vmul.f32 v12, v2;
	v11 =	vadd.f32 v13, v11;
	_ =	sdelay $0x1  }
0x21e: {  	v11 =	vadd.f32 v12, v11;
	_ =	sdelay $0x1  }
0x21f: {  	[tilespmem:s25+$0x20] =	vst v11  }
0x220: {  	v11 =	vld [tilespmem:s24+$0xFFFFFDF0]  }
0x221: {  	v12 =	vld [tilespmem:s24+$0xFFFFFE70]  }
0x222: {  	v13 =	vld [tilespmem:s24+$0xFFFFFEF0]  }
0x223: {  	v14 =	vld [tilespmem:s24+$0xFFFFFF70]  }
0x224: {  	v15 =	vld [tilespmem:s24+$0xFFFFFFF0]  }
0x225: {  	v16 =	vld [tilespmem:s24+$0x70]  }
0x226: {  	v5 =	vmul.f32 v11, v5;
	v12 =	vmul.f32 v12, v6  }
0x227: {  	v6 =	vld [tilespmem:s24+$0x170]  }
0x228: {  	v13 =	vmul.f32 v13, v7;
	v17 =	vadd.f32 v12, v5;
	v5 =	vld [tilespmem:s24+$0x1F0]  }
0x229: {  	v9 =	vmul.f32 v15, v9;
	v7 =	vld [tilespmem:s24+$0x270]  }
0x22a: {  	s28 =	simm.s32 $0x28;
	s26 =	simm.s32 $0x16340;
	v11 =	vld [tilespmem:s24+$0xF0];
	v12 =	vmul.f32 v14, v8;
	v8 =	vmul.f32 v16, v10;
	v13 =	vadd.f32 v13, v17  }
.LBB2_9:
0x22b: {  	p0 =	sne.s32 s28, $0x1B8;
	s24 =	sadd.s32 $0x500, s24;
	s25 =	sadd.s32 $0x80, s25  }
0x22c: {  	s29 =	smov.u32 s28;
	s28 =	sadd.s32 $0x28, s28;
	v10 =	vadd.f32 v12, v13;
	v3 =	vmul.f32 v6, v3  }
0x22d: {  	v4 =	vmul.f32 v5, v4  }
0x22e: {  	v5 =	vadd.f32 v9, v10;
	v2 =	vmul.f32 v7, v2  }
0x22f: {  	v1 =	vmul.f32 v11, v1  }
0x230: {  	v5 =	vadd.f32 v8, v5;
	_ =	sdelay $0x1  }
0x231: {  	s29 =	sshra.s32 s29, $0x2;
	v1 =	vadd.f32 v1, v5;
	_ =	sdelay $0x1  }
0x232: {  	v1 =	vadd.f32 v3, v1;
	_ =	sdelay $0x1  }
0x233: {  	v1 =	vadd.f32 v4, v1;
	_ =	sdelay $0x1  }
0x234: {  	v1 =	vadd.f32 v2, v1;
	_ =	sdelay $0x1  }
0x235: {  	[tilespmem:s26+$0x30] =	vst v1;
	s26 =	smov.u32 s25  }
0x236: {  	v2 =	vld.idx.msk [tilespmem:v0+s29+$0x0 ss:$0x1], $0xffff  }
0x237: {  	v1 =	vld [tilespmem:s24+$0xFFFFFF00]  }
0x238: {  	v3 =	vld [tilespmem:s24+$0xFFFFFE00]  }
0x239: {  	v4 =	vld [tilespmem:s24+$0xFFFFFD80]  }
0x23a: {  	v8 =	vld [tilespmem:s24+$0xFFFFFE80];
	_ =	sdelay $0x1  }
0x23b: {  	v9 =	vbroadcast v2, $0x0;
	v7 =	vbroadcast v2, $0x1  }
0x23c: {  	v6 =	vbroadcast v2, $0x2;
	v5 =	vbroadcast v2, $0x3  }
0x23d: {  	v3 =	vmul.f32 v3, v7;
	v4 =	vmul.f32 v4, v9  }
0x23e: {  	v12 =	vmul.f32 v1, v5;
	v11 =	vmul.f32 v8, v6;
	v13 =	vld [tilespmem:s24+$0xFFFFFF80]  }
0x23f: {  	v10 =	vbroadcast v2, $0x4;
	v8 =	vbroadcast v2, $0x5;
	v4 =	vadd.f32 v3, v4  }
0x240: {  	v1 =	vbroadcast v2, $0x6;
	v3 =	vbroadcast v2, $0x7;
	v14 =	vld [tilespmem:s24+$0x0]  }
0x241: {  	v11 =	vadd.f32 v11, v4;
	v4 =	vbroadcast v2, $0x8;
	v2 =	vbroadcast v2, $0x9  }
0x242: {  	v15 =	vld [tilespmem:s24+$0x80]  }
0x243: {  	v11 =	vadd.f32 v12, v11;
	v12 =	vmul.f32 v13, v10  }
0x244: {  	v13 =	vld [tilespmem:s24+$0x100]  }
0x245: {  	v11 =	vadd.f32 v12, v11;
	v12 =	vmul.f32 v14, v8  }
0x246: {  	v14 =	vld [tilespmem:s24+$0x180]  }
0x247: {  	v11 =	vadd.f32 v12, v11;
	v12 =	vmul.f32 v15, v1  }
0x248: {  	v15 =	vld [tilespmem:s24+$0x200]  }
0x249: {  	v11 =	vadd.f32 v12, v11;
	v12 =	vmul.f32 v13, v3;
	_ =	sdelay $0x1  }
0x24a: {  	v11 =	vadd.f32 v12, v11;
	v12 =	vmul.f32 v14, v4;
	_ =	sdelay $0x1  }
0x24b: {  	v11 =	vadd.f32 v12, v11;
	v12 =	vmul.f32 v15, v2;
	_ =	sdelay $0x1  }
0x24c: {  	v11 =	vadd.f32 v12, v11;
	_ =	sdelay $0x1  }
0x24d: {  	[tilespmem:s25+$0xFFFFFFC0] =	vst v11  }
0x24e: {  	v11 =	vld [tilespmem:s24+$0xFFFFFD90]  }
0x24f: {  	v12 =	vld [tilespmem:s24+$0xFFFFFE10]  }
0x250: {  	v13 =	vld [tilespmem:s24+$0xFFFFFE90];
	_ =	sdelay $0x2  }
0x251: {  	v11 =	vmul.f32 v11, v9;
	v14 =	vld [tilespmem:s24+$0xFFFFFF10]  }
0x252: {  	v12 =	vmul.f32 v12, v7  }
0x253: {  	v13 =	vmul.f32 v13, v6;
	v15 =	vld [tilespmem:s24+$0xFFFFFF90]  }
0x254: {  	v11 =	vadd.f32 v12, v11  }
0x255: {  	v12 =	vld [tilespmem:s24+$0x10]  }
0x256: {  	v11 =	vadd.f32 v13, v11;
	v13 =	vmul.f32 v14, v5  }
0x257: {  	v14 =	vld [tilespmem:s24+$0x90]  }
0x258: {  	v11 =	vadd.f32 v13, v11;
	v13 =	vmul.f32 v15, v10  }
0x259: {  	v15 =	vld [tilespmem:s24+$0x110]  }
0x25a: {  	v11 =	vadd.f32 v13, v11;
	v12 =	vmul.f32 v12, v8  }
0x25b: {  	v13 =	vld [tilespmem:s24+$0x190]  }
0x25c: {  	v11 =	vadd.f32 v12, v11;
	v12 =	vmul.f32 v14, v1  }
0x25d: {  	v14 =	vld [tilespmem:s24+$0x210]  }
0x25e: {  	v11 =	vadd.f32 v12, v11;
	v12 =	vmul.f32 v15, v3;
	_ =	sdelay $0x1  }
0x25f: {  	v11 =	vadd.f32 v12, v11;
	v12 =	vmul.f32 v13, v4;
	_ =	sdelay $0x1  }
0x260: {  	v11 =	vadd.f32 v12, v11;
	v12 =	vmul.f32 v14, v2;
	_ =	sdelay $0x1  }
0x261: {  	v11 =	vadd.f32 v12, v11;
	_ =	sdelay $0x1  }
0x262: {  	[tilespmem:s25+$0xFFFFFFD0] =	vst v11  }
0x263: {  	v11 =	vld [tilespmem:s24+$0xFFFFFDA0]  }
0x264: {  	v12 =	vld [tilespmem:s24+$0xFFFFFE20];
	_ =	sdelay $0x1  }
0x265: {  	v13 =	vld [tilespmem:s24+$0xFFFFFEA0];
	_ =	sdelay $0x1  }
0x266: {  	v11 =	vmul.f32 v11, v9;
	v14 =	vld [tilespmem:s24+$0xFFFFFF20]  }
0x267: {  	v12 =	vmul.f32 v12, v7  }
0x268: {  	v15 =	vld [tilespmem:s24+$0xFFFFFFA0]  }
0x269: {  	v11 =	vadd.f32 v12, v11;
	v12 =	vmul.f32 v13, v6  }
0x26a: {  	v13 =	vld [tilespmem:s24+$0x20]  }
0x26b: {  	v11 =	vadd.f32 v12, v11;
	v12 =	vmul.f32 v14, v5  }
0x26c: {  	v14 =	vld [tilespmem:s24+$0xA0]  }
0x26d: {  	v11 =	vadd.f32 v12, v11;
	v12 =	vmul.f32 v15, v10  }
0x26e: {  	v15 =	vld [tilespmem:s24+$0x120]  }
0x26f: {  	v11 =	vadd.f32 v12, v11;
	v12 =	vmul.f32 v13, v8  }
0x270: {  	v13 =	vld [tilespmem:s24+$0x1A0]  }
0x271: {  	v11 =	vadd.f32 v12, v11;
	v12 =	vmul.f32 v14, v1  }
0x272: {  	v14 =	vld [tilespmem:s24+$0x220]  }
0x273: {  	v11 =	vadd.f32 v12, v11;
	v12 =	vmul.f32 v15, v3;
	_ =	sdelay $0x1  }
0x274: {  	v11 =	vadd.f32 v12, v11;
	v12 =	vmul.f32 v13, v4;
	_ =	sdelay $0x1  }
0x275: {  	v11 =	vadd.f32 v12, v11;
	v12 =	vmul.f32 v14, v2;
	_ =	sdelay $0x1  }
0x276: {  	v11 =	vadd.f32 v12, v11;
	_ =	sdelay $0x1  }
0x277: {  	[tilespmem:s25+$0xFFFFFFE0] =	vst v11  }
0x278: {  	v11 =	vld [tilespmem:s24+$0xFFFFFDB0]  }
0x279: {  	v12 =	vld [tilespmem:s24+$0xFFFFFE30]  }
0x27a: {  	v13 =	vld [tilespmem:s24+$0xFFFFFEB0];
	_ =	sdelay $0x2  }
0x27b: {  	v11 =	vmul.f32 v11, v9;
	v14 =	vld [tilespmem:s24+$0xFFFFFF30]  }
0x27c: {  	v12 =	vmul.f32 v12, v7  }
0x27d: {  	v15 =	vld [tilespmem:s24+$0xFFFFFFB0]  }
0x27e: {  	v11 =	vadd.f32 v12, v11;
	v12 =	vmul.f32 v13, v6  }
0x27f: {  	v13 =	vld [tilespmem:s24+$0x30]  }
0x280: {  	v11 =	vadd.f32 v12, v11;
	v12 =	vmul.f32 v14, v5  }
0x281: {  	v14 =	vld [tilespmem:s24+$0xB0]  }
0x282: {  	v11 =	vadd.f32 v12, v11;
	v12 =	vmul.f32 v15, v10  }
0x283: {  	v15 =	vld [tilespmem:s24+$0x130]  }
0x284: {  	v11 =	vadd.f32 v12, v11;
	v12 =	vmul.f32 v13, v8  }
0x285: {  	v13 =	vld [tilespmem:s24+$0x1B0]  }
0x286: {  	v11 =	vadd.f32 v12, v11;
	v12 =	vmul.f32 v14, v1  }
0x287: {  	v14 =	vld [tilespmem:s24+$0x230]  }
0x288: {  	v11 =	vadd.f32 v12, v11;
	v12 =	vmul.f32 v15, v3;
	_ =	sdelay $0x1  }
0x289: {  	v11 =	vadd.f32 v12, v11;
	v12 =	vmul.f32 v13, v4;
	_ =	sdelay $0x1  }
0x28a: {  	v11 =	vadd.f32 v12, v11;
	v12 =	vmul.f32 v14, v2;
	_ =	sdelay $0x1  }
0x28b: {  	v11 =	vadd.f32 v12, v11;
	_ =	sdelay $0x1  }
0x28c: {  	[tilespmem:s25+$0xFFFFFFF0] =	vst v11  }
0x28d: {  	v11 =	vld [tilespmem:s24+$0xFFFFFDC0]  }
0x28e: {  	v12 =	vld [tilespmem:s24+$0xFFFFFE40]  }
0x28f: {  	v13 =	vld [tilespmem:s24+$0xFFFFFEC0];
	_ =	sdelay $0x2  }
0x290: {  	v11 =	vmul.f32 v11, v9;
	v14 =	vld [tilespmem:s24+$0xFFFFFF40]  }
0x291: {  	v12 =	vmul.f32 v12, v7  }
0x292: {  	v13 =	vmul.f32 v13, v6;
	v15 =	vld [tilespmem:s24+$0xFFFFFFC0]  }
0x293: {  	v11 =	vadd.f32 v12, v11  }
0x294: {  	v12 =	vld [tilespmem:s24+$0x40]  }
0x295: {  	v11 =	vadd.f32 v13, v11;
	v13 =	vmul.f32 v14, v5  }
0x296: {  	v14 =	vld [tilespmem:s24+$0xC0]  }
0x297: {  	v11 =	vadd.f32 v13, v11;
	v13 =	vmul.f32 v15, v10  }
0x298: {  	v15 =	vld [tilespmem:s24+$0x140]  }
0x299: {  	v11 =	vadd.f32 v13, v11;
	v12 =	vmul.f32 v12, v8  }
0x29a: {  	v13 =	vld [tilespmem:s24+$0x1C0]  }
0x29b: {  	v11 =	vadd.f32 v12, v11;
	v12 =	vmul.f32 v14, v1  }
0x29c: {  	v14 =	vld [tilespmem:s24+$0x240]  }
0x29d: {  	v11 =	vadd.f32 v12, v11;
	v12 =	vmul.f32 v15, v3;
	_ =	sdelay $0x1  }
0x29e: {  	v11 =	vadd.f32 v12, v11;
	v12 =	vmul.f32 v13, v4;
	_ =	sdelay $0x1  }
0x29f: {  	v11 =	vadd.f32 v12, v11;
	v12 =	vmul.f32 v14, v2;
	_ =	sdelay $0x1  }
0x2a0: {  	v11 =	vadd.f32 v12, v11;
	_ =	sdelay $0x1  }
0x2a1: {  	[tilespmem:s25+$0x0] =	vst v11  }
0x2a2: {  	v11 =	vld [tilespmem:s24+$0xFFFFFDD0]  }
0x2a3: {  	v12 =	vld [tilespmem:s24+$0xFFFFFE50]  }
0x2a4: {  	v13 =	vld [tilespmem:s24+$0xFFFFFED0]  }
0x2a5: {  	v14 =	vld [tilespmem:s24+$0xFFFFFF50]  }
0x2a6: {  	v15 =	vld [tilespmem:s24+$0xFFFFFFD0]  }
0x2a7: {  	v11 =	vmul.f32 v11, v9;
	v16 =	vld [tilespmem:s24+$0x50]  }
0x2a8: {  	v12 =	vmul.f32 v12, v7;
	v17 =	vld [tilespmem:s24+$0xD0]  }
0x2a9: {  	v13 =	vmul.f32 v13, v6;
	v18 =	vld [tilespmem:s24+$0x150]  }
0x2aa: {  	v11 =	vadd.f32 v12, v11;
	v12 =	vmul.f32 v14, v5;
	v14 =	vld [tilespmem:s24+$0x1D0]  }
0x2ab: {  	v15 =	vmul.f32 v15, v10;
	v19 =	vld [tilespmem:s24+$0x250]  }
0x2ac: {  	v11 =	vadd.f32 v13, v11;
	v13 =	vmul.f32 v16, v8  }
0x2ad: {  	v16 =	vmul.f32 v17, v1  }
0x2ae: {  	v11 =	vadd.f32 v12, v11;
	v12 =	vmul.f32 v18, v3  }
0x2af: {  	v14 =	vmul.f32 v14, v4  }
0x2b0: {  	v11 =	vadd.f32 v15, v11;
	v15 =	vmul.f32 v19, v2;
	_ =	sdelay $0x1  }
0x2b1: {  	v11 =	vadd.f32 v13, v11;
	_ =	sdelay $0x1  }
0x2b2: {  	v11 =	vadd.f32 v16, v11;
	_ =	sdelay $0x1  }
0x2b3: {  	v11 =	vadd.f32 v12, v11;
	_ =	sdelay $0x1  }
0x2b4: {  	v11 =	vadd.f32 v14, v11;
	_ =	sdelay $0x1  }
0x2b5: {  	v11 =	vadd.f32 v15, v11;
	_ =	sdelay $0x1  }
0x2b6: {  	[tilespmem:s25+$0x10] =	vst v11  }
0x2b7: {  	v11 =	vld [tilespmem:s24+$0xFFFFFDE0]  }
0x2b8: {  	v12 =	vld [tilespmem:s24+$0xFFFFFE60]  }
0x2b9: {  	v13 =	vld [tilespmem:s24+$0xFFFFFEE0]  }
0x2ba: {  	v14 =	vld [tilespmem:s24+$0xFFFFFF60]  }
0x2bb: {  	v15 =	vld [tilespmem:s24+$0xFFFFFFE0]  }
0x2bc: {  	v11 =	vmul.f32 v11, v9;
	v16 =	vld [tilespmem:s24+$0x60]  }
0x2bd: {  	v12 =	vmul.f32 v12, v7;
	v17 =	vld [tilespmem:s24+$0xE0]  }
0x2be: {  	v13 =	vmul.f32 v13, v6;
	v18 =	vld [tilespmem:s24+$0x160]  }
0x2bf: {  	v11 =	vadd.f32 v12, v11;
	v12 =	vmul.f32 v14, v5;
	v14 =	vld [tilespmem:s24+$0x1E0]  }
0x2c0: {  	v15 =	vmul.f32 v15, v10;
	v19 =	vld [tilespmem:s24+$0x260]  }
0x2c1: {  	v11 =	vadd.f32 v13, v11;
	v13 =	vmul.f32 v16, v8  }
0x2c2: {  	v16 =	vmul.f32 v17, v1  }
0x2c3: {  	v11 =	vadd.f32 v12, v11;
	v12 =	vmul.f32 v18, v3  }
0x2c4: {  	v14 =	vmul.f32 v14, v4  }
0x2c5: {  	v11 =	vadd.f32 v15, v11;
	v15 =	vmul.f32 v19, v2;
	_ =	sdelay $0x1  }
0x2c6: {  	v11 =	vadd.f32 v13, v11;
	_ =	sdelay $0x1  }
0x2c7: {  	v11 =	vadd.f32 v16, v11;
	_ =	sdelay $0x1  }
0x2c8: {  	v11 =	vadd.f32 v12, v11;
	_ =	sdelay $0x1  }
0x2c9: {  	v11 =	vadd.f32 v14, v11;
	_ =	sdelay $0x1  }
0x2ca: {  	v11 =	vadd.f32 v15, v11;
	_ =	sdelay $0x1  }
0x2cb: {  	[tilespmem:s25+$0x20] =	vst v11  }
0x2cc: {  	v11 =	vld [tilespmem:s24+$0xFFFFFDF0]  }
0x2cd: {  	v12 =	vld [tilespmem:s24+$0xFFFFFE70]  }
0x2ce: {  	v13 =	vld [tilespmem:s24+$0xFFFFFEF0]  }
0x2cf: {  	v14 =	vld [tilespmem:s24+$0xFFFFFF70]  }
0x2d0: {  	v15 =	vld [tilespmem:s24+$0xFFFFFFF0]  }
0x2d1: {  	v9 =	vmul.f32 v11, v9;
	v16 =	vld [tilespmem:s24+$0x70]  }
.Ltmp4:
0x2d2: {  	v7 =	vmul.f32 v12, v7;
	v11 =	vld [tilespmem:s24+$0xF0];
	(pc) =	sbr.rel @p0 .LBB2_9-.Ltmp4, $4  }
0x2d3: {  	v13 =	vmul.f32 v13, v6;
	v6 =	vld [tilespmem:s24+$0x170]  }
0x2d4: {  	v17 =	vadd.f32 v7, v9;
	v12 =	vmul.f32 v14, v5;
	v5 =	vld [tilespmem:s24+$0x1F0]  }
0x2d5: {  	v9 =	vmul.f32 v15, v10;
	v7 =	vld [tilespmem:s24+$0x270]  }
0x2d6: {  	v13 =	vadd.f32 v13, v17;
	v8 =	vmul.f32 v16, v8  }
0x2d7: {  	_ = 	snop  }
0x2d8: {  	v0 =	vadd.f32 v12, v13;
	_ =	sdelay $0x1  }
0x2d9: {  	v0 =	vadd.f32 v9, v0;
	_ =	sdelay $0x1  }
0x2da: {  	v1 =	vmul.f32 v11, v1;
	v0 =	vadd.f32 v8, v0;
	_ =	sdelay $0x1  }
0x2db: {  	v3 =	vmul.f32 v6, v3;
	v0 =	vadd.f32 v1, v0;
	_ =	sdelay $0x1  }
0x2dc: {  	v63 =	vmul.f32 v5, v4;
	v0 =	vadd.f32 v3, v0  }
0x2dd: {  	s23 =	smul.u32 $0xC, s23;
	s22 =	sadd.s32 $0x1, s22  }
0x2de: {  	p0 =	sne.s32 s22, $0x76;
	v2 =	vmul.f32 v7, v2;
	v0 =	vadd.f32 v63, v0  }
.Ltmp5:
0x2df: {  	s23 =	sadd.s32 s5, s23;
	(pc) =	sbr.rel @p0 .LBB2_2-.Ltmp5, $4  }
0x2e0: {  	s23 =	sshll.u32 s23, $0x4;
	v0 =	vadd.f32 v2, v0  }
0x2e1: {  	s23 =	sand.u32 $0x1FFFFFC0, s23  }
0x2e2: {  	s20 =	sadd.s32 $0xF0, s20;
	s21 =	sadd.s32 $0xF0, s21;
	s23 =	sadd.s32 s4, s23;
	[tilespmem:s26+$0x30] =	vst v0  }
0x2e3: {  	[hbm4b:s23+s3] =	stream.linear.scatter [tilespmem:s17], [sflag:$0x4], $0x600, $0x38;
	[tilespmem:$0x16900] =	vst v63  }
0x2e4: {  	s19 =	sadd.s32 $0x1, s19  }
0x2e5: {  	_ =	swait.ge [sflag:s18], $0x600;
	p0 =	sne.s32 s19, s8  }
.Ltmp6:
0x2e6: {  	[sflag:s18] =	ssyncset.done $0x0;
	(pc) =	sbr.rel @p0 .LBB2_1-.Ltmp6, $4  }
0x2e7: {  	[sflag:s18] =	ssyncadd.s32 $0xFFFFFA00  }
0x2e8: {  	_ =	swait.ge [sflag:s16], $0x600  }
0x2e9: {  	[sflag:s16] =	ssyncset.done $0x0  }
0x2ea: {  	[sflag:s16] =	ssyncadd.s32 $0xFFFFFA00  }
0x2eb: {  	_ =	sfence.sel $0x180000  }
0x2ec: {  	[bflag:$0x0] =	sbarrier.arrive $0xFFFF  }
0x2ed: {  	p0 =	sne.s32 s0, $0x0;
	_ =	strace $0x90000047  }
0x2ee: {  	s0 =	sadd.s32 @!p0 $0x100000, s1;
	[bflag:$0x2] =	sbarrier.arrive $0xFFFF  }
0x2ef: {  	[sflag:s0] =	ssyncadd.tile.s32 @!p0 $0x1;
	_ =	shalt  }
.Lfunc_end2:
_tile_overlayer_lowered:
.L_overlay_start_2:
0x2f0: {  	(tag) =	ssettag $0x2  }
0x2f1: {  	s0 =	rddreg [dreg:$0x0];
	s2 =	stileid.u32  }
0x2f2: {  	s1 =	rddreg [dreg:$0x1];
	p0 =	sne.s32 s2, $0x0  }
0x2f3: {  	s3 =	rddreg [dreg:$0x2];
	[bflag:$0x3] =	sbarrier.arrive $0xFFFF;
	s2 =	simm.s32 @!p0 $0x1C06  }
0x2f4: {  	[timem:s3], [sflag:s2] =	dma.local @!p0 [hbm:s0], s1  }
0x2f5: {  	s0 =	simm.s32 @!p0 $0x6  }
0x2f6: {  	_ =	swait.ge @!p0 [sflag:s0], s1  }
0x2f7: {  	s1 =	ssub.s32 @!p0 $0x0, s1;
	[sflag:s0] =	ssyncset.done @!p0 $0x0  }
0x2f8: {  	[sflag:s0] =	ssyncadd.s32 @!p0 s1  }
0x2f9: {  	[bflag:$0x3] =	sbarrier.arrive $0xFFFF  }
0x2fa: {  	_ =	shalt  }

</sc_bundles>
